<compile_context>
chip_gen: v7x
topology: tpu7x:2x2x1
jax: 0.10.2.dev20260603
libtpu: 0.0.44.dev20260713+nightly
codegen_flags: <defaults>
</compile_context>

<pallas_src>
import functools

import jax
import jax.numpy as jnp
from jax import lax
from jax.experimental import pallas as pl
from jax.experimental.pallas import tpu as pltpu
from jax.experimental.pallas import tpu_sc as plsc

N_NODES = 10000
D = 128
NPAD = 10240
NC = 2
NS = 16
NW = NC * NS
CHUNK = 128
ROWS_PT = NPAD // NS

_mesh = lambda: plsc.VectorSubcoreMesh(core_axis_name="c", subcore_axis_name="s")


def _sc_degrees(edges4):
    nchunk = edges4.shape[2]

    @functools.partial(
        pl.kernel,
        out_type=jax.ShapeDtypeStruct((NC, 2, NPAD), jnp.float32),
        mesh=_mesh(),
        scratch_types=[
            pltpu.VMEM((nchunk, CHUNK), jnp.int32),
            pltpu.VMEM((nchunk, CHUNK), jnp.int32),
            pltpu.VMEM((CHUNK,), jnp.float32),
            pltpu.VMEM((CHUNK,), jnp.float32),
            pltpu.VMEM_SHARED((NPAD,), jnp.float32),
            pltpu.VMEM_SHARED((NPAD,), jnp.float32),
            pltpu.SemaphoreType.DMA,
        ],
    )
    def k(edges_hbm, out_hbm, si_v, di_v, ones_v, zrow_v, dego_sh, degi_sh,
          sem):
        c = lax.axis_index("c")
        s = lax.axis_index("s")
        wid = s * NC + c
        for i in range(CHUNK // 16):
            ones_v[pl.ds(i * 16, 16)] = jnp.ones((16,), jnp.float32)
            zrow_v[pl.ds(i * 16, 16)] = jnp.zeros((16,), jnp.float32)
        for k2 in range(ROWS_PT // CHUNK):
            off = s * ROWS_PT + k2 * CHUNK
            pltpu.sync_copy(zrow_v, dego_sh.at[pl.ds(off, CHUNK)])
            pltpu.sync_copy(zrow_v, degi_sh.at[pl.ds(off, CHUNK)])
        pltpu.sync_copy(edges_hbm.at[0, wid], si_v)
        pltpu.sync_copy(edges_hbm.at[1, wid], di_v)
        plsc.subcore_barrier()

        def body(j, carry):
            pltpu.async_copy(ones_v, dego_sh.at[si_v.at[j]], sem, add=True)
            pltpu.async_copy(ones_v, degi_sh.at[di_v.at[j]], sem, add=True)
            return carry

        lax.fori_loop(0, nchunk, body, 0)

        def dbody(j, carry):
            pltpu.make_async_copy(ones_v, dego_sh.at[si_v.at[j]], sem).wait()
            pltpu.make_async_copy(ones_v, degi_sh.at[di_v.at[j]], sem).wait()
            return carry

        lax.fori_loop(0, nchunk, dbody, 0)
        plsc.subcore_barrier()
        for k2 in range(ROWS_PT // CHUNK):
            off = s * ROWS_PT + k2 * CHUNK
            pltpu.sync_copy(dego_sh.at[pl.ds(off, CHUNK)],
                            out_hbm.at[c, 0, pl.ds(off, CHUNK)])
            pltpu.sync_copy(degi_sh.at[pl.ds(off, CHUNK)],
                            out_hbm.at[c, 1, pl.ds(off, CHUNK)])

    return k(edges4)


def _sc_propagate(hs, edges4):
    nchunk = edges4.shape[2]

    npass = 2
    assert nchunk % (2 * npass) == 0
    cpp = nchunk // npass

    @functools.partial(
        pl.kernel,
        out_type=jax.ShapeDtypeStruct((NC, NPAD, D), jnp.float32),
        mesh=_mesh(),
        scratch_types=[
            pltpu.VMEM((cpp, CHUNK), jnp.int32),
            pltpu.VMEM((cpp, CHUNK), jnp.int32),
            pltpu.VMEM((CHUNK, D), jnp.float32),
            pltpu.VMEM((CHUNK, D), jnp.float32),
            pltpu.VMEM_SHARED((NPAD, D), jnp.float32),
            pltpu.SemaphoreType.DMA,
            pltpu.SemaphoreType.DMA,
        ],
    )
    def k(hs_hbm, edges_hbm, out_hbm, si_v, di_v, rows0, rows1, acc_sh,
          sem0, sem1):
        c = lax.axis_index("c")
        s = lax.axis_index("s")
        wid = s * NC + c

        def zbody(j, carry):
            for i in range(D // 16):
                rows0[j, pl.ds(i * 16, 16)] = jnp.zeros((16,), jnp.float32)
            return carry

        lax.fori_loop(0, CHUNK, zbody, 0)
        for k2 in range(ROWS_PT // CHUNK):
            off = s * ROWS_PT + k2 * CHUNK
            pltpu.sync_copy(rows0, acc_sh.at[pl.ds(off, CHUNK)])
        plsc.subcore_barrier()

        for p in range(npass):
            pltpu.sync_copy(edges_hbm.at[0, wid, pl.ds(p * cpp, cpp)], si_v)
            pltpu.sync_copy(edges_hbm.at[1, wid, pl.ds(p * cpp, cpp)], di_v)
            pltpu.async_copy(hs_hbm.at[si_v.at[0]], rows0, sem0)

            def body(j2, carry):
                j = 2 * j2
                pltpu.make_async_copy(hs_hbm.at[si_v.at[j]], rows0, sem0).wait()
                pltpu.async_copy(hs_hbm.at[si_v.at[j + 1]], rows1, sem1)
                pltpu.sync_copy(rows0, acc_sh.at[di_v.at[j]], add=True)
                pltpu.make_async_copy(
                    hs_hbm.at[si_v.at[j + 1]], rows1, sem1).wait()
                pltpu.async_copy(hs_hbm.at[si_v.at[j + 2]], rows0, sem0)
                pltpu.sync_copy(rows1, acc_sh.at[di_v.at[j + 1]], add=True)
                return carry

            lax.fori_loop(0, (cpp - 2) // 2, body, 0)
            pltpu.make_async_copy(hs_hbm.at[si_v.at[cpp - 2]], rows0,
                                  sem0).wait()
            pltpu.async_copy(hs_hbm.at[si_v.at[cpp - 1]], rows1, sem1)
            pltpu.sync_copy(rows0, acc_sh.at[di_v.at[cpp - 2]], add=True)
            pltpu.make_async_copy(hs_hbm.at[si_v.at[cpp - 1]], rows1,
                                  sem1).wait()
            pltpu.sync_copy(rows1, acc_sh.at[di_v.at[cpp - 1]], add=True)
        plsc.subcore_barrier()
        for k2 in range(ROWS_PT // CHUNK):
            off = s * ROWS_PT + k2 * CHUNK
            pltpu.sync_copy(acc_sh.at[pl.ds(off, CHUNK)],
                            out_hbm.at[c, pl.ds(off, CHUNK)])

    return k(hs, edges4)


def _tc_sfactor(degp):

    def body(degp_ref, sc_ref):
        dego = degp_ref[0, 0, :] + degp_ref[1, 0, :]
        degi = degp_ref[0, 1, :] + degp_ref[1, 1, :]
        sc_ref[0, :] = lax.rsqrt(jnp.maximum(dego, 1.0))
        sc_ref[1, :] = lax.rsqrt(jnp.maximum(degi, 1.0))

    return pl.pallas_call(
        body, out_shape=jax.ShapeDtypeStruct((2, NPAD), jnp.float32))(degp)


BM = 1280


def _tc_mm0(h, W):

    def body(h_ref, w_ref, o_ref):
        o_ref[...] = jnp.dot(h_ref[...], w_ref[...],
                             preferred_element_type=jnp.float32)

    return pl.pallas_call(
        body,
        grid=(NPAD // BM,),
        in_specs=[
            pl.BlockSpec((BM, D), lambda i: (i, 0)),
            pl.BlockSpec((D, D), lambda i: (0, 0)),
        ],
        out_specs=pl.BlockSpec((BM, D), lambda i: (i, 0)),
        out_shape=jax.ShapeDtypeStruct((NPAD, D), jnp.float32),
    )(h, W)


def _tc_scale0(h, scn):

    def body(h_ref, scn_ref, o_ref):
        o_ref[...] = h_ref[...] * scn_ref[:, 0:1]

    return pl.pallas_call(
        body,
        grid=(NPAD // BM,),
        in_specs=[
            pl.BlockSpec((BM, D), lambda i: (i, 0)),
            pl.BlockSpec((BM, 2), lambda i: (i, 0)),
        ],
        out_specs=pl.BlockSpec((BM, D), lambda i: (i, 0)),
        out_shape=jax.ShapeDtypeStruct((NPAD, D), jnp.float32),
    )(h, scn)


def _tc_mid(P, scn, b0r, W1):

    def body(p_ref, scn_ref, b_ref, w_ref, o_ref):
        agg = p_ref[0] + p_ref[1]
        t = jnp.maximum(agg * scn_ref[:, 1:2] + b_ref[...], 0.0)
        o_ref[...] = jnp.dot(
            t, w_ref[...], preferred_element_type=jnp.float32) * scn_ref[:, 0:1]

    return pl.pallas_call(
        body,
        grid=(NPAD // BM,),
        in_specs=[
            pl.BlockSpec((NC, BM, D), lambda i: (0, i, 0)),
            pl.BlockSpec((BM, 2), lambda i: (i, 0)),
            pl.BlockSpec((1, D), lambda i: (0, 0)),
            pl.BlockSpec((D, D), lambda i: (0, 0)),
        ],
        out_specs=pl.BlockSpec((BM, D), lambda i: (i, 0)),
        out_shape=jax.ShapeDtypeStruct((NPAD, D), jnp.float32),
    )(P, scn, b0r, W1)


BMF = 1000


def _tc_final(P, scn, b1r):

    def body(p_ref, scn_ref, b_ref, o_ref):
        o_ref[...] = (p_ref[0] + p_ref[1]) * scn_ref[:, 1:2] + b_ref[...]

    return pl.pallas_call(
        body,
        grid=(N_NODES // BMF,),
        in_specs=[
            pl.BlockSpec((NC, BMF, D), lambda i: (0, i, 0)),
            pl.BlockSpec((BMF, 2), lambda i: (i, 0)),
            pl.BlockSpec((1, D), lambda i: (0, 0)),
        ],
        out_specs=pl.BlockSpec((BMF, D), lambda i: (i, 0)),
        out_shape=jax.ShapeDtypeStruct((N_NODES, D), jnp.float32),
    )(P, scn, b1r)


def kernel(x, edge_index, W0, b0, W1, b1):
    n, E = x.shape[0], edge_index.shape[1]
    nchunk = -(-E // (NW * CHUNK))
    nchunk += nchunk % 2
    epad = NW * nchunk * CHUNK - E
    fill = N_NODES + jnp.arange(epad, dtype=jnp.int32) % (NPAD - N_NODES)
    fill2 = jnp.broadcast_to(fill, (2, epad))
    edges4 = jnp.concatenate([edge_index, fill2], axis=1).reshape(
        2, NW, nchunk, CHUNK)
    xp = jnp.pad(x, ((0, NPAD - n), (0, 0)))

    degp = _sc_degrees(edges4)
    h0 = _tc_mm0(xp, W0)
    scn = _tc_sfactor(degp).T
    b0r = b0.reshape(1, D)
    b1r = b1.reshape(1, D)

    hs0 = _tc_scale0(h0, scn)
    P0 = _sc_propagate(hs0, edges4)
    hs1 = _tc_mid(P0, scn, b0r, W1)
    P1 = _sc_propagate(hs1, edges4)
    return _tc_final(P1, scn, b1r)

# --- scband reference (transcript-rebuilt; emitter-appended) ---
"""Pipeline reference for scband-create-22187801051626 (READ-ONLY COPY).

The authoritative reference and input builder live on the scoring server;
editing this copy changes nothing except your own understanding.
"""

import jax, jax.numpy as jnp
import numpy as np

N = 10000
E = 320000
D_IN = 128
D_HID = 128
D_OUT = 128


def setup_inputs(seed: int = 0) -> dict:
    key = jax.random.key(seed)
    k1, k2, k3, k4 = jax.random.split(key, 4)
    x = jax.random.normal(k1, (N, D_IN), dtype=jnp.float32)
    edge_index = jax.random.randint(k2, (2, E), 0, N, dtype=jnp.int32)
    W0 = jax.random.normal(k3, (D_IN, D_HID), dtype=jnp.float32) * (1.0 / np.sqrt(D_IN))
    b0 = jnp.zeros((D_HID,), dtype=jnp.float32)
    W1 = jax.random.normal(k4, (D_HID, D_OUT), dtype=jnp.float32) * (1.0 / np.sqrt(D_HID))
    b1 = jnp.zeros((D_OUT,), dtype=jnp.float32)
    return {"x": x, "edge_index": edge_index, "W0": W0, "b0": b0, "W1": W1, "b1": b1}


def _gconv(x, edge_index, W, b):
    # GCN-style graph convolution: out = D^{-1/2} A D^{-1/2} (x W) + b
    src = edge_index[0]
    dst = edge_index[1]
    n = x.shape[0]
    h = x @ W
    ones = jnp.ones((edge_index.shape[1],), dtype=x.dtype)
    deg_out = jnp.zeros((n,), dtype=x.dtype).at[src].add(ones)
    deg_in = jnp.zeros((n,), dtype=x.dtype).at[dst].add(ones)
    deg_out = jnp.clip(deg_out, 1.0, None)
    deg_in = jnp.clip(deg_in, 1.0, None)
    norm = jax.lax.rsqrt(deg_out[src] * deg_in[dst])
    msg = h[src] * norm[:, None]
    agg = jnp.zeros((n, W.shape[1]), dtype=x.dtype).at[dst].add(msg)
    return agg + b


def reference(x, edge_index, W0, b0, W1, b1):
    # Flatten (no-op for 2D node features)
    x = x.reshape(x.shape[0], -1)
    h = _gconv(x, edge_index, W0, b0)
    h = jax.nn.relu(h)
    out = _gconv(h, edge_index, W1, b1)
    return out

if __name__ == "__main__":
    import jax
    _d = setup_inputs()
    print(jax.jit(kernel)(*tuple(_d.values())))

</pallas_src>

<mosaic_0001>
#map = affine_map<(d0, d1) -> (0, 0)>
#map1 = affine_map<(d0, d1) -> (0, 0, 0, 0)>
#map2 = affine_map<(d0, d1) -> (0, 0, 0)>
module attributes {stable_mosaic.version = 14 : i64} {
  func.func @k(%arg0: i32, %arg1: i32, %arg2: memref<10240x128xf32, #tpu.memory_space<hbm>>, %arg3: memref<2x32x80x128xi32, #tpu.memory_space<hbm>>, %arg4: memref<2x10240x128xf32, #tpu.memory_space<hbm>>, %arg5: memref<40x128xi32, #tpu.memory_space<vmem>>, %arg6: memref<40x128xi32, #tpu.memory_space<vmem>>, %arg7: memref<128x128xf32, #tpu.memory_space<vmem>>, %arg8: memref<128x128xf32, #tpu.memory_space<vmem>>, %arg9: memref<10240x128xf32, #tpu.memory_space<vmem_shared>>, %arg10: memref<!tpu.dma_semaphore, #tpu.memory_space<semaphore_mem>>, %arg11: memref<!tpu.dma_semaphore, #tpu.memory_space<semaphore_mem>>) attributes {dimension_semantics = [#tpu.dimension_semantics<core_parallel>, #tpu.dimension_semantics<subcore_parallel>], iteration_bounds = array<i64: 2, 16>, scalar_prefetch = 0 : i64, scratch_operands = 7 : i64, tpu.core_type = #tpu.core_type<sc_vector_subcore>, window_params = [{transform_indices = #map}, {transform_indices = #map1}, {transform_indices = #map2}]} {
    %mul3A = arith.constant 2 : i32
    %mul3A_0 = arith.muli %arg1, %mul3A : i32
    %add3A = arith.addi %mul3A_0, %arg0 : i32
    %scan3A = arith.constant 0 : i32
    %scan3A_1 = arith.constant 0 : i32
    %scan3A_2 = arith.constant 128 : i32
    %scan3A_3 = arith.addi %scan3A_1, %scan3A_2 : i32
    %scan3A_4 = arith.constant 1 : i32
    scf.for %scan3A_120 = %scan3A_1 to %scan3A_3 step %scan3A_4  : i32 {
      %broadcast_in_dim3A = arith.constant 0.000000e+00 : f32
      %broadcast_in_dim3A_121 = vector.broadcast %broadcast_in_dim3A : f32 to vector<16xf32>
      %swap3A = arith.index_cast %scan3A_120 : i32 to index
      %swap3A_122 = arith.constant 0 : index
      %swap3A_123 = tpu.vector_load %arg7[%swap3A, %swap3A_122] {strides = array<i32>} : memref<128x128xf32, #tpu.memory_space<vmem>>, vector<1x16xf32>,
      %swap3A_124 = vector.shape_cast %swap3A_123 : vector<1x16xf32> to vector<16xf32>
      %swap3A_125 = vector.shape_cast %broadcast_in_dim3A_121 : vector<16xf32> to vector<1x16xf32>
      tpu.vector_store %arg7[%swap3A, %swap3A_122], %swap3A_125 {strides = array<i32>} : memref<128x128xf32, #tpu.memory_space<vmem>>, vector<1x16xf32>,
      %broadcast_in_dim3A_126 = arith.constant 0.000000e+00 : f32
      %broadcast_in_dim3A_127 = vector.broadcast %broadcast_in_dim3A_126 : f32 to vector<16xf32>
      %swap3A_128 = arith.index_cast %scan3A_120 : i32 to index
      %swap3A_129 = arith.constant 16 : index
      %swap3A_130 = tpu.vector_load %arg7[%swap3A_128, %swap3A_129] {strides = array<i32>} : memref<128x128xf32, #tpu.memory_space<vmem>>, vector<1x16xf32>,
      %swap3A_131 = vector.shape_cast %swap3A_130 : vector<1x16xf32> to vector<16xf32>
      %swap3A_132 = vector.shape_cast %broadcast_in_dim3A_127 : vector<16xf32> to vector<1x16xf32>
      tpu.vector_store %arg7[%swap3A_128, %swap3A_129], %swap3A_132 {strides = array<i32>} : memref<128x128xf32, #tpu.memory_space<vmem>>, vector<1x16xf32>,
      %broadcast_in_dim3A_133 = arith.constant 0.000000e+00 : f32
      %broadcast_in_dim3A_134 = vector.broadcast %broadcast_in_dim3A_133 : f32 to vector<16xf32>
      %swap3A_135 = arith.index_cast %scan3A_120 : i32 to index
      %swap3A_136 = arith.constant 32 : index
      %swap3A_137 = tpu.vector_load %arg7[%swap3A_135, %swap3A_136] {strides = array<i32>} : memref<128x128xf32, #tpu.memory_space<vmem>>, vector<1x16xf32>,
      %swap3A_138 = vector.shape_cast %swap3A_137 : vector<1x16xf32> to vector<16xf32>
      %swap3A_139 = vector.shape_cast %broadcast_in_dim3A_134 : vector<16xf32> to vector<1x16xf32>
      tpu.vector_store %arg7[%swap3A_135, %swap3A_136], %swap3A_139 {strides = array<i32>} : memref<128x128xf32, #tpu.memory_space<vmem>>, vector<1x16xf32>,
      %broadcast_in_dim3A_140 = arith.constant 0.000000e+00 : f32
      %broadcast_in_dim3A_141 = vector.broadcast %broadcast_in_dim3A_140 : f32 to vector<16xf32>
      %swap3A_142 = arith.index_cast %scan3A_120 : i32 to index
      %swap3A_143 = arith.constant 48 : index
      %swap3A_144 = tpu.vector_load %arg7[%swap3A_142, %swap3A_143] {strides = array<i32>} : memref<128x128xf32, #tpu.memory_space<vmem>>, vector<1x16xf32>,
      %swap3A_145 = vector.shape_cast %swap3A_144 : vector<1x16xf32> to vector<16xf32>
      %swap3A_146 = vector.shape_cast %broadcast_in_dim3A_141 : vector<16xf32> to vector<1x16xf32>
      tpu.vector_store %arg7[%swap3A_142, %swap3A_143], %swap3A_146 {strides = array<i32>} : memref<128x128xf32, #tpu.memory_space<vmem>>, vector<1x16xf32>,
      %broadcast_in_dim3A_147 = arith.constant 0.000000e+00 : f32
      %broadcast_in_dim3A_148 = vector.broadcast %broadcast_in_dim3A_147 : f32 to vector<16xf32>
      %swap3A_149 = arith.index_cast %scan3A_120 : i32 to index
      %swap3A_150 = arith.constant 64 : index
      %swap3A_151 = tpu.vector_load %arg7[%swap3A_149, %swap3A_150] {strides = array<i32>} : memref<128x128xf32, #tpu.memory_space<vmem>>, vector<1x16xf32>,
      %swap3A_152 = vector.shape_cast %swap3A_151 : vector<1x16xf32> to vector<16xf32>
      %swap3A_153 = vector.shape_cast %broadcast_in_dim3A_148 : vector<16xf32> to vector<1x16xf32>
      tpu.vector_store %arg7[%swap3A_149, %swap3A_150], %swap3A_153 {strides = array<i32>} : memref<128x128xf32, #tpu.memory_space<vmem>>, vector<1x16xf32>,
      %broadcast_in_dim3A_154 = arith.constant 0.000000e+00 : f32
      %broadcast_in_dim3A_155 = vector.broadcast %broadcast_in_dim3A_154 : f32 to vector<16xf32>
      %swap3A_156 = arith.index_cast %scan3A_120 : i32 to index
      %swap3A_157 = arith.constant 80 : index
      %swap3A_158 = tpu.vector_load %arg7[%swap3A_156, %swap3A_157] {strides = array<i32>} : memref<128x128xf32, #tpu.memory_space<vmem>>, vector<1x16xf32>,
      %swap3A_159 = vector.shape_cast %swap3A_158 : vector<1x16xf32> to vector<16xf32>
      %swap3A_160 = vector.shape_cast %broadcast_in_dim3A_155 : vector<16xf32> to vector<1x16xf32>
      tpu.vector_store %arg7[%swap3A_156, %swap3A_157], %swap3A_160 {strides = array<i32>} : memref<128x128xf32, #tpu.memory_space<vmem>>, vector<1x16xf32>,
      %broadcast_in_dim3A_161 = arith.constant 0.000000e+00 : f32
      %broadcast_in_dim3A_162 = vector.broadcast %broadcast_in_dim3A_161 : f32 to vector<16xf32>
      %swap3A_163 = arith.index_cast %scan3A_120 : i32 to index
      %swap3A_164 = arith.constant 96 : index
      %swap3A_165 = tpu.vector_load %arg7[%swap3A_163, %swap3A_164] {strides = array<i32>} : memref<128x128xf32, #tpu.memory_space<vmem>>, vector<1x16xf32>,
      %swap3A_166 = vector.shape_cast %swap3A_165 : vector<1x16xf32> to vector<16xf32>
      %swap3A_167 = vector.shape_cast %broadcast_in_dim3A_162 : vector<16xf32> to vector<1x16xf32>
      tpu.vector_store %arg7[%swap3A_163, %swap3A_164], %swap3A_167 {strides = array<i32>} : memref<128x128xf32, #tpu.memory_space<vmem>>, vector<1x16xf32>,
      %broadcast_in_dim3A_168 = arith.constant 0.000000e+00 : f32
      %broadcast_in_dim3A_169 = vector.broadcast %broadcast_in_dim3A_168 : f32 to vector<16xf32>
      %swap3A_170 = arith.index_cast %scan3A_120 : i32 to index
      %swap3A_171 = arith.constant 112 : index
      %swap3A_172 = tpu.vector_load %arg7[%swap3A_170, %swap3A_171] {strides = array<i32>} : memref<128x128xf32, #tpu.memory_space<vmem>>, vector<1x16xf32>,
      %swap3A_173 = vector.shape_cast %swap3A_172 : vector<1x16xf32> to vector<16xf32>
      %swap3A_174 = vector.shape_cast %broadcast_in_dim3A_169 : vector<16xf32> to vector<1x16xf32>
      tpu.vector_store %arg7[%swap3A_170, %swap3A_171], %swap3A_174 {strides = array<i32>} : memref<128x128xf32, #tpu.memory_space<vmem>>, vector<1x16xf32>,
    }
    %scan3A_5 = arith.constant 128 : i32
    %mul3A_6 = arith.constant 640 : i32
    %mul3A_7 = arith.muli %arg1, %mul3A_6 : i32
    %add3A_8 = arith.constant 0 : i32
    %add3A_9 = arith.addi %mul3A_7, %add3A_8 : i32
    "tpu.region"() ({
      %run_scoped3A_120 = tpu.sem_alloc : memref<!tpu.dma_semaphore, #tpu.memory_space<semaphore_mem>>
      %dma_start3A_121 = arith.constant 0 : i32
      %dma_start3A_122 = tpu.memref_slice %arg9[%add3A_9, %dma_start3A_121] : memref<10240x128xf32, #tpu.memory_space<vmem_shared>> -> memref<128x128xf32, #tpu.memory_space<vmem_shared>>
      %dma_start3A_123 = arith.constant 0 : i32
      %dma_start3A_124 = tpu.memref_slice %arg9[%add3A_9, %dma_start3A_123] : memref<10240x128xf32, #tpu.memory_space<vmem_shared>> -> memref<128x128xf32, #tpu.memory_space<vmem_shared>>
      tpu.enqueue_dma source(%arg7 : memref<128x128xf32, #tpu.memory_space<vmem>>) target(%dma_start3A_124 : memref<128x128xf32, #tpu.memory_space<vmem_shared>>) target_semaphore(%run_scoped3A_120 : memref<!tpu.dma_semaphore, #tpu.memory_space<semaphore_mem>>)
      %dma_wait3A_125 = arith.constant 0 : i32
      %dma_wait3A_126 = tpu.memref_slice %arg9[%add3A_9, %dma_wait3A_125] : memref<10240x128xf32, #tpu.memory_space<vmem_shared>> -> memref<128x128xf32, #tpu.memory_space<vmem_shared>>
      %dma_wait3A_127 = arith.constant 0 : i32
      %dma_wait3A_128 = tpu.memref_slice %arg9[%add3A_9, %dma_wait3A_127] : memref<10240x128xf32, #tpu.memory_space<vmem_shared>> -> memref<128x128xf32, #tpu.memory_space<vmem_shared>>
      tpu.wait_dma2 semaphore(%run_scoped3A_120 : memref<!tpu.dma_semaphore, #tpu.memory_space<semaphore_mem>>) src(%arg7 : memref<128x128xf32, #tpu.memory_space<vmem>>) dst(%dma_wait3A_128 : memref<128x128xf32, #tpu.memory_space<vmem_shared>>)
      tpu.yield
    }) : () -> ()
    %mul3A_10 = arith.constant 640 : i32
    %mul3A_11 = arith.muli %arg1, %mul3A_10 : i32
    %add3A_12 = arith.constant 128 : i32
    %add3A_13 = arith.addi %mul3A_11, %add3A_12 : i32
    "tpu.region"() ({
      %run_scoped3A_120 = tpu.sem_alloc : memref<!tpu.dma_semaphore, #tpu.memory_space<semaphore_mem>>
      %dma_start3A_121 = arith.constant 0 : i32
      %dma_start3A_122 = tpu.memref_slice %arg9[%add3A_13, %dma_start3A_121] : memref<10240x128xf32, #tpu.memory_space<vmem_shared>> -> memref<128x128xf32, #tpu.memory_space<vmem_shared>>
      %dma_start3A_123 = arith.constant 0 : i32
      %dma_start3A_124 = tpu.memref_slice %arg9[%add3A_13, %dma_start3A_123] : memref<10240x128xf32, #tpu.memory_space<vmem_shared>> -> memref<128x128xf32, #tpu.memory_space<vmem_shared>>
      tpu.enqueue_dma source(%arg7 : memref<128x128xf32, #tpu.memory_space<vmem>>) target(%dma_start3A_124 : memref<128x128xf32, #tpu.memory_space<vmem_shared>>) target_semaphore(%run_scoped3A_120 : memref<!tpu.dma_semaphore, #tpu.memory_space<semaphore_mem>>)
      %dma_wait3A_125 = arith.constant 0 : i32
      %dma_wait3A_126 = tpu.memref_slice %arg9[%add3A_13, %dma_wait3A_125] : memref<10240x128xf32, #tpu.memory_space<vmem_shared>> -> memref<128x128xf32, #tpu.memory_space<vmem_shared>>
      %dma_wait3A_127 = arith.constant 0 : i32
      %dma_wait3A_128 = tpu.memref_slice %arg9[%add3A_13, %dma_wait3A_127] : memref<10240x128xf32, #tpu.memory_space<vmem_shared>> -> memref<128x128xf32, #tpu.memory_space<vmem_shared>>
      tpu.wait_dma2 semaphore(%run_scoped3A_120 : memref<!tpu.dma_semaphore, #tpu.memory_space<semaphore_mem>>) src(%arg7 : memref<128x128xf32, #tpu.memory_space<vmem>>) dst(%dma_wait3A_128 : memref<128x128xf32, #tpu.memory_space<vmem_shared>>)
      tpu.yield
    }) : () -> ()
    %mul3A_14 = arith.constant 640 : i32
    %mul3A_15 = arith.muli %arg1, %mul3A_14 : i32
    %add3A_16 = arith.constant 256 : i32
    %add3A_17 = arith.addi %mul3A_15, %add3A_16 : i32
    "tpu.region"() ({
      %run_scoped3A_120 = tpu.sem_alloc : memref<!tpu.dma_semaphore, #tpu.memory_space<semaphore_mem>>
      %dma_start3A_121 = arith.constant 0 : i32
      %dma_start3A_122 = tpu.memref_slice %arg9[%add3A_17, %dma_start3A_121] : memref<10240x128xf32, #tpu.memory_space<vmem_shared>> -> memref<128x128xf32, #tpu.memory_space<vmem_shared>>
      %dma_start3A_123 = arith.constant 0 : i32
      %dma_start3A_124 = tpu.memref_slice %arg9[%add3A_17, %dma_start3A_123] : memref<10240x128xf32, #tpu.memory_space<vmem_shared>> -> memref<128x128xf32, #tpu.memory_space<vmem_shared>>
      tpu.enqueue_dma source(%arg7 : memref<128x128xf32, #tpu.memory_space<vmem>>) target(%dma_start3A_124 : memref<128x128xf32, #tpu.memory_space<vmem_shared>>) target_semaphore(%run_scoped3A_120 : memref<!tpu.dma_semaphore, #tpu.memory_space<semaphore_mem>>)
      %dma_wait3A_125 = arith.constant 0 : i32
      %dma_wait3A_126 = tpu.memref_slice %arg9[%add3A_17, %dma_wait3A_125] : memref<10240x128xf32, #tpu.memory_space<vmem_shared>> -> memref<128x128xf32, #tpu.memory_space<vmem_shared>>
      %dma_wait3A_127 = arith.constant 0 : i32
      %dma_wait3A_128 = tpu.memref_slice %arg9[%add3A_17, %dma_wait3A_127] : memref<10240x128xf32, #tpu.memory_space<vmem_shared>> -> memref<128x128xf32, #tpu.memory_space<vmem_shared>>
      tpu.wait_dma2 semaphore(%run_scoped3A_120 : memref<!tpu.dma_semaphore, #tpu.memory_space<semaphore_mem>>) src(%arg7 : memref<128x128xf32, #tpu.memory_space<vmem>>) dst(%dma_wait3A_128 : memref<128x128xf32, #tpu.memory_space<vmem_shared>>)
      tpu.yield
    }) : () -> ()
    %mul3A_18 = arith.constant 640 : i32
    %mul3A_19 = arith.muli %arg1, %mul3A_18 : i32
    %add3A_20 = arith.constant 384 : i32
    %add3A_21 = arith.addi %mul3A_19, %add3A_20 : i32
    "tpu.region"() ({
      %run_scoped3A_120 = tpu.sem_alloc : memref<!tpu.dma_semaphore, #tpu.memory_space<semaphore_mem>>
      %dma_start3A_121 = arith.constant 0 : i32
      %dma_start3A_122 = tpu.memref_slice %arg9[%add3A_21, %dma_start3A_121] : memref<10240x128xf32, #tpu.memory_space<vmem_shared>> -> memref<128x128xf32, #tpu.memory_space<vmem_shared>>
      %dma_start3A_123 = arith.constant 0 : i32
      %dma_start3A_124 = tpu.memref_slice %arg9[%add3A_21, %dma_start3A_123] : memref<10240x128xf32, #tpu.memory_space<vmem_shared>> -> memref<128x128xf32, #tpu.memory_space<vmem_shared>>
      tpu.enqueue_dma source(%arg7 : memref<128x128xf32, #tpu.memory_space<vmem>>) target(%dma_start3A_124 : memref<128x128xf32, #tpu.memory_space<vmem_shared>>) target_semaphore(%run_scoped3A_120 : memref<!tpu.dma_semaphore, #tpu.memory_space<semaphore_mem>>)
      %dma_wait3A_125 = arith.constant 0 : i32
      %dma_wait3A_126 = tpu.memref_slice %arg9[%add3A_21, %dma_wait3A_125] : memref<10240x128xf32, #tpu.memory_space<vmem_shared>> -> memref<128x128xf32, #tpu.memory_space<vmem_shared>>
      %dma_wait3A_127 = arith.constant 0 : i32
      %dma_wait3A_128 = tpu.memref_slice %arg9[%add3A_21, %dma_wait3A_127] : memref<10240x128xf32, #tpu.memory_space<vmem_shared>> -> memref<128x128xf32, #tpu.memory_space<vmem_shared>>
      tpu.wait_dma2 semaphore(%run_scoped3A_120 : memref<!tpu.dma_semaphore, #tpu.memory_space<semaphore_mem>>) src(%arg7 : memref<128x128xf32, #tpu.memory_space<vmem>>) dst(%dma_wait3A_128 : memref<128x128xf32, #tpu.memory_space<vmem_shared>>)
      tpu.yield
    }) : () -> ()
    %mul3A_22 = arith.constant 640 : i32
    %mul3A_23 = arith.muli %arg1, %mul3A_22 : i32
    %add3A_24 = arith.constant 512 : i32
    %add3A_25 = arith.addi %mul3A_23, %add3A_24 : i32
    "tpu.region"() ({
      %run_scoped3A_120 = tpu.sem_alloc : memref<!tpu.dma_semaphore, #tpu.memory_space<semaphore_mem>>
      %dma_start3A_121 = arith.constant 0 : i32
      %dma_start3A_122 = tpu.memref_slice %arg9[%add3A_25, %dma_start3A_121] : memref<10240x128xf32, #tpu.memory_space<vmem_shared>> -> memref<128x128xf32, #tpu.memory_space<vmem_shared>>
      %dma_start3A_123 = arith.constant 0 : i32
      %dma_start3A_124 = tpu.memref_slice %arg9[%add3A_25, %dma_start3A_123] : memref<10240x128xf32, #tpu.memory_space<vmem_shared>> -> memref<128x128xf32, #tpu.memory_space<vmem_shared>>
      tpu.enqueue_dma source(%arg7 : memref<128x128xf32, #tpu.memory_space<vmem>>) target(%dma_start3A_124 : memref<128x128xf32, #tpu.memory_space<vmem_shared>>) target_semaphore(%run_scoped3A_120 : memref<!tpu.dma_semaphore, #tpu.memory_space<semaphore_mem>>)
      %dma_wait3A_125 = arith.constant 0 : i32
      %dma_wait3A_126 = tpu.memref_slice %arg9[%add3A_25, %dma_wait3A_125] : memref<10240x128xf32, #tpu.memory_space<vmem_shared>> -> memref<128x128xf32, #tpu.memory_space<vmem_shared>>
      %dma_wait3A_127 = arith.constant 0 : i32
      %dma_wait3A_128 = tpu.memref_slice %arg9[%add3A_25, %dma_wait3A_127] : memref<10240x128xf32, #tpu.memory_space<vmem_shared>> -> memref<128x128xf32, #tpu.memory_space<vmem_shared>>
      tpu.wait_dma2 semaphore(%run_scoped3A_120 : memref<!tpu.dma_semaphore, #tpu.memory_space<semaphore_mem>>) src(%arg7 : memref<128x128xf32, #tpu.memory_space<vmem>>) dst(%dma_wait3A_128 : memref<128x128xf32, #tpu.memory_space<vmem_shared>>)
      tpu.yield
    }) : () -> ()
    %barrier3A = arith.constant 0 : index
    tpu.barrier barrier_id(%barrier3A)
    %run_scoped3A = arith.constant 0 : i32
    "tpu.region"() ({
      %run_scoped3A_120 = tpu.sem_alloc : memref<!tpu.dma_semaphore, #tpu.memory_space<semaphore_mem>>
      %dma_start3A_121 = arith.constant 0 : i32
      %dma_start3A_122 = arith.constant 0 : i32
      %dma_start3A_123 = tpu.memref_slice %arg3[%run_scoped3A, %add3A, %dma_start3A_121, %dma_start3A_122] : memref<2x32x80x128xi32, #tpu.memory_space<hbm>> -> memref<1x1x40x128xi32, #tpu.memory_space<hbm>>
      %dma_start3A_124 = tpu.memref_squeeze %dma_start3A_123 : memref<1x1x40x128xi32, #tpu.memory_space<hbm>> -> memref<40x128xi32, #tpu.memory_space<hbm>>
      %dma_start3A_125 = arith.constant 0 : i32
      %dma_start3A_126 = arith.constant 0 : i32
      %dma_start3A_127 = tpu.memref_slice %arg3[%run_scoped3A, %add3A, %dma_start3A_125, %dma_start3A_126] : memref<2x32x80x128xi32, #tpu.memory_space<hbm>> -> memref<1x1x40x128xi32, #tpu.memory_space<hbm>>
      %dma_start3A_128 = tpu.memref_squeeze %dma_start3A_127 : memref<1x1x40x128xi32, #tpu.memory_space<hbm>> -> memref<40x128xi32, #tpu.memory_space<hbm>>
      tpu.enqueue_dma source(%dma_start3A_128 : memref<40x128xi32, #tpu.memory_space<hbm>>) target(%arg5 : memref<40x128xi32, #tpu.memory_space<vmem>>) target_semaphore(%run_scoped3A_120 : memref<!tpu.dma_semaphore, #tpu.memory_space<semaphore_mem>>)
      %dma_wait3A_129 = arith.constant 0 : i32
      %dma_wait3A_130 = arith.constant 0 : i32
      %dma_wait3A_131 = tpu.memref_slice %arg3[%run_scoped3A, %add3A, %dma_wait3A_129, %dma_wait3A_130] : memref<2x32x80x128xi32, #tpu.memory_space<hbm>> -> memref<1x1x40x128xi32, #tpu.memory_space<hbm>>
      %dma_wait3A_132 = tpu.memref_squeeze %dma_wait3A_131 : memref<1x1x40x128xi32, #tpu.memory_space<hbm>> -> memref<40x128xi32, #tpu.memory_space<hbm>>
      %dma_wait3A_133 = arith.constant 0 : i32
      %dma_wait3A_134 = arith.constant 0 : i32
      %dma_wait3A_135 = tpu.memref_slice %arg3[%run_scoped3A, %add3A, %dma_wait3A_133, %dma_wait3A_134] : memref<2x32x80x128xi32, #tpu.memory_space<hbm>> -> memref<1x1x40x128xi32, #tpu.memory_space<hbm>>
      %dma_wait3A_136 = tpu.memref_squeeze %dma_wait3A_135 : memref<1x1x40x128xi32, #tpu.memory_space<hbm>> -> memref<40x128xi32, #tpu.memory_space<hbm>>
      tpu.wait_dma2 semaphore(%run_scoped3A_120 : memref<!tpu.dma_semaphore, #tpu.memory_space<semaphore_mem>>) src(%dma_wait3A_136 : memref<40x128xi32, #tpu.memory_space<hbm>>) dst(%arg5 : memref<40x128xi32, #tpu.memory_space<vmem>>)
      tpu.yield
    }) : () -> ()
    %run_scoped3A_26 = arith.constant 1 : i32
    "tpu.region"() ({
      %run_scoped3A_120 = tpu.sem_alloc : memref<!tpu.dma_semaphore, #tpu.memory_space<semaphore_mem>>
      %dma_start3A_121 = arith.constant 0 : i32
      %dma_start3A_122 = arith.constant 0 : i32
      %dma_start3A_123 = tpu.memref_slice %arg3[%run_scoped3A_26, %add3A, %dma_start3A_121, %dma_start3A_122] : memref<2x32x80x128xi32, #tpu.memory_space<hbm>> -> memref<1x1x40x128xi32, #tpu.memory_space<hbm>>
      %dma_start3A_124 = tpu.memref_squeeze %dma_start3A_123 : memref<1x1x40x128xi32, #tpu.memory_space<hbm>> -> memref<40x128xi32, #tpu.memory_space<hbm>>
      %dma_start3A_125 = arith.constant 0 : i32
      %dma_start3A_126 = arith.constant 0 : i32
      %dma_start3A_127 = tpu.memref_slice %arg3[%run_scoped3A_26, %add3A, %dma_start3A_125, %dma_start3A_126] : memref<2x32x80x128xi32, #tpu.memory_space<hbm>> -> memref<1x1x40x128xi32, #tpu.memory_space<hbm>>
      %dma_start3A_128 = tpu.memref_squeeze %dma_start3A_127 : memref<1x1x40x128xi32, #tpu.memory_space<hbm>> -> memref<40x128xi32, #tpu.memory_space<hbm>>
      tpu.enqueue_dma source(%dma_start3A_128 : memref<40x128xi32, #tpu.memory_space<hbm>>) target(%arg6 : memref<40x128xi32, #tpu.memory_space<vmem>>) target_semaphore(%run_scoped3A_120 : memref<!tpu.dma_semaphore, #tpu.memory_space<semaphore_mem>>)
      %dma_wait3A_129 = arith.constant 0 : i32
      %dma_wait3A_130 = arith.constant 0 : i32
      %dma_wait3A_131 = tpu.memref_slice %arg3[%run_scoped3A_26, %add3A, %dma_wait3A_129, %dma_wait3A_130] : memref<2x32x80x128xi32, #tpu.memory_space<hbm>> -> memref<1x1x40x128xi32, #tpu.memory_space<hbm>>
      %dma_wait3A_132 = tpu.memref_squeeze %dma_wait3A_131 : memref<1x1x40x128xi32, #tpu.memory_space<hbm>> -> memref<40x128xi32, #tpu.memory_space<hbm>>
      %dma_wait3A_133 = arith.constant 0 : i32
      %dma_wait3A_134 = arith.constant 0 : i32
      %dma_wait3A_135 = tpu.memref_slice %arg3[%run_scoped3A_26, %add3A, %dma_wait3A_133, %dma_wait3A_134] : memref<2x32x80x128xi32, #tpu.memory_space<hbm>> -> memref<1x1x40x128xi32, #tpu.memory_space<hbm>>
      %dma_wait3A_136 = tpu.memref_squeeze %dma_wait3A_135 : memref<1x1x40x128xi32, #tpu.memory_space<hbm>> -> memref<40x128xi32, #tpu.memory_space<hbm>>
      tpu.wait_dma2 semaphore(%run_scoped3A_120 : memref<!tpu.dma_semaphore, #tpu.memory_space<semaphore_mem>>) src(%dma_wait3A_136 : memref<40x128xi32, #tpu.memory_space<hbm>>) dst(%arg6 : memref<40x128xi32, #tpu.memory_space<vmem>>)
      tpu.yield
    }) : () -> ()
    %dma_start3A = arith.constant 0 : i32
    %dma_start3A_27 = arith.constant 0 : i32
    %dma_start3A_28 = tpu.memref_slice %arg5[%dma_start3A, %dma_start3A_27] : memref<40x128xi32, #tpu.memory_space<vmem>> -> memref<1x128xi32, #tpu.memory_space<vmem>>
    %dma_start3A_29 = tpu.memref_squeeze %dma_start3A_28 : memref<1x128xi32, #tpu.memory_space<vmem>> -> memref<128xi32, #tpu.memory_space<vmem>>
    %dma_start3A_30 = arith.constant 0 : i32
    %dma_start3A_31 = arith.constant 0 : i32
    %dma_start3A_32 = tpu.memref_slice %arg2[%dma_start3A_30, %dma_start3A_31] : memref<10240x128xf32, #tpu.memory_space<hbm>> -> memref<10240x128xf32, #tpu.memory_space<hbm>>
    tpu.enqueue_indirect_dma source(%dma_start3A_32 : memref<10240x128xf32, #tpu.memory_space<hbm>>) target(%arg7 : memref<128x128xf32, #tpu.memory_space<vmem>>) offsets(%dma_start3A_29 : memref<128xi32, #tpu.memory_space<vmem>>) semaphore(%arg10 : memref<!tpu.dma_semaphore, #tpu.memory_space<semaphore_mem>>)
    %scan3A_33 = arith.constant 0 : i32
    %scan3A_34 = arith.constant 0 : i32
    %scan3A_35 = arith.constant 19 : i32
    %scan3A_36 = arith.addi %scan3A_34, %scan3A_35 : i32
    %scan3A_37 = arith.constant 1 : i32
    scf.for %scan3A_120 = %scan3A_34 to %scan3A_36 step %scan3A_37  : i32 {
      %mul3A_121 = arith.constant 2 : i32
      %mul3A_122 = arith.muli %mul3A_121, %scan3A_120 : i32
      %dma_wait3A_123 = arith.constant 0 : i32
      %dma_wait3A_124 = tpu.memref_slice %arg5[%mul3A_122, %dma_wait3A_123] : memref<40x128xi32, #tpu.memory_space<vmem>> -> memref<1x128xi32, #tpu.memory_space<vmem>>
      %dma_wait3A_125 = tpu.memref_squeeze %dma_wait3A_124 : memref<1x128xi32, #tpu.memory_space<vmem>> -> memref<128xi32, #tpu.memory_space<vmem>>
      %dma_wait3A_126 = arith.constant 0 : i32
      %dma_wait3A_127 = arith.constant 0 : i32
      %dma_wait3A_128 = tpu.memref_slice %arg2[%dma_wait3A_126, %dma_wait3A_127] : memref<10240x128xf32, #tpu.memory_space<hbm>> -> memref<10240x128xf32, #tpu.memory_space<hbm>>
      tpu.wait_indirect_dma semaphore(%arg10 : memref<!tpu.dma_semaphore, #tpu.memory_space<semaphore_mem>>) src(%dma_wait3A_128 : memref<10240x128xf32, #tpu.memory_space<hbm>>) dst(%arg7 : memref<128x128xf32, #tpu.memory_space<vmem>>)
      %add3A_129 = arith.constant 1 : i32
      %add3A_130 = arith.addi %mul3A_122, %add3A_129 : i32
      %dma_start3A_131 = arith.constant 0 : i32
      %dma_start3A_132 = tpu.memref_slice %arg5[%add3A_130, %dma_start3A_131] : memref<40x128xi32, #tpu.memory_space<vmem>> -> memref<1x128xi32, #tpu.memory_space<vmem>>
      %dma_start3A_133 = tpu.memref_squeeze %dma_start3A_132 : memref<1x128xi32, #tpu.memory_space<vmem>> -> memref<128xi32, #tpu.memory_space<vmem>>
      %dma_start3A_134 = arith.constant 0 : i32
      %dma_start3A_135 = arith.constant 0 : i32
      %dma_start3A_136 = tpu.memref_slice %arg2[%dma_start3A_134, %dma_start3A_135] : memref<10240x128xf32, #tpu.memory_space<hbm>> -> memref<10240x128xf32, #tpu.memory_space<hbm>>
      tpu.enqueue_indirect_dma source(%dma_start3A_136 : memref<10240x128xf32, #tpu.memory_space<hbm>>) target(%arg8 : memref<128x128xf32, #tpu.memory_space<vmem>>) offsets(%dma_start3A_133 : memref<128xi32, #tpu.memory_space<vmem>>) semaphore(%arg11 : memref<!tpu.dma_semaphore, #tpu.memory_space<semaphore_mem>>)
      "tpu.region"() ({
        %run_scoped3A_155 = tpu.sem_alloc : memref<!tpu.dma_semaphore, #tpu.memory_space<semaphore_mem>>
        %dma_start3A_156 = arith.constant 0 : i32
        %dma_start3A_157 = tpu.memref_slice %arg6[%mul3A_122, %dma_start3A_156] : memref<40x128xi32, #tpu.memory_space<vmem>> -> memref<1x128xi32, #tpu.memory_space<vmem>>
        %dma_start3A_158 = tpu.memref_squeeze %dma_start3A_157 : memref<1x128xi32, #tpu.memory_space<vmem>> -> memref<128xi32, #tpu.memory_space<vmem>>
        %dma_start3A_159 = arith.constant 0 : i32
        %dma_start3A_160 = arith.constant 0 : i32
        %dma_start3A_161 = tpu.memref_slice %arg9[%dma_start3A_159, %dma_start3A_160] : memref<10240x128xf32, #tpu.memory_space<vmem_shared>> -> memref<10240x128xf32, #tpu.memory_space<vmem_shared>>
        tpu.enqueue_indirect_dma source(%arg7 : memref<128x128xf32, #tpu.memory_space<vmem>>) target(%dma_start3A_161 : memref<10240x128xf32, #tpu.memory_space<vmem_shared>>) offsets(%dma_start3A_158 : memref<128xi32, #tpu.memory_space<vmem>>) semaphore(%run_scoped3A_155 : memref<!tpu.dma_semaphore, #tpu.memory_space<semaphore_mem>>) {add = true}
        %dma_wait3A_162 = arith.constant 0 : i32
        %dma_wait3A_163 = tpu.memref_slice %arg6[%mul3A_122, %dma_wait3A_162] : memref<40x128xi32, #tpu.memory_space<vmem>> -> memref<1x128xi32, #tpu.memory_space<vmem>>
        %dma_wait3A_164 = tpu.memref_squeeze %dma_wait3A_163 : memref<1x128xi32, #tpu.memory_space<vmem>> -> memref<128xi32, #tpu.memory_space<vmem>>
        %dma_wait3A_165 = arith.constant 0 : i32
        %dma_wait3A_166 = arith.constant 0 : i32
        %dma_wait3A_167 = tpu.memref_slice %arg9[%dma_wait3A_165, %dma_wait3A_166] : memref<10240x128xf32, #tpu.memory_space<vmem_shared>> -> memref<10240x128xf32, #tpu.memory_space<vmem_shared>>
        tpu.wait_indirect_dma semaphore(%run_scoped3A_155 : memref<!tpu.dma_semaphore, #tpu.memory_space<semaphore_mem>>) src(%arg7 : memref<128x128xf32, #tpu.memory_space<vmem>>) dst(%dma_wait3A_167 : memref<10240x128xf32, #tpu.memory_space<vmem_shared>>)
        tpu.yield
      }) : () -> ()
      %add3A_137 = arith.constant 1 : i32
      %add3A_138 = arith.addi %mul3A_122, %add3A_137 : i32
      %dma_wait3A_139 = arith.constant 0 : i32
      %dma_wait3A_140 = tpu.memref_slice %arg5[%add3A_138, %dma_wait3A_139] : memref<40x128xi32, #tpu.memory_space<vmem>> -> memref<1x128xi32, #tpu.memory_space<vmem>>
      %dma_wait3A_141 = tpu.memref_squeeze %dma_wait3A_140 : memref<1x128xi32, #tpu.memory_space<vmem>> -> memref<128xi32, #tpu.memory_space<vmem>>
      %dma_wait3A_142 = arith.constant 0 : i32
      %dma_wait3A_143 = arith.constant 0 : i32
      %dma_wait3A_144 = tpu.memref_slice %arg2[%dma_wait3A_142, %dma_wait3A_143] : memref<10240x128xf32, #tpu.memory_space<hbm>> -> memref<10240x128xf32, #tpu.memory_space<hbm>>
      tpu.wait_indirect_dma semaphore(%arg11 : memref<!tpu.dma_semaphore, #tpu.memory_space<semaphore_mem>>) src(%dma_wait3A_144 : memref<10240x128xf32, #tpu.memory_space<hbm>>) dst(%arg8 : memref<128x128xf32, #tpu.memory_space<vmem>>)
      %add3A_145 = arith.constant 2 : i32
      %add3A_146 = arith.addi %mul3A_122, %add3A_145 : i32
      %dma_start3A_147 = arith.constant 0 : i32
      %dma_start3A_148 = tpu.memref_slice %arg5[%add3A_146, %dma_start3A_147] : memref<40x128xi32, #tpu.memory_space<vmem>> -> memref<1x128xi32, #tpu.memory_space<vmem>>
      %dma_start3A_149 = tpu.memref_squeeze %dma_start3A_148 : memref<1x128xi32, #tpu.memory_space<vmem>> -> memref<128xi32, #tpu.memory_space<vmem>>
      %dma_start3A_150 = arith.constant 0 : i32
      %dma_start3A_151 = arith.constant 0 : i32
      %dma_start3A_152 = tpu.memref_slice %arg2[%dma_start3A_150, %dma_start3A_151] : memref<10240x128xf32, #tpu.memory_space<hbm>> -> memref<10240x128xf32, #tpu.memory_space<hbm>>
      tpu.enqueue_indirect_dma source(%dma_start3A_152 : memref<10240x128xf32, #tpu.memory_space<hbm>>) target(%arg7 : memref<128x128xf32, #tpu.memory_space<vmem>>) offsets(%dma_start3A_149 : memref<128xi32, #tpu.memory_space<vmem>>) semaphore(%arg10 : memref<!tpu.dma_semaphore, #tpu.memory_space<semaphore_mem>>)
      %add3A_153 = arith.constant 1 : i32
      %add3A_154 = arith.addi %mul3A_122, %add3A_153 : i32
      "tpu.region"() ({
        %run_scoped3A_155 = tpu.sem_alloc : memref<!tpu.dma_semaphore, #tpu.memory_space<semaphore_mem>>
        %dma_start3A_156 = arith.constant 0 : i32
        %dma_start3A_157 = tpu.memref_slice %arg6[%add3A_154, %dma_start3A_156] : memref<40x128xi32, #tpu.memory_space<vmem>> -> memref<1x128xi32, #tpu.memory_space<vmem>>
        %dma_start3A_158 = tpu.memref_squeeze %dma_start3A_157 : memref<1x128xi32, #tpu.memory_space<vmem>> -> memref<128xi32, #tpu.memory_space<vmem>>
        %dma_start3A_159 = arith.constant 0 : i32
        %dma_start3A_160 = arith.constant 0 : i32
        %dma_start3A_161 = tpu.memref_slice %arg9[%dma_start3A_159, %dma_start3A_160] : memref<10240x128xf32, #tpu.memory_space<vmem_shared>> -> memref<10240x128xf32, #tpu.memory_space<vmem_shared>>
        tpu.enqueue_indirect_dma source(%arg8 : memref<128x128xf32, #tpu.memory_space<vmem>>) target(%dma_start3A_161 : memref<10240x128xf32, #tpu.memory_space<vmem_shared>>) offsets(%dma_start3A_158 : memref<128xi32, #tpu.memory_space<vmem>>) semaphore(%run_scoped3A_155 : memref<!tpu.dma_semaphore, #tpu.memory_space<semaphore_mem>>) {add = true}
        %dma_wait3A_162 = arith.constant 0 : i32
        %dma_wait3A_163 = tpu.memref_slice %arg6[%add3A_154, %dma_wait3A_162] : memref<40x128xi32, #tpu.memory_space<vmem>> -> memref<1x128xi32, #tpu.memory_space<vmem>>
        %dma_wait3A_164 = tpu.memref_squeeze %dma_wait3A_163 : memref<1x128xi32, #tpu.memory_space<vmem>> -> memref<128xi32, #tpu.memory_space<vmem>>
        %dma_wait3A_165 = arith.constant 0 : i32
        %dma_wait3A_166 = arith.constant 0 : i32
        %dma_wait3A_167 = tpu.memref_slice %arg9[%dma_wait3A_165, %dma_wait3A_166] : memref<10240x128xf32, #tpu.memory_space<vmem_shared>> -> memref<10240x128xf32, #tpu.memory_space<vmem_shared>>
        tpu.wait_indirect_dma semaphore(%run_scoped3A_155 : memref<!tpu.dma_semaphore, #tpu.memory_space<semaphore_mem>>) src(%arg8 : memref<128x128xf32, #tpu.memory_space<vmem>>) dst(%dma_wait3A_167 : memref<10240x128xf32, #tpu.memory_space<vmem_shared>>)
        tpu.yield
      }) : () -> ()
    }
    %scan3A_38 = arith.constant 19 : i32
    %dma_wait3A = arith.constant 38 : i32
    %dma_wait3A_39 = arith.constant 0 : i32
    %dma_wait3A_40 = tpu.memref_slice %arg5[%dma_wait3A, %dma_wait3A_39] : memref<40x128xi32, #tpu.memory_space<vmem>> -> memref<1x128xi32, #tpu.memory_space<vmem>>
    %dma_wait3A_41 = tpu.memref_squeeze %dma_wait3A_40 : memref<1x128xi32, #tpu.memory_space<vmem>> -> memref<128xi32, #tpu.memory_space<vmem>>
    %dma_wait3A_42 = arith.constant 0 : i32
    %dma_wait3A_43 = arith.constant 0 : i32
    %dma_wait3A_44 = tpu.memref_slice %arg2[%dma_wait3A_42, %dma_wait3A_43] : memref<10240x128xf32, #tpu.memory_space<hbm>> -> memref<10240x128xf32, #tpu.memory_space<hbm>>
    tpu.wait_indirect_dma semaphore(%arg10 : memref<!tpu.dma_semaphore, #tpu.memory_space<semaphore_mem>>) src(%dma_wait3A_44 : memref<10240x128xf32, #tpu.memory_space<hbm>>) dst(%arg7 : memref<128x128xf32, #tpu.memory_space<vmem>>)
    %dma_start3A_45 = arith.constant 39 : i32
    %dma_start3A_46 = arith.constant 0 : i32
    %dma_start3A_47 = tpu.memref_slice %arg5[%dma_start3A_45, %dma_start3A_46] : memref<40x128xi32, #tpu.memory_space<vmem>> -> memref<1x128xi32, #tpu.memory_space<vmem>>
    %dma_start3A_48 = tpu.memref_squeeze %dma_start3A_47 : memref<1x128xi32, #tpu.memory_space<vmem>> -> memref<128xi32, #tpu.memory_space<vmem>>
    %dma_start3A_49 = arith.constant 0 : i32
    %dma_start3A_50 = arith.constant 0 : i32
    %dma_start3A_51 = tpu.memref_slice %arg2[%dma_start3A_49, %dma_start3A_50] : memref<10240x128xf32, #tpu.memory_space<hbm>> -> memref<10240x128xf32, #tpu.memory_space<hbm>>
    tpu.enqueue_indirect_dma source(%dma_start3A_51 : memref<10240x128xf32, #tpu.memory_space<hbm>>) target(%arg8 : memref<128x128xf32, #tpu.memory_space<vmem>>) offsets(%dma_start3A_48 : memref<128xi32, #tpu.memory_space<vmem>>) semaphore(%arg11 : memref<!tpu.dma_semaphore, #tpu.memory_space<semaphore_mem>>)
    %run_scoped3A_52 = arith.constant 38 : i32
    "tpu.region"() ({
      %run_scoped3A_120 = tpu.sem_alloc : memref<!tpu.dma_semaphore, #tpu.memory_space<semaphore_mem>>
      %dma_start3A_121 = arith.constant 0 : i32
      %dma_start3A_122 = tpu.memref_slice %arg6[%run_scoped3A_52, %dma_start3A_121] : memref<40x128xi32, #tpu.memory_space<vmem>> -> memref<1x128xi32, #tpu.memory_space<vmem>>
      %dma_start3A_123 = tpu.memref_squeeze %dma_start3A_122 : memref<1x128xi32, #tpu.memory_space<vmem>> -> memref<128xi32, #tpu.memory_space<vmem>>
      %dma_start3A_124 = arith.constant 0 : i32
      %dma_start3A_125 = arith.constant 0 : i32
      %dma_start3A_126 = tpu.memref_slice %arg9[%dma_start3A_124, %dma_start3A_125] : memref<10240x128xf32, #tpu.memory_space<vmem_shared>> -> memref<10240x128xf32, #tpu.memory_space<vmem_shared>>
      tpu.enqueue_indirect_dma source(%arg7 : memref<128x128xf32, #tpu.memory_space<vmem>>) target(%dma_start3A_126 : memref<10240x128xf32, #tpu.memory_space<vmem_shared>>) offsets(%dma_start3A_123 : memref<128xi32, #tpu.memory_space<vmem>>) semaphore(%run_scoped3A_120 : memref<!tpu.dma_semaphore, #tpu.memory_space<semaphore_mem>>) {add = true}
      %dma_wait3A_127 = arith.constant 0 : i32
      %dma_wait3A_128 = tpu.memref_slice %arg6[%run_scoped3A_52, %dma_wait3A_127] : memref<40x128xi32, #tpu.memory_space<vmem>> -> memref<1x128xi32, #tpu.memory_space<vmem>>
      %dma_wait3A_129 = tpu.memref_squeeze %dma_wait3A_128 : memref<1x128xi32, #tpu.memory_space<vmem>> -> memref<128xi32, #tpu.memory_space<vmem>>
      %dma_wait3A_130 = arith.constant 0 : i32
      %dma_wait3A_131 = arith.constant 0 : i32
      %dma_wait3A_132 = tpu.memref_slice %arg9[%dma_wait3A_130, %dma_wait3A_131] : memref<10240x128xf32, #tpu.memory_space<vmem_shared>> -> memref<10240x128xf32, #tpu.memory_space<vmem_shared>>
      tpu.wait_indirect_dma semaphore(%run_scoped3A_120 : memref<!tpu.dma_semaphore, #tpu.memory_space<semaphore_mem>>) src(%arg7 : memref<128x128xf32, #tpu.memory_space<vmem>>) dst(%dma_wait3A_132 : memref<10240x128xf32, #tpu.memory_space<vmem_shared>>)
      tpu.yield
    }) : () -> ()
    %dma_wait3A_53 = arith.constant 39 : i32
    %dma_wait3A_54 = arith.constant 0 : i32
    %dma_wait3A_55 = tpu.memref_slice %arg5[%dma_wait3A_53, %dma_wait3A_54] : memref<40x128xi32, #tpu.memory_space<vmem>> -> memref<1x128xi32, #tpu.memory_space<vmem>>
    %dma_wait3A_56 = tpu.memref_squeeze %dma_wait3A_55 : memref<1x128xi32, #tpu.memory_space<vmem>> -> memref<128xi32, #tpu.memory_space<vmem>>
    %dma_wait3A_57 = arith.constant 0 : i32
    %dma_wait3A_58 = arith.constant 0 : i32
    %dma_wait3A_59 = tpu.memref_slice %arg2[%dma_wait3A_57, %dma_wait3A_58] : memref<10240x128xf32, #tpu.memory_space<hbm>> -> memref<10240x128xf32, #tpu.memory_space<hbm>>
    tpu.wait_indirect_dma semaphore(%arg11 : memref<!tpu.dma_semaphore, #tpu.memory_space<semaphore_mem>>) src(%dma_wait3A_59 : memref<10240x128xf32, #tpu.memory_space<hbm>>) dst(%arg8 : memref<128x128xf32, #tpu.memory_space<vmem>>)
    %run_scoped3A_60 = arith.constant 39 : i32
    "tpu.region"() ({
      %run_scoped3A_120 = tpu.sem_alloc : memref<!tpu.dma_semaphore, #tpu.memory_space<semaphore_mem>>
      %dma_start3A_121 = arith.constant 0 : i32
      %dma_start3A_122 = tpu.memref_slice %arg6[%run_scoped3A_60, %dma_start3A_121] : memref<40x128xi32, #tpu.memory_space<vmem>> -> memref<1x128xi32, #tpu.memory_space<vmem>>
      %dma_start3A_123 = tpu.memref_squeeze %dma_start3A_122 : memref<1x128xi32, #tpu.memory_space<vmem>> -> memref<128xi32, #tpu.memory_space<vmem>>
      %dma_start3A_124 = arith.constant 0 : i32
      %dma_start3A_125 = arith.constant 0 : i32
      %dma_start3A_126 = tpu.memref_slice %arg9[%dma_start3A_124, %dma_start3A_125] : memref<10240x128xf32, #tpu.memory_space<vmem_shared>> -> memref<10240x128xf32, #tpu.memory_space<vmem_shared>>
      tpu.enqueue_indirect_dma source(%arg8 : memref<128x128xf32, #tpu.memory_space<vmem>>) target(%dma_start3A_126 : memref<10240x128xf32, #tpu.memory_space<vmem_shared>>) offsets(%dma_start3A_123 : memref<128xi32, #tpu.memory_space<vmem>>) semaphore(%run_scoped3A_120 : memref<!tpu.dma_semaphore, #tpu.memory_space<semaphore_mem>>) {add = true}
      %dma_wait3A_127 = arith.constant 0 : i32
      %dma_wait3A_128 = tpu.memref_slice %arg6[%run_scoped3A_60, %dma_wait3A_127] : memref<40x128xi32, #tpu.memory_space<vmem>> -> memref<1x128xi32, #tpu.memory_space<vmem>>
      %dma_wait3A_129 = tpu.memref_squeeze %dma_wait3A_128 : memref<1x128xi32, #tpu.memory_space<vmem>> -> memref<128xi32, #tpu.memory_space<vmem>>
      %dma_wait3A_130 = arith.constant 0 : i32
      %dma_wait3A_131 = arith.constant 0 : i32
      %dma_wait3A_132 = tpu.memref_slice %arg9[%dma_wait3A_130, %dma_wait3A_131] : memref<10240x128xf32, #tpu.memory_space<vmem_shared>> -> memref<10240x128xf32, #tpu.memory_space<vmem_shared>>
      tpu.wait_indirect_dma semaphore(%run_scoped3A_120 : memref<!tpu.dma_semaphore, #tpu.memory_space<semaphore_mem>>) src(%arg8 : memref<128x128xf32, #tpu.memory_space<vmem>>) dst(%dma_wait3A_132 : memref<10240x128xf32, #tpu.memory_space<vmem_shared>>)
      tpu.yield
    }) : () -> ()
    %run_scoped3A_61 = arith.constant 0 : i32
    "tpu.region"() ({
      %run_scoped3A_120 = tpu.sem_alloc : memref<!tpu.dma_semaphore, #tpu.memory_space<semaphore_mem>>
      %dma_start3A_121 = arith.constant 40 : i32
      %dma_start3A_122 = arith.constant 0 : i32
      %dma_start3A_123 = tpu.memref_slice %arg3[%run_scoped3A_61, %add3A, %dma_start3A_121, %dma_start3A_122] : memref<2x32x80x128xi32, #tpu.memory_space<hbm>> -> memref<1x1x40x128xi32, #tpu.memory_space<hbm>>
      %dma_start3A_124 = tpu.memref_squeeze %dma_start3A_123 : memref<1x1x40x128xi32, #tpu.memory_space<hbm>> -> memref<40x128xi32, #tpu.memory_space<hbm>>
      %dma_start3A_125 = arith.constant 40 : i32
      %dma_start3A_126 = arith.constant 0 : i32
      %dma_start3A_127 = tpu.memref_slice %arg3[%run_scoped3A_61, %add3A, %dma_start3A_125, %dma_start3A_126] : memref<2x32x80x128xi32, #tpu.memory_space<hbm>> -> memref<1x1x40x128xi32, #tpu.memory_space<hbm>>
      %dma_start3A_128 = tpu.memref_squeeze %dma_start3A_127 : memref<1x1x40x128xi32, #tpu.memory_space<hbm>> -> memref<40x128xi32, #tpu.memory_space<hbm>>
      tpu.enqueue_dma source(%dma_start3A_128 : memref<40x128xi32, #tpu.memory_space<hbm>>) target(%arg5 : memref<40x128xi32, #tpu.memory_space<vmem>>) target_semaphore(%run_scoped3A_120 : memref<!tpu.dma_semaphore, #tpu.memory_space<semaphore_mem>>)
      %dma_wait3A_129 = arith.constant 40 : i32
      %dma_wait3A_130 = arith.constant 0 : i32
      %dma_wait3A_131 = tpu.memref_slice %arg3[%run_scoped3A_61, %add3A, %dma_wait3A_129, %dma_wait3A_130] : memref<2x32x80x128xi32, #tpu.memory_space<hbm>> -> memref<1x1x40x128xi32, #tpu.memory_space<hbm>>
      %dma_wait3A_132 = tpu.memref_squeeze %dma_wait3A_131 : memref<1x1x40x128xi32, #tpu.memory_space<hbm>> -> memref<40x128xi32, #tpu.memory_space<hbm>>
      %dma_wait3A_133 = arith.constant 40 : i32
      %dma_wait3A_134 = arith.constant 0 : i32
      %dma_wait3A_135 = tpu.memref_slice %arg3[%run_scoped3A_61, %add3A, %dma_wait3A_133, %dma_wait3A_134] : memref<2x32x80x128xi32, #tpu.memory_space<hbm>> -> memref<1x1x40x128xi32, #tpu.memory_space<hbm>>
      %dma_wait3A_136 = tpu.memref_squeeze %dma_wait3A_135 : memref<1x1x40x128xi32, #tpu.memory_space<hbm>> -> memref<40x128xi32, #tpu.memory_space<hbm>>
      tpu.wait_dma2 semaphore(%run_scoped3A_120 : memref<!tpu.dma_semaphore, #tpu.memory_space<semaphore_mem>>) src(%dma_wait3A_136 : memref<40x128xi32, #tpu.memory_space<hbm>>) dst(%arg5 : memref<40x128xi32, #tpu.memory_space<vmem>>)
      tpu.yield
    }) : () -> ()
    %run_scoped3A_62 = arith.constant 1 : i32
    "tpu.region"() ({
      %run_scoped3A_120 = tpu.sem_alloc : memref<!tpu.dma_semaphore, #tpu.memory_space<semaphore_mem>>
      %dma_start3A_121 = arith.constant 40 : i32
      %dma_start3A_122 = arith.constant 0 : i32
      %dma_start3A_123 = tpu.memref_slice %arg3[%run_scoped3A_62, %add3A, %dma_start3A_121, %dma_start3A_122] : memref<2x32x80x128xi32, #tpu.memory_space<hbm>> -> memref<1x1x40x128xi32, #tpu.memory_space<hbm>>
      %dma_start3A_124 = tpu.memref_squeeze %dma_start3A_123 : memref<1x1x40x128xi32, #tpu.memory_space<hbm>> -> memref<40x128xi32, #tpu.memory_space<hbm>>
      %dma_start3A_125 = arith.constant 40 : i32
      %dma_start3A_126 = arith.constant 0 : i32
      %dma_start3A_127 = tpu.memref_slice %arg3[%run_scoped3A_62, %add3A, %dma_start3A_125, %dma_start3A_126] : memref<2x32x80x128xi32, #tpu.memory_space<hbm>> -> memref<1x1x40x128xi32, #tpu.memory_space<hbm>>
      %dma_start3A_128 = tpu.memref_squeeze %dma_start3A_127 : memref<1x1x40x128xi32, #tpu.memory_space<hbm>> -> memref<40x128xi32, #tpu.memory_space<hbm>>
      tpu.enqueue_dma source(%dma_start3A_128 : memref<40x128xi32, #tpu.memory_space<hbm>>) target(%arg6 : memref<40x128xi32, #tpu.memory_space<vmem>>) target_semaphore(%run_scoped3A_120 : memref<!tpu.dma_semaphore, #tpu.memory_space<semaphore_mem>>)
      %dma_wait3A_129 = arith.constant 40 : i32
      %dma_wait3A_130 = arith.constant 0 : i32
      %dma_wait3A_131 = tpu.memref_slice %arg3[%run_scoped3A_62, %add3A, %dma_wait3A_129, %dma_wait3A_130] : memref<2x32x80x128xi32, #tpu.memory_space<hbm>> -> memref<1x1x40x128xi32, #tpu.memory_space<hbm>>
      %dma_wait3A_132 = tpu.memref_squeeze %dma_wait3A_131 : memref<1x1x40x128xi32, #tpu.memory_space<hbm>> -> memref<40x128xi32, #tpu.memory_space<hbm>>
      %dma_wait3A_133 = arith.constant 40 : i32
      %dma_wait3A_134 = arith.constant 0 : i32
      %dma_wait3A_135 = tpu.memref_slice %arg3[%run_scoped3A_62, %add3A, %dma_wait3A_133, %dma_wait3A_134] : memref<2x32x80x128xi32, #tpu.memory_space<hbm>> -> memref<1x1x40x128xi32, #tpu.memory_space<hbm>>
      %dma_wait3A_136 = tpu.memref_squeeze %dma_wait3A_135 : memref<1x1x40x128xi32, #tpu.memory_space<hbm>> -> memref<40x128xi32, #tpu.memory_space<hbm>>
      tpu.wait_dma2 semaphore(%run_scoped3A_120 : memref<!tpu.dma_semaphore, #tpu.memory_space<semaphore_mem>>) src(%dma_wait3A_136 : memref<40x128xi32, #tpu.memory_space<hbm>>) dst(%arg6 : memref<40x128xi32, #tpu.memory_space<vmem>>)
      tpu.yield
    }) : () -> ()
    %dma_start3A_63 = arith.constant 0 : i32
    %dma_start3A_64 = arith.constant 0 : i32
    %dma_start3A_65 = tpu.memref_slice %arg5[%dma_start3A_63, %dma_start3A_64] : memref<40x128xi32, #tpu.memory_space<vmem>> -> memref<1x128xi32, #tpu.memory_space<vmem>>
    %dma_start3A_66 = tpu.memref_squeeze %dma_start3A_65 : memref<1x128xi32, #tpu.memory_space<vmem>> -> memref<128xi32, #tpu.memory_space<vmem>>
    %dma_start3A_67 = arith.constant 0 : i32
    %dma_start3A_68 = arith.constant 0 : i32
    %dma_start3A_69 = tpu.memref_slice %arg2[%dma_start3A_67, %dma_start3A_68] : memref<10240x128xf32, #tpu.memory_space<hbm>> -> memref<10240x128xf32, #tpu.memory_space<hbm>>
    tpu.enqueue_indirect_dma source(%dma_start3A_69 : memref<10240x128xf32, #tpu.memory_space<hbm>>) target(%arg7 : memref<128x128xf32, #tpu.memory_space<vmem>>) offsets(%dma_start3A_66 : memref<128xi32, #tpu.memory_space<vmem>>) semaphore(%arg10 : memref<!tpu.dma_semaphore, #tpu.memory_space<semaphore_mem>>)
    %scan3A_70 = arith.constant 0 : i32
    %scan3A_71 = arith.constant 0 : i32
    %scan3A_72 = arith.constant 19 : i32
    %scan3A_73 = arith.addi %scan3A_71, %scan3A_72 : i32
    %scan3A_74 = arith.constant 1 : i32
    scf.for %scan3A_120 = %scan3A_71 to %scan3A_73 step %scan3A_74  : i32 {
      %mul3A_121 = arith.constant 2 : i32
      %mul3A_122 = arith.muli %mul3A_121, %scan3A_120 : i32
      %dma_wait3A_123 = arith.constant 0 : i32
      %dma_wait3A_124 = tpu.memref_slice %arg5[%mul3A_122, %dma_wait3A_123] : memref<40x128xi32, #tpu.memory_space<vmem>> -> memref<1x128xi32, #tpu.memory_space<vmem>>
      %dma_wait3A_125 = tpu.memref_squeeze %dma_wait3A_124 : memref<1x128xi32, #tpu.memory_space<vmem>> -> memref<128xi32, #tpu.memory_space<vmem>>
      %dma_wait3A_126 = arith.constant 0 : i32
      %dma_wait3A_127 = arith.constant 0 : i32
      %dma_wait3A_128 = tpu.memref_slice %arg2[%dma_wait3A_126, %dma_wait3A_127] : memref<10240x128xf32, #tpu.memory_space<hbm>> -> memref<10240x128xf32, #tpu.memory_space<hbm>>
      tpu.wait_indirect_dma semaphore(%arg10 : memref<!tpu.dma_semaphore, #tpu.memory_space<semaphore_mem>>) src(%dma_wait3A_128 : memref<10240x128xf32, #tpu.memory_space<hbm>>) dst(%arg7 : memref<128x128xf32, #tpu.memory_space<vmem>>)
      %add3A_129 = arith.constant 1 : i32
      %add3A_130 = arith.addi %mul3A_122, %add3A_129 : i32
      %dma_start3A_131 = arith.constant 0 : i32
      %dma_start3A_132 = tpu.memref_slice %arg5[%add3A_130, %dma_start3A_131] : memref<40x128xi32, #tpu.memory_space<vmem>> -> memref<1x128xi32, #tpu.memory_space<vmem>>
      %dma_start3A_133 = tpu.memref_squeeze %dma_start3A_132 : memref<1x128xi32, #tpu.memory_space<vmem>> -> memref<128xi32, #tpu.memory_space<vmem>>
      %dma_start3A_134 = arith.constant 0 : i32
      %dma_start3A_135 = arith.constant 0 : i32
      %dma_start3A_136 = tpu.memref_slice %arg2[%dma_start3A_134, %dma_start3A_135] : memref<10240x128xf32, #tpu.memory_space<hbm>> -> memref<10240x128xf32, #tpu.memory_space<hbm>>
      tpu.enqueue_indirect_dma source(%dma_start3A_136 : memref<10240x128xf32, #tpu.memory_space<hbm>>) target(%arg8 : memref<128x128xf32, #tpu.memory_space<vmem>>) offsets(%dma_start3A_133 : memref<128xi32, #tpu.memory_space<vmem>>) semaphore(%arg11 : memref<!tpu.dma_semaphore, #tpu.memory_space<semaphore_mem>>)
      "tpu.region"() ({
        %run_scoped3A_155 = tpu.sem_alloc : memref<!tpu.dma_semaphore, #tpu.memory_space<semaphore_mem>>
        %dma_start3A_156 = arith.constant 0 : i32
        %dma_start3A_157 = tpu.memref_slice %arg6[%mul3A_122, %dma_start3A_156] : memref<40x128xi32, #tpu.memory_space<vmem>> -> memref<1x128xi32, #tpu.memory_space<vmem>>
        %dma_start3A_158 = tpu.memref_squeeze %dma_start3A_157 : memref<1x128xi32, #tpu.memory_space<vmem>> -> memref<128xi32, #tpu.memory_space<vmem>>
        %dma_start3A_159 = arith.constant 0 : i32
        %dma_start3A_160 = arith.constant 0 : i32
        %dma_start3A_161 = tpu.memref_slice %arg9[%dma_start3A_159, %dma_start3A_160] : memref<10240x128xf32, #tpu.memory_space<vmem_shared>> -> memref<10240x128xf32, #tpu.memory_space<vmem_shared>>
        tpu.enqueue_indirect_dma source(%arg7 : memref<128x128xf32, #tpu.memory_space<vmem>>) target(%dma_start3A_161 : memref<10240x128xf32, #tpu.memory_space<vmem_shared>>) offsets(%dma_start3A_158 : memref<128xi32, #tpu.memory_space<vmem>>) semaphore(%run_scoped3A_155 : memref<!tpu.dma_semaphore, #tpu.memory_space<semaphore_mem>>) {add = true}
        %dma_wait3A_162 = arith.constant 0 : i32
        %dma_wait3A_163 = tpu.memref_slice %arg6[%mul3A_122, %dma_wait3A_162] : memref<40x128xi32, #tpu.memory_space<vmem>> -> memref<1x128xi32, #tpu.memory_space<vmem>>
        %dma_wait3A_164 = tpu.memref_squeeze %dma_wait3A_163 : memref<1x128xi32, #tpu.memory_space<vmem>> -> memref<128xi32, #tpu.memory_space<vmem>>
        %dma_wait3A_165 = arith.constant 0 : i32
        %dma_wait3A_166 = arith.constant 0 : i32
        %dma_wait3A_167 = tpu.memref_slice %arg9[%dma_wait3A_165, %dma_wait3A_166] : memref<10240x128xf32, #tpu.memory_space<vmem_shared>> -> memref<10240x128xf32, #tpu.memory_space<vmem_shared>>
        tpu.wait_indirect_dma semaphore(%run_scoped3A_155 : memref<!tpu.dma_semaphore, #tpu.memory_space<semaphore_mem>>) src(%arg7 : memref<128x128xf32, #tpu.memory_space<vmem>>) dst(%dma_wait3A_167 : memref<10240x128xf32, #tpu.memory_space<vmem_shared>>)
        tpu.yield
      }) : () -> ()
      %add3A_137 = arith.constant 1 : i32
      %add3A_138 = arith.addi %mul3A_122, %add3A_137 : i32
      %dma_wait3A_139 = arith.constant 0 : i32
      %dma_wait3A_140 = tpu.memref_slice %arg5[%add3A_138, %dma_wait3A_139] : memref<40x128xi32, #tpu.memory_space<vmem>> -> memref<1x128xi32, #tpu.memory_space<vmem>>
      %dma_wait3A_141 = tpu.memref_squeeze %dma_wait3A_140 : memref<1x128xi32, #tpu.memory_space<vmem>> -> memref<128xi32, #tpu.memory_space<vmem>>
      %dma_wait3A_142 = arith.constant 0 : i32
      %dma_wait3A_143 = arith.constant 0 : i32
      %dma_wait3A_144 = tpu.memref_slice %arg2[%dma_wait3A_142, %dma_wait3A_143] : memref<10240x128xf32, #tpu.memory_space<hbm>> -> memref<10240x128xf32, #tpu.memory_space<hbm>>
      tpu.wait_indirect_dma semaphore(%arg11 : memref<!tpu.dma_semaphore, #tpu.memory_space<semaphore_mem>>) src(%dma_wait3A_144 : memref<10240x128xf32, #tpu.memory_space<hbm>>) dst(%arg8 : memref<128x128xf32, #tpu.memory_space<vmem>>)
      %add3A_145 = arith.constant 2 : i32
      %add3A_146 = arith.addi %mul3A_122, %add3A_145 : i32
      %dma_start3A_147 = arith.constant 0 : i32
      %dma_start3A_148 = tpu.memref_slice %arg5[%add3A_146, %dma_start3A_147] : memref<40x128xi32, #tpu.memory_space<vmem>> -> memref<1x128xi32, #tpu.memory_space<vmem>>
      %dma_start3A_149 = tpu.memref_squeeze %dma_start3A_148 : memref<1x128xi32, #tpu.memory_space<vmem>> -> memref<128xi32, #tpu.memory_space<vmem>>
      %dma_start3A_150 = arith.constant 0 : i32
      %dma_start3A_151 = arith.constant 0 : i32
      %dma_start3A_152 = tpu.memref_slice %arg2[%dma_start3A_150, %dma_start3A_151] : memref<10240x128xf32, #tpu.memory_space<hbm>> -> memref<10240x128xf32, #tpu.memory_space<hbm>>
      tpu.enqueue_indirect_dma source(%dma_start3A_152 : memref<10240x128xf32, #tpu.memory_space<hbm>>) target(%arg7 : memref<128x128xf32, #tpu.memory_space<vmem>>) offsets(%dma_start3A_149 : memref<128xi32, #tpu.memory_space<vmem>>) semaphore(%arg10 : memref<!tpu.dma_semaphore, #tpu.memory_space<semaphore_mem>>)
      %add3A_153 = arith.constant 1 : i32
      %add3A_154 = arith.addi %mul3A_122, %add3A_153 : i32
      "tpu.region"() ({
        %run_scoped3A_155 = tpu.sem_alloc : memref<!tpu.dma_semaphore, #tpu.memory_space<semaphore_mem>>
        %dma_start3A_156 = arith.constant 0 : i32
        %dma_start3A_157 = tpu.memref_slice %arg6[%add3A_154, %dma_start3A_156] : memref<40x128xi32, #tpu.memory_space<vmem>> -> memref<1x128xi32, #tpu.memory_space<vmem>>
        %dma_start3A_158 = tpu.memref_squeeze %dma_start3A_157 : memref<1x128xi32, #tpu.memory_space<vmem>> -> memref<128xi32, #tpu.memory_space<vmem>>
        %dma_start3A_159 = arith.constant 0 : i32
        %dma_start3A_160 = arith.constant 0 : i32
        %dma_start3A_161 = tpu.memref_slice %arg9[%dma_start3A_159, %dma_start3A_160] : memref<10240x128xf32, #tpu.memory_space<vmem_shared>> -> memref<10240x128xf32, #tpu.memory_space<vmem_shared>>
        tpu.enqueue_indirect_dma source(%arg8 : memref<128x128xf32, #tpu.memory_space<vmem>>) target(%dma_start3A_161 : memref<10240x128xf32, #tpu.memory_space<vmem_shared>>) offsets(%dma_start3A_158 : memref<128xi32, #tpu.memory_space<vmem>>) semaphore(%run_scoped3A_155 : memref<!tpu.dma_semaphore, #tpu.memory_space<semaphore_mem>>) {add = true}
        %dma_wait3A_162 = arith.constant 0 : i32
        %dma_wait3A_163 = tpu.memref_slice %arg6[%add3A_154, %dma_wait3A_162] : memref<40x128xi32, #tpu.memory_space<vmem>> -> memref<1x128xi32, #tpu.memory_space<vmem>>
        %dma_wait3A_164 = tpu.memref_squeeze %dma_wait3A_163 : memref<1x128xi32, #tpu.memory_space<vmem>> -> memref<128xi32, #tpu.memory_space<vmem>>
        %dma_wait3A_165 = arith.constant 0 : i32
        %dma_wait3A_166 = arith.constant 0 : i32
        %dma_wait3A_167 = tpu.memref_slice %arg9[%dma_wait3A_165, %dma_wait3A_166] : memref<10240x128xf32, #tpu.memory_space<vmem_shared>> -> memref<10240x128xf32, #tpu.memory_space<vmem_shared>>
        tpu.wait_indirect_dma semaphore(%run_scoped3A_155 : memref<!tpu.dma_semaphore, #tpu.memory_space<semaphore_mem>>) src(%arg8 : memref<128x128xf32, #tpu.memory_space<vmem>>) dst(%dma_wait3A_167 : memref<10240x128xf32, #tpu.memory_space<vmem_shared>>)
        tpu.yield
      }) : () -> ()
    }
    %scan3A_75 = arith.constant 19 : i32
    %dma_wait3A_76 = arith.constant 38 : i32
    %dma_wait3A_77 = arith.constant 0 : i32
    %dma_wait3A_78 = tpu.memref_slice %arg5[%dma_wait3A_76, %dma_wait3A_77] : memref<40x128xi32, #tpu.memory_space<vmem>> -> memref<1x128xi32, #tpu.memory_space<vmem>>
    %dma_wait3A_79 = tpu.memref_squeeze %dma_wait3A_78 : memref<1x128xi32, #tpu.memory_space<vmem>> -> memref<128xi32, #tpu.memory_space<vmem>>
    %dma_wait3A_80 = arith.constant 0 : i32
    %dma_wait3A_81 = arith.constant 0 : i32
    %dma_wait3A_82 = tpu.memref_slice %arg2[%dma_wait3A_80, %dma_wait3A_81] : memref<10240x128xf32, #tpu.memory_space<hbm>> -> memref<10240x128xf32, #tpu.memory_space<hbm>>
    tpu.wait_indirect_dma semaphore(%arg10 : memref<!tpu.dma_semaphore, #tpu.memory_space<semaphore_mem>>) src(%dma_wait3A_82 : memref<10240x128xf32, #tpu.memory_space<hbm>>) dst(%arg7 : memref<128x128xf32, #tpu.memory_space<vmem>>)
    %dma_start3A_83 = arith.constant 39 : i32
    %dma_start3A_84 = arith.constant 0 : i32
    %dma_start3A_85 = tpu.memref_slice %arg5[%dma_start3A_83, %dma_start3A_84] : memref<40x128xi32, #tpu.memory_space<vmem>> -> memref<1x128xi32, #tpu.memory_space<vmem>>
    %dma_start3A_86 = tpu.memref_squeeze %dma_start3A_85 : memref<1x128xi32, #tpu.memory_space<vmem>> -> memref<128xi32, #tpu.memory_space<vmem>>
    %dma_start3A_87 = arith.constant 0 : i32
    %dma_start3A_88 = arith.constant 0 : i32
    %dma_start3A_89 = tpu.memref_slice %arg2[%dma_start3A_87, %dma_start3A_88] : memref<10240x128xf32, #tpu.memory_space<hbm>> -> memref<10240x128xf32, #tpu.memory_space<hbm>>
    tpu.enqueue_indirect_dma source(%dma_start3A_89 : memref<10240x128xf32, #tpu.memory_space<hbm>>) target(%arg8 : memref<128x128xf32, #tpu.memory_space<vmem>>) offsets(%dma_start3A_86 : memref<128xi32, #tpu.memory_space<vmem>>) semaphore(%arg11 : memref<!tpu.dma_semaphore, #tpu.memory_space<semaphore_mem>>)
    %run_scoped3A_90 = arith.constant 38 : i32
    "tpu.region"() ({
      %run_scoped3A_120 = tpu.sem_alloc : memref<!tpu.dma_semaphore, #tpu.memory_space<semaphore_mem>>
      %dma_start3A_121 = arith.constant 0 : i32
      %dma_start3A_122 = tpu.memref_slice %arg6[%run_scoped3A_90, %dma_start3A_121] : memref<40x128xi32, #tpu.memory_space<vmem>> -> memref<1x128xi32, #tpu.memory_space<vmem>>
      %dma_start3A_123 = tpu.memref_squeeze %dma_start3A_122 : memref<1x128xi32, #tpu.memory_space<vmem>> -> memref<128xi32, #tpu.memory_space<vmem>>
      %dma_start3A_124 = arith.constant 0 : i32
      %dma_start3A_125 = arith.constant 0 : i32
      %dma_start3A_126 = tpu.memref_slice %arg9[%dma_start3A_124, %dma_start3A_125] : memref<10240x128xf32, #tpu.memory_space<vmem_shared>> -> memref<10240x128xf32, #tpu.memory_space<vmem_shared>>
      tpu.enqueue_indirect_dma source(%arg7 : memref<128x128xf32, #tpu.memory_space<vmem>>) target(%dma_start3A_126 : memref<10240x128xf32, #tpu.memory_space<vmem_shared>>) offsets(%dma_start3A_123 : memref<128xi32, #tpu.memory_space<vmem>>) semaphore(%run_scoped3A_120 : memref<!tpu.dma_semaphore, #tpu.memory_space<semaphore_mem>>) {add = true}
      %dma_wait3A_127 = arith.constant 0 : i32
      %dma_wait3A_128 = tpu.memref_slice %arg6[%run_scoped3A_90, %dma_wait3A_127] : memref<40x128xi32, #tpu.memory_space<vmem>> -> memref<1x128xi32, #tpu.memory_space<vmem>>
      %dma_wait3A_129 = tpu.memref_squeeze %dma_wait3A_128 : memref<1x128xi32, #tpu.memory_space<vmem>> -> memref<128xi32, #tpu.memory_space<vmem>>
      %dma_wait3A_130 = arith.constant 0 : i32
      %dma_wait3A_131 = arith.constant 0 : i32
      %dma_wait3A_132 = tpu.memref_slice %arg9[%dma_wait3A_130, %dma_wait3A_131] : memref<10240x128xf32, #tpu.memory_space<vmem_shared>> -> memref<10240x128xf32, #tpu.memory_space<vmem_shared>>
      tpu.wait_indirect_dma semaphore(%run_scoped3A_120 : memref<!tpu.dma_semaphore, #tpu.memory_space<semaphore_mem>>) src(%arg7 : memref<128x128xf32, #tpu.memory_space<vmem>>) dst(%dma_wait3A_132 : memref<10240x128xf32, #tpu.memory_space<vmem_shared>>)
      tpu.yield
    }) : () -> ()
    %dma_wait3A_91 = arith.constant 39 : i32
    %dma_wait3A_92 = arith.constant 0 : i32
    %dma_wait3A_93 = tpu.memref_slice %arg5[%dma_wait3A_91, %dma_wait3A_92] : memref<40x128xi32, #tpu.memory_space<vmem>> -> memref<1x128xi32, #tpu.memory_space<vmem>>
    %dma_wait3A_94 = tpu.memref_squeeze %dma_wait3A_93 : memref<1x128xi32, #tpu.memory_space<vmem>> -> memref<128xi32, #tpu.memory_space<vmem>>
    %dma_wait3A_95 = arith.constant 0 : i32
    %dma_wait3A_96 = arith.constant 0 : i32
    %dma_wait3A_97 = tpu.memref_slice %arg2[%dma_wait3A_95, %dma_wait3A_96] : memref<10240x128xf32, #tpu.memory_space<hbm>> -> memref<10240x128xf32, #tpu.memory_space<hbm>>
    tpu.wait_indirect_dma semaphore(%arg11 : memref<!tpu.dma_semaphore, #tpu.memory_space<semaphore_mem>>) src(%dma_wait3A_97 : memref<10240x128xf32, #tpu.memory_space<hbm>>) dst(%arg8 : memref<128x128xf32, #tpu.memory_space<vmem>>)
    %run_scoped3A_98 = arith.constant 39 : i32
    "tpu.region"() ({
      %run_scoped3A_120 = tpu.sem_alloc : memref<!tpu.dma_semaphore, #tpu.memory_space<semaphore_mem>>
      %dma_start3A_121 = arith.constant 0 : i32
      %dma_start3A_122 = tpu.memref_slice %arg6[%run_scoped3A_98, %dma_start3A_121] : memref<40x128xi32, #tpu.memory_space<vmem>> -> memref<1x128xi32, #tpu.memory_space<vmem>>
      %dma_start3A_123 = tpu.memref_squeeze %dma_start3A_122 : memref<1x128xi32, #tpu.memory_space<vmem>> -> memref<128xi32, #tpu.memory_space<vmem>>
      %dma_start3A_124 = arith.constant 0 : i32
      %dma_start3A_125 = arith.constant 0 : i32
      %dma_start3A_126 = tpu.memref_slice %arg9[%dma_start3A_124, %dma_start3A_125] : memref<10240x128xf32, #tpu.memory_space<vmem_shared>> -> memref<10240x128xf32, #tpu.memory_space<vmem_shared>>
      tpu.enqueue_indirect_dma source(%arg8 : memref<128x128xf32, #tpu.memory_space<vmem>>) target(%dma_start3A_126 : memref<10240x128xf32, #tpu.memory_space<vmem_shared>>) offsets(%dma_start3A_123 : memref<128xi32, #tpu.memory_space<vmem>>) semaphore(%run_scoped3A_120 : memref<!tpu.dma_semaphore, #tpu.memory_space<semaphore_mem>>) {add = true}
      %dma_wait3A_127 = arith.constant 0 : i32
      %dma_wait3A_128 = tpu.memref_slice %arg6[%run_scoped3A_98, %dma_wait3A_127] : memref<40x128xi32, #tpu.memory_space<vmem>> -> memref<1x128xi32, #tpu.memory_space<vmem>>
      %dma_wait3A_129 = tpu.memref_squeeze %dma_wait3A_128 : memref<1x128xi32, #tpu.memory_space<vmem>> -> memref<128xi32, #tpu.memory_space<vmem>>
      %dma_wait3A_130 = arith.constant 0 : i32
      %dma_wait3A_131 = arith.constant 0 : i32
      %dma_wait3A_132 = tpu.memref_slice %arg9[%dma_wait3A_130, %dma_wait3A_131] : memref<10240x128xf32, #tpu.memory_space<vmem_shared>> -> memref<10240x128xf32, #tpu.memory_space<vmem_shared>>
      tpu.wait_indirect_dma semaphore(%run_scoped3A_120 : memref<!tpu.dma_semaphore, #tpu.memory_space<semaphore_mem>>) src(%arg8 : memref<128x128xf32, #tpu.memory_space<vmem>>) dst(%dma_wait3A_132 : memref<10240x128xf32, #tpu.memory_space<vmem_shared>>)
      tpu.yield
    }) : () -> ()
    %barrier3A_99 = arith.constant 0 : index
    tpu.barrier barrier_id(%barrier3A_99)
    %mul3A_100 = arith.constant 640 : i32
    %mul3A_101 = arith.muli %arg1, %mul3A_100 : i32
    %add3A_102 = arith.constant 0 : i32
    %add3A_103 = arith.addi %mul3A_101, %add3A_102 : i32
    "tpu.region"() ({
      %run_scoped3A_120 = tpu.sem_alloc : memref<!tpu.dma_semaphore, #tpu.memory_space<semaphore_mem>>
      %dma_start3A_121 = arith.constant 0 : i32
      %dma_start3A_122 = tpu.memref_slice %arg4[%arg0, %add3A_103, %dma_start3A_121] : memref<2x10240x128xf32, #tpu.memory_space<hbm>> -> memref<1x128x128xf32, #tpu.memory_space<hbm>>
      %dma_start3A_123 = tpu.memref_squeeze %dma_start3A_122 : memref<1x128x128xf32, #tpu.memory_space<hbm>> -> memref<128x128xf32, #tpu.memory_space<hbm>>
      %dma_start3A_124 = arith.constant 0 : i32
      %dma_start3A_125 = tpu.memref_slice %arg9[%add3A_103, %dma_start3A_124] : memref<10240x128xf32, #tpu.memory_space<vmem_shared>> -> memref<128x128xf32, #tpu.memory_space<vmem_shared>>
      tpu.enqueue_dma source(%dma_start3A_125 : memref<128x128xf32, #tpu.memory_space<vmem_shared>>) target(%dma_start3A_123 : memref<128x128xf32, #tpu.memory_space<hbm>>) target_semaphore(%run_scoped3A_120 : memref<!tpu.dma_semaphore, #tpu.memory_space<semaphore_mem>>)
      %dma_wait3A_126 = arith.constant 0 : i32
      %dma_wait3A_127 = tpu.memref_slice %arg4[%arg0, %add3A_103, %dma_wait3A_126] : memref<2x10240x128xf32, #tpu.memory_space<hbm>> -> memref<1x128x128xf32, #tpu.memory_space<hbm>>
      %dma_wait3A_128 = tpu.memref_squeeze %dma_wait3A_127 : memref<1x128x128xf32, #tpu.memory_space<hbm>> -> memref<128x128xf32, #tpu.memory_space<hbm>>
      %dma_wait3A_129 = arith.constant 0 : i32
      %dma_wait3A_130 = tpu.memref_slice %arg9[%add3A_103, %dma_wait3A_129] : memref<10240x128xf32, #tpu.memory_space<vmem_shared>> -> memref<128x128xf32, #tpu.memory_space<vmem_shared>>
      tpu.wait_dma2 semaphore(%run_scoped3A_120 : memref<!tpu.dma_semaphore, #tpu.memory_space<semaphore_mem>>) src(%dma_wait3A_130 : memref<128x128xf32, #tpu.memory_space<vmem_shared>>) dst(%dma_wait3A_128 : memref<128x128xf32, #tpu.memory_space<hbm>>)
      tpu.yield
    }) : () -> ()
    %mul3A_104 = arith.constant 640 : i32
    %mul3A_105 = arith.muli %arg1, %mul3A_104 : i32
    %add3A_106 = arith.constant 128 : i32
    %add3A_107 = arith.addi %mul3A_105, %add3A_106 : i32
    "tpu.region"() ({
      %run_scoped3A_120 = tpu.sem_alloc : memref<!tpu.dma_semaphore, #tpu.memory_space<semaphore_mem>>
      %dma_start3A_121 = arith.constant 0 : i32
      %dma_start3A_122 = tpu.memref_slice %arg4[%arg0, %add3A_107, %dma_start3A_121] : memref<2x10240x128xf32, #tpu.memory_space<hbm>> -> memref<1x128x128xf32, #tpu.memory_space<hbm>>
      %dma_start3A_123 = tpu.memref_squeeze %dma_start3A_122 : memref<1x128x128xf32, #tpu.memory_space<hbm>> -> memref<128x128xf32, #tpu.memory_space<hbm>>
      %dma_start3A_124 = arith.constant 0 : i32
      %dma_start3A_125 = tpu.memref_slice %arg9[%add3A_107, %dma_start3A_124] : memref<10240x128xf32, #tpu.memory_space<vmem_shared>> -> memref<128x128xf32, #tpu.memory_space<vmem_shared>>
      tpu.enqueue_dma source(%dma_start3A_125 : memref<128x128xf32, #tpu.memory_space<vmem_shared>>) target(%dma_start3A_123 : memref<128x128xf32, #tpu.memory_space<hbm>>) target_semaphore(%run_scoped3A_120 : memref<!tpu.dma_semaphore, #tpu.memory_space<semaphore_mem>>)
      %dma_wait3A_126 = arith.constant 0 : i32
      %dma_wait3A_127 = tpu.memref_slice %arg4[%arg0, %add3A_107, %dma_wait3A_126] : memref<2x10240x128xf32, #tpu.memory_space<hbm>> -> memref<1x128x128xf32, #tpu.memory_space<hbm>>
      %dma_wait3A_128 = tpu.memref_squeeze %dma_wait3A_127 : memref<1x128x128xf32, #tpu.memory_space<hbm>> -> memref<128x128xf32, #tpu.memory_space<hbm>>
      %dma_wait3A_129 = arith.constant 0 : i32
      %dma_wait3A_130 = tpu.memref_slice %arg9[%add3A_107, %dma_wait3A_129] : memref<10240x128xf32, #tpu.memory_space<vmem_shared>> -> memref<128x128xf32, #tpu.memory_space<vmem_shared>>
      tpu.wait_dma2 semaphore(%run_scoped3A_120 : memref<!tpu.dma_semaphore, #tpu.memory_space<semaphore_mem>>) src(%dma_wait3A_130 : memref<128x128xf32, #tpu.memory_space<vmem_shared>>) dst(%dma_wait3A_128 : memref<128x128xf32, #tpu.memory_space<hbm>>)
      tpu.yield
    }) : () -> ()
    %mul3A_108 = arith.constant 640 : i32
    %mul3A_109 = arith.muli %arg1, %mul3A_108 : i32
    %add3A_110 = arith.constant 256 : i32
    %add3A_111 = arith.addi %mul3A_109, %add3A_110 : i32
    "tpu.region"() ({
      %run_scoped3A_120 = tpu.sem_alloc : memref<!tpu.dma_semaphore, #tpu.memory_space<semaphore_mem>>
      %dma_start3A_121 = arith.constant 0 : i32
      %dma_start3A_122 = tpu.memref_slice %arg4[%arg0, %add3A_111, %dma_start3A_121] : memref<2x10240x128xf32, #tpu.memory_space<hbm>> -> memref<1x128x128xf32, #tpu.memory_space<hbm>>
      %dma_start3A_123 = tpu.memref_squeeze %dma_start3A_122 : memref<1x128x128xf32, #tpu.memory_space<hbm>> -> memref<128x128xf32, #tpu.memory_space<hbm>>
      %dma_start3A_124 = arith.constant 0 : i32
      %dma_start3A_125 = tpu.memref_slice %arg9[%add3A_111, %dma_start3A_124] : memref<10240x128xf32, #tpu.memory_space<vmem_shared>> -> memref<128x128xf32, #tpu.memory_space<vmem_shared>>
      tpu.enqueue_dma source(%dma_start3A_125 : memref<128x128xf32, #tpu.memory_space<vmem_shared>>) target(%dma_start3A_123 : memref<128x128xf32, #tpu.memory_space<hbm>>) target_semaphore(%run_scoped3A_120 : memref<!tpu.dma_semaphore, #tpu.memory_space<semaphore_mem>>)
      %dma_wait3A_126 = arith.constant 0 : i32
      %dma_wait3A_127 = tpu.memref_slice %arg4[%arg0, %add3A_111, %dma_wait3A_126] : memref<2x10240x128xf32, #tpu.memory_space<hbm>> -> memref<1x128x128xf32, #tpu.memory_space<hbm>>
      %dma_wait3A_128 = tpu.memref_squeeze %dma_wait3A_127 : memref<1x128x128xf32, #tpu.memory_space<hbm>> -> memref<128x128xf32, #tpu.memory_space<hbm>>
      %dma_wait3A_129 = arith.constant 0 : i32
      %dma_wait3A_130 = tpu.memref_slice %arg9[%add3A_111, %dma_wait3A_129] : memref<10240x128xf32, #tpu.memory_space<vmem_shared>> -> memref<128x128xf32, #tpu.memory_space<vmem_shared>>
      tpu.wait_dma2 semaphore(%run_scoped3A_120 : memref<!tpu.dma_semaphore, #tpu.memory_space<semaphore_mem>>) src(%dma_wait3A_130 : memref<128x128xf32, #tpu.memory_space<vmem_shared>>) dst(%dma_wait3A_128 : memref<128x128xf32, #tpu.memory_space<hbm>>)
      tpu.yield
    }) : () -> ()
    %mul3A_112 = arith.constant 640 : i32
    %mul3A_113 = arith.muli %arg1, %mul3A_112 : i32
    %add3A_114 = arith.constant 384 : i32
    %add3A_115 = arith.addi %mul3A_113, %add3A_114 : i32
    "tpu.region"() ({
      %run_scoped3A_120 = tpu.sem_alloc : memref<!tpu.dma_semaphore, #tpu.memory_space<semaphore_mem>>
      %dma_start3A_121 = arith.constant 0 : i32
      %dma_start3A_122 = tpu.memref_slice %arg4[%arg0, %add3A_115, %dma_start3A_121] : memref<2x10240x128xf32, #tpu.memory_space<hbm>> -> memref<1x128x128xf32, #tpu.memory_space<hbm>>
      %dma_start3A_123 = tpu.memref_squeeze %dma_start3A_122 : memref<1x128x128xf32, #tpu.memory_space<hbm>> -> memref<128x128xf32, #tpu.memory_space<hbm>>
      %dma_start3A_124 = arith.constant 0 : i32
      %dma_start3A_125 = tpu.memref_slice %arg9[%add3A_115, %dma_start3A_124] : memref<10240x128xf32, #tpu.memory_space<vmem_shared>> -> memref<128x128xf32, #tpu.memory_space<vmem_shared>>
      tpu.enqueue_dma source(%dma_start3A_125 : memref<128x128xf32, #tpu.memory_space<vmem_shared>>) target(%dma_start3A_123 : memref<128x128xf32, #tpu.memory_space<hbm>>) target_semaphore(%run_scoped3A_120 : memref<!tpu.dma_semaphore, #tpu.memory_space<semaphore_mem>>)
      %dma_wait3A_126 = arith.constant 0 : i32
      %dma_wait3A_127 = tpu.memref_slice %arg4[%arg0, %add3A_115, %dma_wait3A_126] : memref<2x10240x128xf32, #tpu.memory_space<hbm>> -> memref<1x128x128xf32, #tpu.memory_space<hbm>>
      %dma_wait3A_128 = tpu.memref_squeeze %dma_wait3A_127 : memref<1x128x128xf32, #tpu.memory_space<hbm>> -> memref<128x128xf32, #tpu.memory_space<hbm>>
      %dma_wait3A_129 = arith.constant 0 : i32
      %dma_wait3A_130 = tpu.memref_slice %arg9[%add3A_115, %dma_wait3A_129] : memref<10240x128xf32, #tpu.memory_space<vmem_shared>> -> memref<128x128xf32, #tpu.memory_space<vmem_shared>>
      tpu.wait_dma2 semaphore(%run_scoped3A_120 : memref<!tpu.dma_semaphore, #tpu.memory_space<semaphore_mem>>) src(%dma_wait3A_130 : memref<128x128xf32, #tpu.memory_space<vmem_shared>>) dst(%dma_wait3A_128 : memref<128x128xf32, #tpu.memory_space<hbm>>)
      tpu.yield
    }) : () -> ()
    %mul3A_116 = arith.constant 640 : i32
    %mul3A_117 = arith.muli %arg1, %mul3A_116 : i32
    %add3A_118 = arith.constant 512 : i32
    %add3A_119 = arith.addi %mul3A_117, %add3A_118 : i32
    "tpu.region"() ({
      %run_scoped3A_120 = tpu.sem_alloc : memref<!tpu.dma_semaphore, #tpu.memory_space<semaphore_mem>>
      %dma_start3A_121 = arith.constant 0 : i32
      %dma_start3A_122 = tpu.memref_slice %arg4[%arg0, %add3A_119, %dma_start3A_121] : memref<2x10240x128xf32, #tpu.memory_space<hbm>> -> memref<1x128x128xf32, #tpu.memory_space<hbm>>
      %dma_start3A_123 = tpu.memref_squeeze %dma_start3A_122 : memref<1x128x128xf32, #tpu.memory_space<hbm>> -> memref<128x128xf32, #tpu.memory_space<hbm>>
      %dma_start3A_124 = arith.constant 0 : i32
      %dma_start3A_125 = tpu.memref_slice %arg9[%add3A_119, %dma_start3A_124] : memref<10240x128xf32, #tpu.memory_space<vmem_shared>> -> memref<128x128xf32, #tpu.memory_space<vmem_shared>>
      tpu.enqueue_dma source(%dma_start3A_125 : memref<128x128xf32, #tpu.memory_space<vmem_shared>>) target(%dma_start3A_123 : memref<128x128xf32, #tpu.memory_space<hbm>>) target_semaphore(%run_scoped3A_120 : memref<!tpu.dma_semaphore, #tpu.memory_space<semaphore_mem>>)
      %dma_wait3A_126 = arith.constant 0 : i32
      %dma_wait3A_127 = tpu.memref_slice %arg4[%arg0, %add3A_119, %dma_wait3A_126] : memref<2x10240x128xf32, #tpu.memory_space<hbm>> -> memref<1x128x128xf32, #tpu.memory_space<hbm>>
      %dma_wait3A_128 = tpu.memref_squeeze %dma_wait3A_127 : memref<1x128x128xf32, #tpu.memory_space<hbm>> -> memref<128x128xf32, #tpu.memory_space<hbm>>
      %dma_wait3A_129 = arith.constant 0 : i32
      %dma_wait3A_130 = tpu.memref_slice %arg9[%add3A_119, %dma_wait3A_129] : memref<10240x128xf32, #tpu.memory_space<vmem_shared>> -> memref<128x128xf32, #tpu.memory_space<vmem_shared>>
      tpu.wait_dma2 semaphore(%run_scoped3A_120 : memref<!tpu.dma_semaphore, #tpu.memory_space<semaphore_mem>>) src(%dma_wait3A_130 : memref<128x128xf32, #tpu.memory_space<vmem_shared>>) dst(%dma_wait3A_128 : memref<128x128xf32, #tpu.memory_space<hbm>>)
      tpu.yield
    }) : () -> ()
    return
  }
}

#map = affine_map<(d0, d1) -> (0, 0, 0, 0)>
#map1 = affine_map<(d0, d1) -> (0, 0, 0)>
module attributes {stable_mosaic.version = 14 : i64} {
  func.func @k(%arg0: i32, %arg1: i32, %arg2: memref<2x32x80x128xi32, #tpu.memory_space<hbm>>, %arg3: memref<2x2x10240xf32, #tpu.memory_space<hbm>>, %arg4: memref<80x128xi32, #tpu.memory_space<vmem>>, %arg5: memref<80x128xi32, #tpu.memory_space<vmem>>, %arg6: memref<128xf32, #tpu.memory_space<vmem>>, %arg7: memref<128xf32, #tpu.memory_space<vmem>>, %arg8: memref<10240xf32, #tpu.memory_space<vmem_shared>>, %arg9: memref<10240xf32, #tpu.memory_space<vmem_shared>>, %arg10: memref<!tpu.dma_semaphore, #tpu.memory_space<semaphore_mem>>) attributes {dimension_semantics = [#tpu.dimension_semantics<core_parallel>, #tpu.dimension_semantics<subcore_parallel>], iteration_bounds = array<i64: 2, 16>, scalar_prefetch = 0 : i64, scratch_operands = 7 : i64, tpu.core_type = #tpu.core_type<sc_vector_subcore>, window_params = [{transform_indices = #map}, {transform_indices = #map1}]} {
    %mul3A = arith.constant 2 : i32
    %mul3A_0 = arith.muli %arg1, %mul3A : i32
    %add3A = arith.addi %mul3A_0, %arg0 : i32
    %broadcast_in_dim3A = arith.constant 1.000000e+00 : f32
    %broadcast_in_dim3A_1 = vector.broadcast %broadcast_in_dim3A : f32 to vector<16xf32>
    %swap3A = arith.constant 0 : index
    %swap3A_2 = tpu.vector_load %arg6[%swap3A] {strides = array<i32>} : memref<128xf32, #tpu.memory_space<vmem>>, vector<16xf32>,
    %swap3A_3 = vector.shape_cast %swap3A_2 : vector<16xf32> to vector<16xf32>
    %swap3A_4 = vector.shape_cast %broadcast_in_dim3A_1 : vector<16xf32> to vector<16xf32>
    tpu.vector_store %arg6[%swap3A], %swap3A_4 {strides = array<i32>} : memref<128xf32, #tpu.memory_space<vmem>>, vector<16xf32>,
    %broadcast_in_dim3A_5 = arith.constant 0.000000e+00 : f32
    %broadcast_in_dim3A_6 = vector.broadcast %broadcast_in_dim3A_5 : f32 to vector<16xf32>
    %swap3A_7 = arith.constant 0 : index
    %swap3A_8 = tpu.vector_load %arg7[%swap3A_7] {strides = array<i32>} : memref<128xf32, #tpu.memory_space<vmem>>, vector<16xf32>,
    %swap3A_9 = vector.shape_cast %swap3A_8 : vector<16xf32> to vector<16xf32>
    %swap3A_10 = vector.shape_cast %broadcast_in_dim3A_6 : vector<16xf32> to vector<16xf32>
    tpu.vector_store %arg7[%swap3A_7], %swap3A_10 {strides = array<i32>} : memref<128xf32, #tpu.memory_space<vmem>>, vector<16xf32>,
    %broadcast_in_dim3A_11 = arith.constant 1.000000e+00 : f32
    %broadcast_in_dim3A_12 = vector.broadcast %broadcast_in_dim3A_11 : f32 to vector<16xf32>
    %swap3A_13 = arith.constant 16 : index
    %swap3A_14 = tpu.vector_load %arg6[%swap3A_13] {strides = array<i32>} : memref<128xf32, #tpu.memory_space<vmem>>, vector<16xf32>,
    %swap3A_15 = vector.shape_cast %swap3A_14 : vector<16xf32> to vector<16xf32>
    %swap3A_16 = vector.shape_cast %broadcast_in_dim3A_12 : vector<16xf32> to vector<16xf32>
    tpu.vector_store %arg6[%swap3A_13], %swap3A_16 {strides = array<i32>} : memref<128xf32, #tpu.memory_space<vmem>>, vector<16xf32>,
    %broadcast_in_dim3A_17 = arith.constant 0.000000e+00 : f32
    %broadcast_in_dim3A_18 = vector.broadcast %broadcast_in_dim3A_17 : f32 to vector<16xf32>
    %swap3A_19 = arith.constant 16 : index
    %swap3A_20 = tpu.vector_load %arg7[%swap3A_19] {strides = array<i32>} : memref<128xf32, #tpu.memory_space<vmem>>, vector<16xf32>,
    %swap3A_21 = vector.shape_cast %swap3A_20 : vector<16xf32> to vector<16xf32>
    %swap3A_22 = vector.shape_cast %broadcast_in_dim3A_18 : vector<16xf32> to vector<16xf32>
    tpu.vector_store %arg7[%swap3A_19], %swap3A_22 {strides = array<i32>} : memref<128xf32, #tpu.memory_space<vmem>>, vector<16xf32>,
    %broadcast_in_dim3A_23 = arith.constant 1.000000e+00 : f32
    %broadcast_in_dim3A_24 = vector.broadcast %broadcast_in_dim3A_23 : f32 to vector<16xf32>
    %swap3A_25 = arith.constant 32 : index
    %swap3A_26 = tpu.vector_load %arg6[%swap3A_25] {strides = array<i32>} : memref<128xf32, #tpu.memory_space<vmem>>, vector<16xf32>,
    %swap3A_27 = vector.shape_cast %swap3A_26 : vector<16xf32> to vector<16xf32>
    %swap3A_28 = vector.shape_cast %broadcast_in_dim3A_24 : vector<16xf32> to vector<16xf32>
    tpu.vector_store %arg6[%swap3A_25], %swap3A_28 {strides = array<i32>} : memref<128xf32, #tpu.memory_space<vmem>>, vector<16xf32>,
    %broadcast_in_dim3A_29 = arith.constant 0.000000e+00 : f32
    %broadcast_in_dim3A_30 = vector.broadcast %broadcast_in_dim3A_29 : f32 to vector<16xf32>
    %swap3A_31 = arith.constant 32 : index
    %swap3A_32 = tpu.vector_load %arg7[%swap3A_31] {strides = array<i32>} : memref<128xf32, #tpu.memory_space<vmem>>, vector<16xf32>,
    %swap3A_33 = vector.shape_cast %swap3A_32 : vector<16xf32> to vector<16xf32>
    %swap3A_34 = vector.shape_cast %broadcast_in_dim3A_30 : vector<16xf32> to vector<16xf32>
    tpu.vector_store %arg7[%swap3A_31], %swap3A_34 {strides = array<i32>} : memref<128xf32, #tpu.memory_space<vmem>>, vector<16xf32>,
    %broadcast_in_dim3A_35 = arith.constant 1.000000e+00 : f32
    %broadcast_in_dim3A_36 = vector.broadcast %broadcast_in_dim3A_35 : f32 to vector<16xf32>
    %swap3A_37 = arith.constant 48 : index
    %swap3A_38 = tpu.vector_load %arg6[%swap3A_37] {strides = array<i32>} : memref<128xf32, #tpu.memory_space<vmem>>, vector<16xf32>,
    %swap3A_39 = vector.shape_cast %swap3A_38 : vector<16xf32> to vector<16xf32>
    %swap3A_40 = vector.shape_cast %broadcast_in_dim3A_36 : vector<16xf32> to vector<16xf32>
    tpu.vector_store %arg6[%swap3A_37], %swap3A_40 {strides = array<i32>} : memref<128xf32, #tpu.memory_space<vmem>>, vector<16xf32>,
    %broadcast_in_dim3A_41 = arith.constant 0.000000e+00 : f32
    %broadcast_in_dim3A_42 = vector.broadcast %broadcast_in_dim3A_41 : f32 to vector<16xf32>
    %swap3A_43 = arith.constant 48 : index
    %swap3A_44 = tpu.vector_load %arg7[%swap3A_43] {strides = array<i32>} : memref<128xf32, #tpu.memory_space<vmem>>, vector<16xf32>,
    %swap3A_45 = vector.shape_cast %swap3A_44 : vector<16xf32> to vector<16xf32>
    %swap3A_46 = vector.shape_cast %broadcast_in_dim3A_42 : vector<16xf32> to vector<16xf32>
    tpu.vector_store %arg7[%swap3A_43], %swap3A_46 {strides = array<i32>} : memref<128xf32, #tpu.memory_space<vmem>>, vector<16xf32>,
    %broadcast_in_dim3A_47 = arith.constant 1.000000e+00 : f32
    %broadcast_in_dim3A_48 = vector.broadcast %broadcast_in_dim3A_47 : f32 to vector<16xf32>
    %swap3A_49 = arith.constant 64 : index
    %swap3A_50 = tpu.vector_load %arg6[%swap3A_49] {strides = array<i32>} : memref<128xf32, #tpu.memory_space<vmem>>, vector<16xf32>,
    %swap3A_51 = vector.shape_cast %swap3A_50 : vector<16xf32> to vector<16xf32>
    %swap3A_52 = vector.shape_cast %broadcast_in_dim3A_48 : vector<16xf32> to vector<16xf32>
    tpu.vector_store %arg6[%swap3A_49], %swap3A_52 {strides = array<i32>} : memref<128xf32, #tpu.memory_space<vmem>>, vector<16xf32>,
    %broadcast_in_dim3A_53 = arith.constant 0.000000e+00 : f32
    %broadcast_in_dim3A_54 = vector.broadcast %broadcast_in_dim3A_53 : f32 to vector<16xf32>
    %swap3A_55 = arith.constant 64 : index
    %swap3A_56 = tpu.vector_load %arg7[%swap3A_55] {strides = array<i32>} : memref<128xf32, #tpu.memory_space<vmem>>, vector<16xf32>,
    %swap3A_57 = vector.shape_cast %swap3A_56 : vector<16xf32> to vector<16xf32>
    %swap3A_58 = vector.shape_cast %broadcast_in_dim3A_54 : vector<16xf32> to vector<16xf32>
    tpu.vector_store %arg7[%swap3A_55], %swap3A_58 {strides = array<i32>} : memref<128xf32, #tpu.memory_space<vmem>>, vector<16xf32>,
    %broadcast_in_dim3A_59 = arith.constant 1.000000e+00 : f32
    %broadcast_in_dim3A_60 = vector.broadcast %broadcast_in_dim3A_59 : f32 to vector<16xf32>
    %swap3A_61 = arith.constant 80 : index
    %swap3A_62 = tpu.vector_load %arg6[%swap3A_61] {strides = array<i32>} : memref<128xf32, #tpu.memory_space<vmem>>, vector<16xf32>,
    %swap3A_63 = vector.shape_cast %swap3A_62 : vector<16xf32> to vector<16xf32>
    %swap3A_64 = vector.shape_cast %broadcast_in_dim3A_60 : vector<16xf32> to vector<16xf32>
    tpu.vector_store %arg6[%swap3A_61], %swap3A_64 {strides = array<i32>} : memref<128xf32, #tpu.memory_space<vmem>>, vector<16xf32>,
    %broadcast_in_dim3A_65 = arith.constant 0.000000e+00 : f32
    %broadcast_in_dim3A_66 = vector.broadcast %broadcast_in_dim3A_65 : f32 to vector<16xf32>
    %swap3A_67 = arith.constant 80 : index
    %swap3A_68 = tpu.vector_load %arg7[%swap3A_67] {strides = array<i32>} : memref<128xf32, #tpu.memory_space<vmem>>, vector<16xf32>,
    %swap3A_69 = vector.shape_cast %swap3A_68 : vector<16xf32> to vector<16xf32>
    %swap3A_70 = vector.shape_cast %broadcast_in_dim3A_66 : vector<16xf32> to vector<16xf32>
    tpu.vector_store %arg7[%swap3A_67], %swap3A_70 {strides = array<i32>} : memref<128xf32, #tpu.memory_space<vmem>>, vector<16xf32>,
    %broadcast_in_dim3A_71 = arith.constant 1.000000e+00 : f32
    %broadcast_in_dim3A_72 = vector.broadcast %broadcast_in_dim3A_71 : f32 to vector<16xf32>
    %swap3A_73 = arith.constant 96 : index
    %swap3A_74 = tpu.vector_load %arg6[%swap3A_73] {strides = array<i32>} : memref<128xf32, #tpu.memory_space<vmem>>, vector<16xf32>,
    %swap3A_75 = vector.shape_cast %swap3A_74 : vector<16xf32> to vector<16xf32>
    %swap3A_76 = vector.shape_cast %broadcast_in_dim3A_72 : vector<16xf32> to vector<16xf32>
    tpu.vector_store %arg6[%swap3A_73], %swap3A_76 {strides = array<i32>} : memref<128xf32, #tpu.memory_space<vmem>>, vector<16xf32>,
    %broadcast_in_dim3A_77 = arith.constant 0.000000e+00 : f32
    %broadcast_in_dim3A_78 = vector.broadcast %broadcast_in_dim3A_77 : f32 to vector<16xf32>
    %swap3A_79 = arith.constant 96 : index
    %swap3A_80 = tpu.vector_load %arg7[%swap3A_79] {strides = array<i32>} : memref<128xf32, #tpu.memory_space<vmem>>, vector<16xf32>,
    %swap3A_81 = vector.shape_cast %swap3A_80 : vector<16xf32> to vector<16xf32>
    %swap3A_82 = vector.shape_cast %broadcast_in_dim3A_78 : vector<16xf32> to vector<16xf32>
    tpu.vector_store %arg7[%swap3A_79], %swap3A_82 {strides = array<i32>} : memref<128xf32, #tpu.memory_space<vmem>>, vector<16xf32>,
    %broadcast_in_dim3A_83 = arith.constant 1.000000e+00 : f32
    %broadcast_in_dim3A_84 = vector.broadcast %broadcast_in_dim3A_83 : f32 to vector<16xf32>
    %swap3A_85 = arith.constant 112 : index
    %swap3A_86 = tpu.vector_load %arg6[%swap3A_85] {strides = array<i32>} : memref<128xf32, #tpu.memory_space<vmem>>, vector<16xf32>,
    %swap3A_87 = vector.shape_cast %swap3A_86 : vector<16xf32> to vector<16xf32>
    %swap3A_88 = vector.shape_cast %broadcast_in_dim3A_84 : vector<16xf32> to vector<16xf32>
    tpu.vector_store %arg6[%swap3A_85], %swap3A_88 {strides = array<i32>} : memref<128xf32, #tpu.memory_space<vmem>>, vector<16xf32>,
    %broadcast_in_dim3A_89 = arith.constant 0.000000e+00 : f32
    %broadcast_in_dim3A_90 = vector.broadcast %broadcast_in_dim3A_89 : f32 to vector<16xf32>
    %swap3A_91 = arith.constant 112 : index
    %swap3A_92 = tpu.vector_load %arg7[%swap3A_91] {strides = array<i32>} : memref<128xf32, #tpu.memory_space<vmem>>, vector<16xf32>,
    %swap3A_93 = vector.shape_cast %swap3A_92 : vector<16xf32> to vector<16xf32>
    %swap3A_94 = vector.shape_cast %broadcast_in_dim3A_90 : vector<16xf32> to vector<16xf32>
    tpu.vector_store %arg7[%swap3A_91], %swap3A_94 {strides = array<i32>} : memref<128xf32, #tpu.memory_space<vmem>>, vector<16xf32>,
    %mul3A_95 = arith.constant 640 : i32
    %mul3A_96 = arith.muli %arg1, %mul3A_95 : i32
    %add3A_97 = arith.constant 0 : i32
    %add3A_98 = arith.addi %mul3A_96, %add3A_97 : i32
    "tpu.region"() ({
      %run_scoped3A_158 = tpu.sem_alloc : memref<!tpu.dma_semaphore, #tpu.memory_space<semaphore_mem>>
      %dma_start3A = tpu.memref_slice %arg8[%add3A_98] : memref<10240xf32, #tpu.memory_space<vmem_shared>> -> memref<128xf32, #tpu.memory_space<vmem_shared>>
      %dma_start3A_159 = tpu.memref_slice %arg8[%add3A_98] : memref<10240xf32, #tpu.memory_space<vmem_shared>> -> memref<128xf32, #tpu.memory_space<vmem_shared>>
      tpu.enqueue_dma source(%arg7 : memref<128xf32, #tpu.memory_space<vmem>>) target(%dma_start3A_159 : memref<128xf32, #tpu.memory_space<vmem_shared>>) target_semaphore(%run_scoped3A_158 : memref<!tpu.dma_semaphore, #tpu.memory_space<semaphore_mem>>)
      %dma_wait3A = tpu.memref_slice %arg8[%add3A_98] : memref<10240xf32, #tpu.memory_space<vmem_shared>> -> memref<128xf32, #tpu.memory_space<vmem_shared>>
      %dma_wait3A_160 = tpu.memref_slice %arg8[%add3A_98] : memref<10240xf32, #tpu.memory_space<vmem_shared>> -> memref<128xf32, #tpu.memory_space<vmem_shared>>
      tpu.wait_dma2 semaphore(%run_scoped3A_158 : memref<!tpu.dma_semaphore, #tpu.memory_space<semaphore_mem>>) src(%arg7 : memref<128xf32, #tpu.memory_space<vmem>>) dst(%dma_wait3A_160 : memref<128xf32, #tpu.memory_space<vmem_shared>>)
      tpu.yield
    }) : () -> ()
    "tpu.region"() ({
      %run_scoped3A_158 = tpu.sem_alloc : memref<!tpu.dma_semaphore, #tpu.memory_space<semaphore_mem>>
      %dma_start3A = tpu.memref_slice %arg9[%add3A_98] : memref<10240xf32, #tpu.memory_space<vmem_shared>> -> memref<128xf32, #tpu.memory_space<vmem_shared>>
      %dma_start3A_159 = tpu.memref_slice %arg9[%add3A_98] : memref<10240xf32, #tpu.memory_space<vmem_shared>> -> memref<128xf32, #tpu.memory_space<vmem_shared>>
      tpu.enqueue_dma source(%arg7 : memref<128xf32, #tpu.memory_space<vmem>>) target(%dma_start3A_159 : memref<128xf32, #tpu.memory_space<vmem_shared>>) target_semaphore(%run_scoped3A_158 : memref<!tpu.dma_semaphore, #tpu.memory_space<semaphore_mem>>)
      %dma_wait3A = tpu.memref_slice %arg9[%add3A_98] : memref<10240xf32, #tpu.memory_space<vmem_shared>> -> memref<128xf32, #tpu.memory_space<vmem_shared>>
      %dma_wait3A_160 = tpu.memref_slice %arg9[%add3A_98] : memref<10240xf32, #tpu.memory_space<vmem_shared>> -> memref<128xf32, #tpu.memory_space<vmem_shared>>
      tpu.wait_dma2 semaphore(%run_scoped3A_158 : memref<!tpu.dma_semaphore, #tpu.memory_space<semaphore_mem>>) src(%arg7 : memref<128xf32, #tpu.memory_space<vmem>>) dst(%dma_wait3A_160 : memref<128xf32, #tpu.memory_space<vmem_shared>>)
      tpu.yield
    }) : () -> ()
    %mul3A_99 = arith.constant 640 : i32
    %mul3A_100 = arith.muli %arg1, %mul3A_99 : i32
    %add3A_101 = arith.constant 128 : i32
    %add3A_102 = arith.addi %mul3A_100, %add3A_101 : i32
    "tpu.region"() ({
      %run_scoped3A_158 = tpu.sem_alloc : memref<!tpu.dma_semaphore, #tpu.memory_space<semaphore_mem>>
      %dma_start3A = tpu.memref_slice %arg8[%add3A_102] : memref<10240xf32, #tpu.memory_space<vmem_shared>> -> memref<128xf32, #tpu.memory_space<vmem_shared>>
      %dma_start3A_159 = tpu.memref_slice %arg8[%add3A_102] : memref<10240xf32, #tpu.memory_space<vmem_shared>> -> memref<128xf32, #tpu.memory_space<vmem_shared>>
      tpu.enqueue_dma source(%arg7 : memref<128xf32, #tpu.memory_space<vmem>>) target(%dma_start3A_159 : memref<128xf32, #tpu.memory_space<vmem_shared>>) target_semaphore(%run_scoped3A_158 : memref<!tpu.dma_semaphore, #tpu.memory_space<semaphore_mem>>)
      %dma_wait3A = tpu.memref_slice %arg8[%add3A_102] : memref<10240xf32, #tpu.memory_space<vmem_shared>> -> memref<128xf32, #tpu.memory_space<vmem_shared>>
      %dma_wait3A_160 = tpu.memref_slice %arg8[%add3A_102] : memref<10240xf32, #tpu.memory_space<vmem_shared>> -> memref<128xf32, #tpu.memory_space<vmem_shared>>
      tpu.wait_dma2 semaphore(%run_scoped3A_158 : memref<!tpu.dma_semaphore, #tpu.memory_space<semaphore_mem>>) src(%arg7 : memref<128xf32, #tpu.memory_space<vmem>>) dst(%dma_wait3A_160 : memref<128xf32, #tpu.memory_space<vmem_shared>>)
      tpu.yield
    }) : () -> ()
    "tpu.region"() ({
      %run_scoped3A_158 = tpu.sem_alloc : memref<!tpu.dma_semaphore, #tpu.memory_space<semaphore_mem>>
      %dma_start3A = tpu.memref_slice %arg9[%add3A_102] : memref<10240xf32, #tpu.memory_space<vmem_shared>> -> memref<128xf32, #tpu.memory_space<vmem_shared>>
      %dma_start3A_159 = tpu.memref_slice %arg9[%add3A_102] : memref<10240xf32, #tpu.memory_space<vmem_shared>> -> memref<128xf32, #tpu.memory_space<vmem_shared>>
      tpu.enqueue_dma source(%arg7 : memref<128xf32, #tpu.memory_space<vmem>>) target(%dma_start3A_159 : memref<128xf32, #tpu.memory_space<vmem_shared>>) target_semaphore(%run_scoped3A_158 : memref<!tpu.dma_semaphore, #tpu.memory_space<semaphore_mem>>)
      %dma_wait3A = tpu.memref_slice %arg9[%add3A_102] : memref<10240xf32, #tpu.memory_space<vmem_shared>> -> memref<128xf32, #tpu.memory_space<vmem_shared>>
      %dma_wait3A_160 = tpu.memref_slice %arg9[%add3A_102] : memref<10240xf32, #tpu.memory_space<vmem_shared>> -> memref<128xf32, #tpu.memory_space<vmem_shared>>
      tpu.wait_dma2 semaphore(%run_scoped3A_158 : memref<!tpu.dma_semaphore, #tpu.memory_space<semaphore_mem>>) src(%arg7 : memref<128xf32, #tpu.memory_space<vmem>>) dst(%dma_wait3A_160 : memref<128xf32, #tpu.memory_space<vmem_shared>>)
      tpu.yield
    }) : () -> ()
    %mul3A_103 = arith.constant 640 : i32
    %mul3A_104 = arith.muli %arg1, %mul3A_103 : i32
    %add3A_105 = arith.constant 256 : i32
    %add3A_106 = arith.addi %mul3A_104, %add3A_105 : i32
    "tpu.region"() ({
      %run_scoped3A_158 = tpu.sem_alloc : memref<!tpu.dma_semaphore, #tpu.memory_space<semaphore_mem>>
      %dma_start3A = tpu.memref_slice %arg8[%add3A_106] : memref<10240xf32, #tpu.memory_space<vmem_shared>> -> memref<128xf32, #tpu.memory_space<vmem_shared>>
      %dma_start3A_159 = tpu.memref_slice %arg8[%add3A_106] : memref<10240xf32, #tpu.memory_space<vmem_shared>> -> memref<128xf32, #tpu.memory_space<vmem_shared>>
      tpu.enqueue_dma source(%arg7 : memref<128xf32, #tpu.memory_space<vmem>>) target(%dma_start3A_159 : memref<128xf32, #tpu.memory_space<vmem_shared>>) target_semaphore(%run_scoped3A_158 : memref<!tpu.dma_semaphore, #tpu.memory_space<semaphore_mem>>)
      %dma_wait3A = tpu.memref_slice %arg8[%add3A_106] : memref<10240xf32, #tpu.memory_space<vmem_shared>> -> memref<128xf32, #tpu.memory_space<vmem_shared>>
      %dma_wait3A_160 = tpu.memref_slice %arg8[%add3A_106] : memref<10240xf32, #tpu.memory_space<vmem_shared>> -> memref<128xf32, #tpu.memory_space<vmem_shared>>
      tpu.wait_dma2 semaphore(%run_scoped3A_158 : memref<!tpu.dma_semaphore, #tpu.memory_space<semaphore_mem>>) src(%arg7 : memref<128xf32, #tpu.memory_space<vmem>>) dst(%dma_wait3A_160 : memref<128xf32, #tpu.memory_space<vmem_shared>>)
      tpu.yield
    }) : () -> ()
    "tpu.region"() ({
      %run_scoped3A_158 = tpu.sem_alloc : memref<!tpu.dma_semaphore, #tpu.memory_space<semaphore_mem>>
      %dma_start3A = tpu.memref_slice %arg9[%add3A_106] : memref<10240xf32, #tpu.memory_space<vmem_shared>> -> memref<128xf32, #tpu.memory_space<vmem_shared>>
      %dma_start3A_159 = tpu.memref_slice %arg9[%add3A_106] : memref<10240xf32, #tpu.memory_space<vmem_shared>> -> memref<128xf32, #tpu.memory_space<vmem_shared>>
      tpu.enqueue_dma source(%arg7 : memref<128xf32, #tpu.memory_space<vmem>>) target(%dma_start3A_159 : memref<128xf32, #tpu.memory_space<vmem_shared>>) target_semaphore(%run_scoped3A_158 : memref<!tpu.dma_semaphore, #tpu.memory_space<semaphore_mem>>)
      %dma_wait3A = tpu.memref_slice %arg9[%add3A_106] : memref<10240xf32, #tpu.memory_space<vmem_shared>> -> memref<128xf32, #tpu.memory_space<vmem_shared>>
      %dma_wait3A_160 = tpu.memref_slice %arg9[%add3A_106] : memref<10240xf32, #tpu.memory_space<vmem_shared>> -> memref<128xf32, #tpu.memory_space<vmem_shared>>
      tpu.wait_dma2 semaphore(%run_scoped3A_158 : memref<!tpu.dma_semaphore, #tpu.memory_space<semaphore_mem>>) src(%arg7 : memref<128xf32, #tpu.memory_space<vmem>>) dst(%dma_wait3A_160 : memref<128xf32, #tpu.memory_space<vmem_shared>>)
      tpu.yield
    }) : () -> ()
    %mul3A_107 = arith.constant 640 : i32
    %mul3A_108 = arith.muli %arg1, %mul3A_107 : i32
    %add3A_109 = arith.constant 384 : i32
    %add3A_110 = arith.addi %mul3A_108, %add3A_109 : i32
    "tpu.region"() ({
      %run_scoped3A_158 = tpu.sem_alloc : memref<!tpu.dma_semaphore, #tpu.memory_space<semaphore_mem>>
      %dma_start3A = tpu.memref_slice %arg8[%add3A_110] : memref<10240xf32, #tpu.memory_space<vmem_shared>> -> memref<128xf32, #tpu.memory_space<vmem_shared>>
      %dma_start3A_159 = tpu.memref_slice %arg8[%add3A_110] : memref<10240xf32, #tpu.memory_space<vmem_shared>> -> memref<128xf32, #tpu.memory_space<vmem_shared>>
      tpu.enqueue_dma source(%arg7 : memref<128xf32, #tpu.memory_space<vmem>>) target(%dma_start3A_159 : memref<128xf32, #tpu.memory_space<vmem_shared>>) target_semaphore(%run_scoped3A_158 : memref<!tpu.dma_semaphore, #tpu.memory_space<semaphore_mem>>)
      %dma_wait3A = tpu.memref_slice %arg8[%add3A_110] : memref<10240xf32, #tpu.memory_space<vmem_shared>> -> memref<128xf32, #tpu.memory_space<vmem_shared>>
      %dma_wait3A_160 = tpu.memref_slice %arg8[%add3A_110] : memref<10240xf32, #tpu.memory_space<vmem_shared>> -> memref<128xf32, #tpu.memory_space<vmem_shared>>
      tpu.wait_dma2 semaphore(%run_scoped3A_158 : memref<!tpu.dma_semaphore, #tpu.memory_space<semaphore_mem>>) src(%arg7 : memref<128xf32, #tpu.memory_space<vmem>>) dst(%dma_wait3A_160 : memref<128xf32, #tpu.memory_space<vmem_shared>>)
      tpu.yield
    }) : () -> ()
    "tpu.region"() ({
      %run_scoped3A_158 = tpu.sem_alloc : memref<!tpu.dma_semaphore, #tpu.memory_space<semaphore_mem>>
      %dma_start3A = tpu.memref_slice %arg9[%add3A_110] : memref<10240xf32, #tpu.memory_space<vmem_shared>> -> memref<128xf32, #tpu.memory_space<vmem_shared>>
      %dma_start3A_159 = tpu.memref_slice %arg9[%add3A_110] : memref<10240xf32, #tpu.memory_space<vmem_shared>> -> memref<128xf32, #tpu.memory_space<vmem_shared>>
      tpu.enqueue_dma source(%arg7 : memref<128xf32, #tpu.memory_space<vmem>>) target(%dma_start3A_159 : memref<128xf32, #tpu.memory_space<vmem_shared>>) target_semaphore(%run_scoped3A_158 : memref<!tpu.dma_semaphore, #tpu.memory_space<semaphore_mem>>)
      %dma_wait3A = tpu.memref_slice %arg9[%add3A_110] : memref<10240xf32, #tpu.memory_space<vmem_shared>> -> memref<128xf32, #tpu.memory_space<vmem_shared>>
      %dma_wait3A_160 = tpu.memref_slice %arg9[%add3A_110] : memref<10240xf32, #tpu.memory_space<vmem_shared>> -> memref<128xf32, #tpu.memory_space<vmem_shared>>
      tpu.wait_dma2 semaphore(%run_scoped3A_158 : memref<!tpu.dma_semaphore, #tpu.memory_space<semaphore_mem>>) src(%arg7 : memref<128xf32, #tpu.memory_space<vmem>>) dst(%dma_wait3A_160 : memref<128xf32, #tpu.memory_space<vmem_shared>>)
      tpu.yield
    }) : () -> ()
    %mul3A_111 = arith.constant 640 : i32
    %mul3A_112 = arith.muli %arg1, %mul3A_111 : i32
    %add3A_113 = arith.constant 512 : i32
    %add3A_114 = arith.addi %mul3A_112, %add3A_113 : i32
    "tpu.region"() ({
      %run_scoped3A_158 = tpu.sem_alloc : memref<!tpu.dma_semaphore, #tpu.memory_space<semaphore_mem>>
      %dma_start3A = tpu.memref_slice %arg8[%add3A_114] : memref<10240xf32, #tpu.memory_space<vmem_shared>> -> memref<128xf32, #tpu.memory_space<vmem_shared>>
      %dma_start3A_159 = tpu.memref_slice %arg8[%add3A_114] : memref<10240xf32, #tpu.memory_space<vmem_shared>> -> memref<128xf32, #tpu.memory_space<vmem_shared>>
      tpu.enqueue_dma source(%arg7 : memref<128xf32, #tpu.memory_space<vmem>>) target(%dma_start3A_159 : memref<128xf32, #tpu.memory_space<vmem_shared>>) target_semaphore(%run_scoped3A_158 : memref<!tpu.dma_semaphore, #tpu.memory_space<semaphore_mem>>)
      %dma_wait3A = tpu.memref_slice %arg8[%add3A_114] : memref<10240xf32, #tpu.memory_space<vmem_shared>> -> memref<128xf32, #tpu.memory_space<vmem_shared>>
      %dma_wait3A_160 = tpu.memref_slice %arg8[%add3A_114] : memref<10240xf32, #tpu.memory_space<vmem_shared>> -> memref<128xf32, #tpu.memory_space<vmem_shared>>
      tpu.wait_dma2 semaphore(%run_scoped3A_158 : memref<!tpu.dma_semaphore, #tpu.memory_space<semaphore_mem>>) src(%arg7 : memref<128xf32, #tpu.memory_space<vmem>>) dst(%dma_wait3A_160 : memref<128xf32, #tpu.memory_space<vmem_shared>>)
      tpu.yield
    }) : () -> ()
    "tpu.region"() ({
      %run_scoped3A_158 = tpu.sem_alloc : memref<!tpu.dma_semaphore, #tpu.memory_space<semaphore_mem>>
      %dma_start3A = tpu.memref_slice %arg9[%add3A_114] : memref<10240xf32, #tpu.memory_space<vmem_shared>> -> memref<128xf32, #tpu.memory_space<vmem_shared>>
      %dma_start3A_159 = tpu.memref_slice %arg9[%add3A_114] : memref<10240xf32, #tpu.memory_space<vmem_shared>> -> memref<128xf32, #tpu.memory_space<vmem_shared>>
      tpu.enqueue_dma source(%arg7 : memref<128xf32, #tpu.memory_space<vmem>>) target(%dma_start3A_159 : memref<128xf32, #tpu.memory_space<vmem_shared>>) target_semaphore(%run_scoped3A_158 : memref<!tpu.dma_semaphore, #tpu.memory_space<semaphore_mem>>)
      %dma_wait3A = tpu.memref_slice %arg9[%add3A_114] : memref<10240xf32, #tpu.memory_space<vmem_shared>> -> memref<128xf32, #tpu.memory_space<vmem_shared>>
      %dma_wait3A_160 = tpu.memref_slice %arg9[%add3A_114] : memref<10240xf32, #tpu.memory_space<vmem_shared>> -> memref<128xf32, #tpu.memory_space<vmem_shared>>
      tpu.wait_dma2 semaphore(%run_scoped3A_158 : memref<!tpu.dma_semaphore, #tpu.memory_space<semaphore_mem>>) src(%arg7 : memref<128xf32, #tpu.memory_space<vmem>>) dst(%dma_wait3A_160 : memref<128xf32, #tpu.memory_space<vmem_shared>>)
      tpu.yield
    }) : () -> ()
    %run_scoped3A = arith.constant 0 : i32
    "tpu.region"() ({
      %run_scoped3A_158 = tpu.sem_alloc : memref<!tpu.dma_semaphore, #tpu.memory_space<semaphore_mem>>
      %dma_start3A = arith.constant 0 : i32
      %dma_start3A_159 = arith.constant 0 : i32
      %dma_start3A_160 = tpu.memref_slice %arg2[%run_scoped3A, %add3A, %dma_start3A, %dma_start3A_159] : memref<2x32x80x128xi32, #tpu.memory_space<hbm>> -> memref<1x1x80x128xi32, #tpu.memory_space<hbm>>
      %dma_start3A_161 = tpu.memref_squeeze %dma_start3A_160 : memref<1x1x80x128xi32, #tpu.memory_space<hbm>> -> memref<80x128xi32, #tpu.memory_space<hbm>>
      %dma_start3A_162 = arith.constant 0 : i32
      %dma_start3A_163 = arith.constant 0 : i32
      %dma_start3A_164 = tpu.memref_slice %arg2[%run_scoped3A, %add3A, %dma_start3A_162, %dma_start3A_163] : memref<2x32x80x128xi32, #tpu.memory_space<hbm>> -> memref<1x1x80x128xi32, #tpu.memory_space<hbm>>
      %dma_start3A_165 = tpu.memref_squeeze %dma_start3A_164 : memref<1x1x80x128xi32, #tpu.memory_space<hbm>> -> memref<80x128xi32, #tpu.memory_space<hbm>>
      tpu.enqueue_dma source(%dma_start3A_165 : memref<80x128xi32, #tpu.memory_space<hbm>>) target(%arg4 : memref<80x128xi32, #tpu.memory_space<vmem>>) target_semaphore(%run_scoped3A_158 : memref<!tpu.dma_semaphore, #tpu.memory_space<semaphore_mem>>)
      %dma_wait3A = arith.constant 0 : i32
      %dma_wait3A_166 = arith.constant 0 : i32
      %dma_wait3A_167 = tpu.memref_slice %arg2[%run_scoped3A, %add3A, %dma_wait3A, %dma_wait3A_166] : memref<2x32x80x128xi32, #tpu.memory_space<hbm>> -> memref<1x1x80x128xi32, #tpu.memory_space<hbm>>
      %dma_wait3A_168 = tpu.memref_squeeze %dma_wait3A_167 : memref<1x1x80x128xi32, #tpu.memory_space<hbm>> -> memref<80x128xi32, #tpu.memory_space<hbm>>
      %dma_wait3A_169 = arith.constant 0 : i32
      %dma_wait3A_170 = arith.constant 0 : i32
      %dma_wait3A_171 = tpu.memref_slice %arg2[%run_scoped3A, %add3A, %dma_wait3A_169, %dma_wait3A_170] : memref<2x32x80x128xi32, #tpu.memory_space<hbm>> -> memref<1x1x80x128xi32, #tpu.memory_space<hbm>>
      %dma_wait3A_172 = tpu.memref_squeeze %dma_wait3A_171 : memref<1x1x80x128xi32, #tpu.memory_space<hbm>> -> memref<80x128xi32, #tpu.memory_space<hbm>>
      tpu.wait_dma2 semaphore(%run_scoped3A_158 : memref<!tpu.dma_semaphore, #tpu.memory_space<semaphore_mem>>) src(%dma_wait3A_172 : memref<80x128xi32, #tpu.memory_space<hbm>>) dst(%arg4 : memref<80x128xi32, #tpu.memory_space<vmem>>)
      tpu.yield
    }) : () -> ()
    %run_scoped3A_115 = arith.constant 1 : i32
    "tpu.region"() ({
      %run_scoped3A_158 = tpu.sem_alloc : memref<!tpu.dma_semaphore, #tpu.memory_space<semaphore_mem>>
      %dma_start3A = arith.constant 0 : i32
      %dma_start3A_159 = arith.constant 0 : i32
      %dma_start3A_160 = tpu.memref_slice %arg2[%run_scoped3A_115, %add3A, %dma_start3A, %dma_start3A_159] : memref<2x32x80x128xi32, #tpu.memory_space<hbm>> -> memref<1x1x80x128xi32, #tpu.memory_space<hbm>>
      %dma_start3A_161 = tpu.memref_squeeze %dma_start3A_160 : memref<1x1x80x128xi32, #tpu.memory_space<hbm>> -> memref<80x128xi32, #tpu.memory_space<hbm>>
      %dma_start3A_162 = arith.constant 0 : i32
      %dma_start3A_163 = arith.constant 0 : i32
      %dma_start3A_164 = tpu.memref_slice %arg2[%run_scoped3A_115, %add3A, %dma_start3A_162, %dma_start3A_163] : memref<2x32x80x128xi32, #tpu.memory_space<hbm>> -> memref<1x1x80x128xi32, #tpu.memory_space<hbm>>
      %dma_start3A_165 = tpu.memref_squeeze %dma_start3A_164 : memref<1x1x80x128xi32, #tpu.memory_space<hbm>> -> memref<80x128xi32, #tpu.memory_space<hbm>>
      tpu.enqueue_dma source(%dma_start3A_165 : memref<80x128xi32, #tpu.memory_space<hbm>>) target(%arg5 : memref<80x128xi32, #tpu.memory_space<vmem>>) target_semaphore(%run_scoped3A_158 : memref<!tpu.dma_semaphore, #tpu.memory_space<semaphore_mem>>)
      %dma_wait3A = arith.constant 0 : i32
      %dma_wait3A_166 = arith.constant 0 : i32
      %dma_wait3A_167 = tpu.memref_slice %arg2[%run_scoped3A_115, %add3A, %dma_wait3A, %dma_wait3A_166] : memref<2x32x80x128xi32, #tpu.memory_space<hbm>> -> memref<1x1x80x128xi32, #tpu.memory_space<hbm>>
      %dma_wait3A_168 = tpu.memref_squeeze %dma_wait3A_167 : memref<1x1x80x128xi32, #tpu.memory_space<hbm>> -> memref<80x128xi32, #tpu.memory_space<hbm>>
      %dma_wait3A_169 = arith.constant 0 : i32
      %dma_wait3A_170 = arith.constant 0 : i32
      %dma_wait3A_171 = tpu.memref_slice %arg2[%run_scoped3A_115, %add3A, %dma_wait3A_169, %dma_wait3A_170] : memref<2x32x80x128xi32, #tpu.memory_space<hbm>> -> memref<1x1x80x128xi32, #tpu.memory_space<hbm>>
      %dma_wait3A_172 = tpu.memref_squeeze %dma_wait3A_171 : memref<1x1x80x128xi32, #tpu.memory_space<hbm>> -> memref<80x128xi32, #tpu.memory_space<hbm>>
      tpu.wait_dma2 semaphore(%run_scoped3A_158 : memref<!tpu.dma_semaphore, #tpu.memory_space<semaphore_mem>>) src(%dma_wait3A_172 : memref<80x128xi32, #tpu.memory_space<hbm>>) dst(%arg5 : memref<80x128xi32, #tpu.memory_space<vmem>>)
      tpu.yield
    }) : () -> ()
    %barrier3A = arith.constant 0 : index
    tpu.barrier barrier_id(%barrier3A)
    %scan3A = arith.constant 0 : i32
    %scan3A_116 = arith.constant 0 : i32
    %scan3A_117 = arith.constant 80 : i32
    %scan3A_118 = arith.addi %scan3A_116, %scan3A_117 : i32
    %scan3A_119 = arith.constant 1 : i32
    scf.for %scan3A_158 = %scan3A_116 to %scan3A_118 step %scan3A_119  : i32 {
      %dma_start3A = arith.constant 0 : i32
      %dma_start3A_159 = tpu.memref_slice %arg4[%scan3A_158, %dma_start3A] : memref<80x128xi32, #tpu.memory_space<vmem>> -> memref<1x128xi32, #tpu.memory_space<vmem>>
      %dma_start3A_160 = tpu.memref_squeeze %dma_start3A_159 : memref<1x128xi32, #tpu.memory_space<vmem>> -> memref<128xi32, #tpu.memory_space<vmem>>
      %dma_start3A_161 = arith.constant 0 : i32
      %dma_start3A_162 = tpu.memref_slice %arg8[%dma_start3A_161] : memref<10240xf32, #tpu.memory_space<vmem_shared>> -> memref<10240xf32, #tpu.memory_space<vmem_shared>>
      tpu.enqueue_indirect_dma source(%arg6 : memref<128xf32, #tpu.memory_space<vmem>>) target(%dma_start3A_162 : memref<10240xf32, #tpu.memory_space<vmem_shared>>) offsets(%dma_start3A_160 : memref<128xi32, #tpu.memory_space<vmem>>) semaphore(%arg10 : memref<!tpu.dma_semaphore, #tpu.memory_space<semaphore_mem>>) {add = true}
      %dma_start3A_163 = arith.constant 0 : i32
      %dma_start3A_164 = tpu.memref_slice %arg5[%scan3A_158, %dma_start3A_163] : memref<80x128xi32, #tpu.memory_space<vmem>> -> memref<1x128xi32, #tpu.memory_space<vmem>>
      %dma_start3A_165 = tpu.memref_squeeze %dma_start3A_164 : memref<1x128xi32, #tpu.memory_space<vmem>> -> memref<128xi32, #tpu.memory_space<vmem>>
      %dma_start3A_166 = arith.constant 0 : i32
      %dma_start3A_167 = tpu.memref_slice %arg9[%dma_start3A_166] : memref<10240xf32, #tpu.memory_space<vmem_shared>> -> memref<10240xf32, #tpu.memory_space<vmem_shared>>
      tpu.enqueue_indirect_dma source(%arg6 : memref<128xf32, #tpu.memory_space<vmem>>) target(%dma_start3A_167 : memref<10240xf32, #tpu.memory_space<vmem_shared>>) offsets(%dma_start3A_165 : memref<128xi32, #tpu.memory_space<vmem>>) semaphore(%arg10 : memref<!tpu.dma_semaphore, #tpu.memory_space<semaphore_mem>>) {add = true}
    }
    %scan3A_120 = arith.constant 80 : i32
    %scan3A_121 = arith.constant 0 : i32
    %scan3A_122 = arith.constant 0 : i32
    %scan3A_123 = arith.constant 80 : i32
    %scan3A_124 = arith.addi %scan3A_122, %scan3A_123 : i32
    %scan3A_125 = arith.constant 1 : i32
    scf.for %scan3A_158 = %scan3A_122 to %scan3A_124 step %scan3A_125  : i32 {
      %dma_wait3A = arith.constant 0 : i32
      %dma_wait3A_159 = tpu.memref_slice %arg4[%scan3A_158, %dma_wait3A] : memref<80x128xi32, #tpu.memory_space<vmem>> -> memref<1x128xi32, #tpu.memory_space<vmem>>
      %dma_wait3A_160 = tpu.memref_squeeze %dma_wait3A_159 : memref<1x128xi32, #tpu.memory_space<vmem>> -> memref<128xi32, #tpu.memory_space<vmem>>
      %dma_wait3A_161 = arith.constant 0 : i32
      %dma_wait3A_162 = tpu.memref_slice %arg8[%dma_wait3A_161] : memref<10240xf32, #tpu.memory_space<vmem_shared>> -> memref<10240xf32, #tpu.memory_space<vmem_shared>>
      tpu.wait_indirect_dma semaphore(%arg10 : memref<!tpu.dma_semaphore, #tpu.memory_space<semaphore_mem>>) src(%arg6 : memref<128xf32, #tpu.memory_space<vmem>>) dst(%dma_wait3A_162 : memref<10240xf32, #tpu.memory_space<vmem_shared>>)
      %dma_wait3A_163 = arith.constant 0 : i32
      %dma_wait3A_164 = tpu.memref_slice %arg5[%scan3A_158, %dma_wait3A_163] : memref<80x128xi32, #tpu.memory_space<vmem>> -> memref<1x128xi32, #tpu.memory_space<vmem>>
      %dma_wait3A_165 = tpu.memref_squeeze %dma_wait3A_164 : memref<1x128xi32, #tpu.memory_space<vmem>> -> memref<128xi32, #tpu.memory_space<vmem>>
      %dma_wait3A_166 = arith.constant 0 : i32
      %dma_wait3A_167 = tpu.memref_slice %arg9[%dma_wait3A_166] : memref<10240xf32, #tpu.memory_space<vmem_shared>> -> memref<10240xf32, #tpu.memory_space<vmem_shared>>
      tpu.wait_indirect_dma semaphore(%arg10 : memref<!tpu.dma_semaphore, #tpu.memory_space<semaphore_mem>>) src(%arg6 : memref<128xf32, #tpu.memory_space<vmem>>) dst(%dma_wait3A_167 : memref<10240xf32, #tpu.memory_space<vmem_shared>>)
    }
    %scan3A_126 = arith.constant 80 : i32
    %barrier3A_127 = arith.constant 0 : index
    tpu.barrier barrier_id(%barrier3A_127)
    %mul3A_128 = arith.constant 640 : i32
    %mul3A_129 = arith.muli %arg1, %mul3A_128 : i32
    %add3A_130 = arith.constant 0 : i32
    %add3A_131 = arith.addi %mul3A_129, %add3A_130 : i32
    %run_scoped3A_132 = arith.constant 0 : i32
    "tpu.region"() ({
      %run_scoped3A_158 = tpu.sem_alloc : memref<!tpu.dma_semaphore, #tpu.memory_space<semaphore_mem>>
      %dma_start3A = tpu.memref_slice %arg3[%arg0, %run_scoped3A_132, %add3A_131] : memref<2x2x10240xf32, #tpu.memory_space<hbm>> -> memref<1x1x128xf32, #tpu.memory_space<hbm>>
      %dma_start3A_159 = tpu.memref_squeeze %dma_start3A : memref<1x1x128xf32, #tpu.memory_space<hbm>> -> memref<128xf32, #tpu.memory_space<hbm>>
      %dma_start3A_160 = tpu.memref_slice %arg8[%add3A_131] : memref<10240xf32, #tpu.memory_space<vmem_shared>> -> memref<128xf32, #tpu.memory_space<vmem_shared>>
      tpu.enqueue_dma source(%dma_start3A_160 : memref<128xf32, #tpu.memory_space<vmem_shared>>) target(%dma_start3A_159 : memref<128xf32, #tpu.memory_space<hbm>>) target_semaphore(%run_scoped3A_158 : memref<!tpu.dma_semaphore, #tpu.memory_space<semaphore_mem>>)
      %dma_wait3A = tpu.memref_slice %arg3[%arg0, %run_scoped3A_132, %add3A_131] : memref<2x2x10240xf32, #tpu.memory_space<hbm>> -> memref<1x1x128xf32, #tpu.memory_space<hbm>>
      %dma_wait3A_161 = tpu.memref_squeeze %dma_wait3A : memref<1x1x128xf32, #tpu.memory_space<hbm>> -> memref<128xf32, #tpu.memory_space<hbm>>
      %dma_wait3A_162 = tpu.memref_slice %arg8[%add3A_131] : memref<10240xf32, #tpu.memory_space<vmem_shared>> -> memref<128xf32, #tpu.memory_space<vmem_shared>>
      tpu.wait_dma2 semaphore(%run_scoped3A_158 : memref<!tpu.dma_semaphore, #tpu.memory_space<semaphore_mem>>) src(%dma_wait3A_162 : memref<128xf32, #tpu.memory_space<vmem_shared>>) dst(%dma_wait3A_161 : memref<128xf32, #tpu.memory_space<hbm>>)
      tpu.yield
    }) : () -> ()
    %run_scoped3A_133 = arith.constant 1 : i32
    "tpu.region"() ({
      %run_scoped3A_158 = tpu.sem_alloc : memref<!tpu.dma_semaphore, #tpu.memory_space<semaphore_mem>>
      %dma_start3A = tpu.memref_slice %arg3[%arg0, %run_scoped3A_133, %add3A_131] : memref<2x2x10240xf32, #tpu.memory_space<hbm>> -> memref<1x1x128xf32, #tpu.memory_space<hbm>>
      %dma_start3A_159 = tpu.memref_squeeze %dma_start3A : memref<1x1x128xf32, #tpu.memory_space<hbm>> -> memref<128xf32, #tpu.memory_space<hbm>>
      %dma_start3A_160 = tpu.memref_slice %arg9[%add3A_131] : memref<10240xf32, #tpu.memory_space<vmem_shared>> -> memref<128xf32, #tpu.memory_space<vmem_shared>>
      tpu.enqueue_dma source(%dma_start3A_160 : memref<128xf32, #tpu.memory_space<vmem_shared>>) target(%dma_start3A_159 : memref<128xf32, #tpu.memory_space<hbm>>) target_semaphore(%run_scoped3A_158 : memref<!tpu.dma_semaphore, #tpu.memory_space<semaphore_mem>>)
      %dma_wait3A = tpu.memref_slice %arg3[%arg0, %run_scoped3A_133, %add3A_131] : memref<2x2x10240xf32, #tpu.memory_space<hbm>> -> memref<1x1x128xf32, #tpu.memory_space<hbm>>
      %dma_wait3A_161 = tpu.memref_squeeze %dma_wait3A : memref<1x1x128xf32, #tpu.memory_space<hbm>> -> memref<128xf32, #tpu.memory_space<hbm>>
      %dma_wait3A_162 = tpu.memref_slice %arg9[%add3A_131] : memref<10240xf32, #tpu.memory_space<vmem_shared>> -> memref<128xf32, #tpu.memory_space<vmem_shared>>
      tpu.wait_dma2 semaphore(%run_scoped3A_158 : memref<!tpu.dma_semaphore, #tpu.memory_space<semaphore_mem>>) src(%dma_wait3A_162 : memref<128xf32, #tpu.memory_space<vmem_shared>>) dst(%dma_wait3A_161 : memref<128xf32, #tpu.memory_space<hbm>>)
      tpu.yield
    }) : () -> ()
    %mul3A_134 = arith.constant 640 : i32
    %mul3A_135 = arith.muli %arg1, %mul3A_134 : i32
    %add3A_136 = arith.constant 128 : i32
    %add3A_137 = arith.addi %mul3A_135, %add3A_136 : i32
    %run_scoped3A_138 = arith.constant 0 : i32
    "tpu.region"() ({
      %run_scoped3A_158 = tpu.sem_alloc : memref<!tpu.dma_semaphore, #tpu.memory_space<semaphore_mem>>
      %dma_start3A = tpu.memref_slice %arg3[%arg0, %run_scoped3A_138, %add3A_137] : memref<2x2x10240xf32, #tpu.memory_space<hbm>> -> memref<1x1x128xf32, #tpu.memory_space<hbm>>
      %dma_start3A_159 = tpu.memref_squeeze %dma_start3A : memref<1x1x128xf32, #tpu.memory_space<hbm>> -> memref<128xf32, #tpu.memory_space<hbm>>
      %dma_start3A_160 = tpu.memref_slice %arg8[%add3A_137] : memref<10240xf32, #tpu.memory_space<vmem_shared>> -> memref<128xf32, #tpu.memory_space<vmem_shared>>
      tpu.enqueue_dma source(%dma_start3A_160 : memref<128xf32, #tpu.memory_space<vmem_shared>>) target(%dma_start3A_159 : memref<128xf32, #tpu.memory_space<hbm>>) target_semaphore(%run_scoped3A_158 : memref<!tpu.dma_semaphore, #tpu.memory_space<semaphore_mem>>)
      %dma_wait3A = tpu.memref_slice %arg3[%arg0, %run_scoped3A_138, %add3A_137] : memref<2x2x10240xf32, #tpu.memory_space<hbm>> -> memref<1x1x128xf32, #tpu.memory_space<hbm>>
      %dma_wait3A_161 = tpu.memref_squeeze %dma_wait3A : memref<1x1x128xf32, #tpu.memory_space<hbm>> -> memref<128xf32, #tpu.memory_space<hbm>>
      %dma_wait3A_162 = tpu.memref_slice %arg8[%add3A_137] : memref<10240xf32, #tpu.memory_space<vmem_shared>> -> memref<128xf32, #tpu.memory_space<vmem_shared>>
      tpu.wait_dma2 semaphore(%run_scoped3A_158 : memref<!tpu.dma_semaphore, #tpu.memory_space<semaphore_mem>>) src(%dma_wait3A_162 : memref<128xf32, #tpu.memory_space<vmem_shared>>) dst(%dma_wait3A_161 : memref<128xf32, #tpu.memory_space<hbm>>)
      tpu.yield
    }) : () -> ()
    %run_scoped3A_139 = arith.constant 1 : i32
    "tpu.region"() ({
      %run_scoped3A_158 = tpu.sem_alloc : memref<!tpu.dma_semaphore, #tpu.memory_space<semaphore_mem>>
      %dma_start3A = tpu.memref_slice %arg3[%arg0, %run_scoped3A_139, %add3A_137] : memref<2x2x10240xf32, #tpu.memory_space<hbm>> -> memref<1x1x128xf32, #tpu.memory_space<hbm>>
      %dma_start3A_159 = tpu.memref_squeeze %dma_start3A : memref<1x1x128xf32, #tpu.memory_space<hbm>> -> memref<128xf32, #tpu.memory_space<hbm>>
      %dma_start3A_160 = tpu.memref_slice %arg9[%add3A_137] : memref<10240xf32, #tpu.memory_space<vmem_shared>> -> memref<128xf32, #tpu.memory_space<vmem_shared>>
      tpu.enqueue_dma source(%dma_start3A_160 : memref<128xf32, #tpu.memory_space<vmem_shared>>) target(%dma_start3A_159 : memref<128xf32, #tpu.memory_space<hbm>>) target_semaphore(%run_scoped3A_158 : memref<!tpu.dma_semaphore, #tpu.memory_space<semaphore_mem>>)
      %dma_wait3A = tpu.memref_slice %arg3[%arg0, %run_scoped3A_139, %add3A_137] : memref<2x2x10240xf32, #tpu.memory_space<hbm>> -> memref<1x1x128xf32, #tpu.memory_space<hbm>>
      %dma_wait3A_161 = tpu.memref_squeeze %dma_wait3A : memref<1x1x128xf32, #tpu.memory_space<hbm>> -> memref<128xf32, #tpu.memory_space<hbm>>
      %dma_wait3A_162 = tpu.memref_slice %arg9[%add3A_137] : memref<10240xf32, #tpu.memory_space<vmem_shared>> -> memref<128xf32, #tpu.memory_space<vmem_shared>>
      tpu.wait_dma2 semaphore(%run_scoped3A_158 : memref<!tpu.dma_semaphore, #tpu.memory_space<semaphore_mem>>) src(%dma_wait3A_162 : memref<128xf32, #tpu.memory_space<vmem_shared>>) dst(%dma_wait3A_161 : memref<128xf32, #tpu.memory_space<hbm>>)
      tpu.yield
    }) : () -> ()
    %mul3A_140 = arith.constant 640 : i32
    %mul3A_141 = arith.muli %arg1, %mul3A_140 : i32
    %add3A_142 = arith.constant 256 : i32
    %add3A_143 = arith.addi %mul3A_141, %add3A_142 : i32
    %run_scoped3A_144 = arith.constant 0 : i32
    "tpu.region"() ({
      %run_scoped3A_158 = tpu.sem_alloc : memref<!tpu.dma_semaphore, #tpu.memory_space<semaphore_mem>>
      %dma_start3A = tpu.memref_slice %arg3[%arg0, %run_scoped3A_144, %add3A_143] : memref<2x2x10240xf32, #tpu.memory_space<hbm>> -> memref<1x1x128xf32, #tpu.memory_space<hbm>>
      %dma_start3A_159 = tpu.memref_squeeze %dma_start3A : memref<1x1x128xf32, #tpu.memory_space<hbm>> -> memref<128xf32, #tpu.memory_space<hbm>>
      %dma_start3A_160 = tpu.memref_slice %arg8[%add3A_143] : memref<10240xf32, #tpu.memory_space<vmem_shared>> -> memref<128xf32, #tpu.memory_space<vmem_shared>>
      tpu.enqueue_dma source(%dma_start3A_160 : memref<128xf32, #tpu.memory_space<vmem_shared>>) target(%dma_start3A_159 : memref<128xf32, #tpu.memory_space<hbm>>) target_semaphore(%run_scoped3A_158 : memref<!tpu.dma_semaphore, #tpu.memory_space<semaphore_mem>>)
      %dma_wait3A = tpu.memref_slice %arg3[%arg0, %run_scoped3A_144, %add3A_143] : memref<2x2x10240xf32, #tpu.memory_space<hbm>> -> memref<1x1x128xf32, #tpu.memory_space<hbm>>
      %dma_wait3A_161 = tpu.memref_squeeze %dma_wait3A : memref<1x1x128xf32, #tpu.memory_space<hbm>> -> memref<128xf32, #tpu.memory_space<hbm>>
      %dma_wait3A_162 = tpu.memref_slice %arg8[%add3A_143] : memref<10240xf32, #tpu.memory_space<vmem_shared>> -> memref<128xf32, #tpu.memory_space<vmem_shared>>
      tpu.wait_dma2 semaphore(%run_scoped3A_158 : memref<!tpu.dma_semaphore, #tpu.memory_space<semaphore_mem>>) src(%dma_wait3A_162 : memref<128xf32, #tpu.memory_space<vmem_shared>>) dst(%dma_wait3A_161 : memref<128xf32, #tpu.memory_space<hbm>>)
      tpu.yield
    }) : () -> ()
    %run_scoped3A_145 = arith.constant 1 : i32
    "tpu.region"() ({
      %run_scoped3A_158 = tpu.sem_alloc : memref<!tpu.dma_semaphore, #tpu.memory_space<semaphore_mem>>
      %dma_start3A = tpu.memref_slice %arg3[%arg0, %run_scoped3A_145, %add3A_143] : memref<2x2x10240xf32, #tpu.memory_space<hbm>> -> memref<1x1x128xf32, #tpu.memory_space<hbm>>
      %dma_start3A_159 = tpu.memref_squeeze %dma_start3A : memref<1x1x128xf32, #tpu.memory_space<hbm>> -> memref<128xf32, #tpu.memory_space<hbm>>
      %dma_start3A_160 = tpu.memref_slice %arg9[%add3A_143] : memref<10240xf32, #tpu.memory_space<vmem_shared>> -> memref<128xf32, #tpu.memory_space<vmem_shared>>
      tpu.enqueue_dma source(%dma_start3A_160 : memref<128xf32, #tpu.memory_space<vmem_shared>>) target(%dma_start3A_159 : memref<128xf32, #tpu.memory_space<hbm>>) target_semaphore(%run_scoped3A_158 : memref<!tpu.dma_semaphore, #tpu.memory_space<semaphore_mem>>)
      %dma_wait3A = tpu.memref_slice %arg3[%arg0, %run_scoped3A_145, %add3A_143] : memref<2x2x10240xf32, #tpu.memory_space<hbm>> -> memref<1x1x128xf32, #tpu.memory_space<hbm>>
      %dma_wait3A_161 = tpu.memref_squeeze %dma_wait3A : memref<1x1x128xf32, #tpu.memory_space<hbm>> -> memref<128xf32, #tpu.memory_space<hbm>>
      %dma_wait3A_162 = tpu.memref_slice %arg9[%add3A_143] : memref<10240xf32, #tpu.memory_space<vmem_shared>> -> memref<128xf32, #tpu.memory_space<vmem_shared>>
      tpu.wait_dma2 semaphore(%run_scoped3A_158 : memref<!tpu.dma_semaphore, #tpu.memory_space<semaphore_mem>>) src(%dma_wait3A_162 : memref<128xf32, #tpu.memory_space<vmem_shared>>) dst(%dma_wait3A_161 : memref<128xf32, #tpu.memory_space<hbm>>)
      tpu.yield
    }) : () -> ()
    %mul3A_146 = arith.constant 640 : i32
    %mul3A_147 = arith.muli %arg1, %mul3A_146 : i32
    %add3A_148 = arith.constant 384 : i32
    %add3A_149 = arith.addi %mul3A_147, %add3A_148 : i32
    %run_scoped3A_150 = arith.constant 0 : i32
    "tpu.region"() ({
      %run_scoped3A_158 = tpu.sem_alloc : memref<!tpu.dma_semaphore, #tpu.memory_space<semaphore_mem>>
      %dma_start3A = tpu.memref_slice %arg3[%arg0, %run_scoped3A_150, %add3A_149] : memref<2x2x10240xf32, #tpu.memory_space<hbm>> -> memref<1x1x128xf32, #tpu.memory_space<hbm>>
      %dma_start3A_159 = tpu.memref_squeeze %dma_start3A : memref<1x1x128xf32, #tpu.memory_space<hbm>> -> memref<128xf32, #tpu.memory_space<hbm>>
      %dma_start3A_160 = tpu.memref_slice %arg8[%add3A_149] : memref<10240xf32, #tpu.memory_space<vmem_shared>> -> memref<128xf32, #tpu.memory_space<vmem_shared>>
      tpu.enqueue_dma source(%dma_start3A_160 : memref<128xf32, #tpu.memory_space<vmem_shared>>) target(%dma_start3A_159 : memref<128xf32, #tpu.memory_space<hbm>>) target_semaphore(%run_scoped3A_158 : memref<!tpu.dma_semaphore, #tpu.memory_space<semaphore_mem>>)
      %dma_wait3A = tpu.memref_slice %arg3[%arg0, %run_scoped3A_150, %add3A_149] : memref<2x2x10240xf32, #tpu.memory_space<hbm>> -> memref<1x1x128xf32, #tpu.memory_space<hbm>>
      %dma_wait3A_161 = tpu.memref_squeeze %dma_wait3A : memref<1x1x128xf32, #tpu.memory_space<hbm>> -> memref<128xf32, #tpu.memory_space<hbm>>
      %dma_wait3A_162 = tpu.memref_slice %arg8[%add3A_149] : memref<10240xf32, #tpu.memory_space<vmem_shared>> -> memref<128xf32, #tpu.memory_space<vmem_shared>>
      tpu.wait_dma2 semaphore(%run_scoped3A_158 : memref<!tpu.dma_semaphore, #tpu.memory_space<semaphore_mem>>) src(%dma_wait3A_162 : memref<128xf32, #tpu.memory_space<vmem_shared>>) dst(%dma_wait3A_161 : memref<128xf32, #tpu.memory_space<hbm>>)
      tpu.yield
    }) : () -> ()
    %run_scoped3A_151 = arith.constant 1 : i32
    "tpu.region"() ({
      %run_scoped3A_158 = tpu.sem_alloc : memref<!tpu.dma_semaphore, #tpu.memory_space<semaphore_mem>>
      %dma_start3A = tpu.memref_slice %arg3[%arg0, %run_scoped3A_151, %add3A_149] : memref<2x2x10240xf32, #tpu.memory_space<hbm>> -> memref<1x1x128xf32, #tpu.memory_space<hbm>>
      %dma_start3A_159 = tpu.memref_squeeze %dma_start3A : memref<1x1x128xf32, #tpu.memory_space<hbm>> -> memref<128xf32, #tpu.memory_space<hbm>>
      %dma_start3A_160 = tpu.memref_slice %arg9[%add3A_149] : memref<10240xf32, #tpu.memory_space<vmem_shared>> -> memref<128xf32, #tpu.memory_space<vmem_shared>>
      tpu.enqueue_dma source(%dma_start3A_160 : memref<128xf32, #tpu.memory_space<vmem_shared>>) target(%dma_start3A_159 : memref<128xf32, #tpu.memory_space<hbm>>) target_semaphore(%run_scoped3A_158 : memref<!tpu.dma_semaphore, #tpu.memory_space<semaphore_mem>>)
      %dma_wait3A = tpu.memref_slice %arg3[%arg0, %run_scoped3A_151, %add3A_149] : memref<2x2x10240xf32, #tpu.memory_space<hbm>> -> memref<1x1x128xf32, #tpu.memory_space<hbm>>
      %dma_wait3A_161 = tpu.memref_squeeze %dma_wait3A : memref<1x1x128xf32, #tpu.memory_space<hbm>> -> memref<128xf32, #tpu.memory_space<hbm>>
      %dma_wait3A_162 = tpu.memref_slice %arg9[%add3A_149] : memref<10240xf32, #tpu.memory_space<vmem_shared>> -> memref<128xf32, #tpu.memory_space<vmem_shared>>
      tpu.wait_dma2 semaphore(%run_scoped3A_158 : memref<!tpu.dma_semaphore, #tpu.memory_space<semaphore_mem>>) src(%dma_wait3A_162 : memref<128xf32, #tpu.memory_space<vmem_shared>>) dst(%dma_wait3A_161 : memref<128xf32, #tpu.memory_space<hbm>>)
      tpu.yield
    }) : () -> ()
    %mul3A_152 = arith.constant 640 : i32
    %mul3A_153 = arith.muli %arg1, %mul3A_152 : i32
    %add3A_154 = arith.constant 512 : i32
    %add3A_155 = arith.addi %mul3A_153, %add3A_154 : i32
    %run_scoped3A_156 = arith.constant 0 : i32
    "tpu.region"() ({
      %run_scoped3A_158 = tpu.sem_alloc : memref<!tpu.dma_semaphore, #tpu.memory_space<semaphore_mem>>
      %dma_start3A = tpu.memref_slice %arg3[%arg0, %run_scoped3A_156, %add3A_155] : memref<2x2x10240xf32, #tpu.memory_space<hbm>> -> memref<1x1x128xf32, #tpu.memory_space<hbm>>
      %dma_start3A_159 = tpu.memref_squeeze %dma_start3A : memref<1x1x128xf32, #tpu.memory_space<hbm>> -> memref<128xf32, #tpu.memory_space<hbm>>
      %dma_start3A_160 = tpu.memref_slice %arg8[%add3A_155] : memref<10240xf32, #tpu.memory_space<vmem_shared>> -> memref<128xf32, #tpu.memory_space<vmem_shared>>
      tpu.enqueue_dma source(%dma_start3A_160 : memref<128xf32, #tpu.memory_space<vmem_shared>>) target(%dma_start3A_159 : memref<128xf32, #tpu.memory_space<hbm>>) target_semaphore(%run_scoped3A_158 : memref<!tpu.dma_semaphore, #tpu.memory_space<semaphore_mem>>)
      %dma_wait3A = tpu.memref_slice %arg3[%arg0, %run_scoped3A_156, %add3A_155] : memref<2x2x10240xf32, #tpu.memory_space<hbm>> -> memref<1x1x128xf32, #tpu.memory_space<hbm>>
      %dma_wait3A_161 = tpu.memref_squeeze %dma_wait3A : memref<1x1x128xf32, #tpu.memory_space<hbm>> -> memref<128xf32, #tpu.memory_space<hbm>>
      %dma_wait3A_162 = tpu.memref_slice %arg8[%add3A_155] : memref<10240xf32, #tpu.memory_space<vmem_shared>> -> memref<128xf32, #tpu.memory_space<vmem_shared>>
      tpu.wait_dma2 semaphore(%run_scoped3A_158 : memref<!tpu.dma_semaphore, #tpu.memory_space<semaphore_mem>>) src(%dma_wait3A_162 : memref<128xf32, #tpu.memory_space<vmem_shared>>) dst(%dma_wait3A_161 : memref<128xf32, #tpu.memory_space<hbm>>)
      tpu.yield
    }) : () -> ()
    %run_scoped3A_157 = arith.constant 1 : i32
    "tpu.region"() ({
      %run_scoped3A_158 = tpu.sem_alloc : memref<!tpu.dma_semaphore, #tpu.memory_space<semaphore_mem>>
      %dma_start3A = tpu.memref_slice %arg3[%arg0, %run_scoped3A_157, %add3A_155] : memref<2x2x10240xf32, #tpu.memory_space<hbm>> -> memref<1x1x128xf32, #tpu.memory_space<hbm>>
      %dma_start3A_159 = tpu.memref_squeeze %dma_start3A : memref<1x1x128xf32, #tpu.memory_space<hbm>> -> memref<128xf32, #tpu.memory_space<hbm>>
      %dma_start3A_160 = tpu.memref_slice %arg9[%add3A_155] : memref<10240xf32, #tpu.memory_space<vmem_shared>> -> memref<128xf32, #tpu.memory_space<vmem_shared>>
      tpu.enqueue_dma source(%dma_start3A_160 : memref<128xf32, #tpu.memory_space<vmem_shared>>) target(%dma_start3A_159 : memref<128xf32, #tpu.memory_space<hbm>>) target_semaphore(%run_scoped3A_158 : memref<!tpu.dma_semaphore, #tpu.memory_space<semaphore_mem>>)
      %dma_wait3A = tpu.memref_slice %arg3[%arg0, %run_scoped3A_157, %add3A_155] : memref<2x2x10240xf32, #tpu.memory_space<hbm>> -> memref<1x1x128xf32, #tpu.memory_space<hbm>>
      %dma_wait3A_161 = tpu.memref_squeeze %dma_wait3A : memref<1x1x128xf32, #tpu.memory_space<hbm>> -> memref<128xf32, #tpu.memory_space<hbm>>
      %dma_wait3A_162 = tpu.memref_slice %arg9[%add3A_155] : memref<10240xf32, #tpu.memory_space<vmem_shared>> -> memref<128xf32, #tpu.memory_space<vmem_shared>>
      tpu.wait_dma2 semaphore(%run_scoped3A_158 : memref<!tpu.dma_semaphore, #tpu.memory_space<semaphore_mem>>) src(%dma_wait3A_162 : memref<128xf32, #tpu.memory_space<vmem_shared>>) dst(%dma_wait3A_161 : memref<128xf32, #tpu.memory_space<hbm>>)
      tpu.yield
    }) : () -> ()
    return
  }
}

#map = affine_map<(d0, d1) -> (0, 0)>
#map1 = affine_map<(d0, d1) -> (0, 0, 0, 0)>
#map2 = affine_map<(d0, d1) -> (0, 0, 0)>
module attributes {stable_mosaic.version = 14 : i64} {
  func.func @k(%arg0: i32, %arg1: i32, %arg2: memref<10240x128xf32, #tpu.memory_space<hbm>>, %arg3: memref<2x32x80x128xi32, #tpu.memory_space<hbm>>, %arg4: memref<2x10240x128xf32, #tpu.memory_space<hbm>>, %arg5: memref<40x128xi32, #tpu.memory_space<vmem>>, %arg6: memref<40x128xi32, #tpu.memory_space<vmem>>, %arg7: memref<128x128xf32, #tpu.memory_space<vmem>>, %arg8: memref<128x128xf32, #tpu.memory_space<vmem>>, %arg9: memref<10240x128xf32, #tpu.memory_space<vmem_shared>>, %arg10: memref<!tpu.dma_semaphore, #tpu.memory_space<semaphore_mem>>, %arg11: memref<!tpu.dma_semaphore, #tpu.memory_space<semaphore_mem>>) attributes {dimension_semantics = [#tpu.dimension_semantics<core_parallel>, #tpu.dimension_semantics<subcore_parallel>], iteration_bounds = array<i64: 2, 16>, scalar_prefetch = 0 : i64, scratch_operands = 7 : i64, tpu.core_type = #tpu.core_type<sc_vector_subcore>, window_params = [{transform_indices = #map}, {transform_indices = #map1}, {transform_indices = #map2}]} {
    %mul3A = arith.constant 2 : i32
    %mul3A_0 = arith.muli %arg1, %mul3A : i32
    %add3A = arith.addi %mul3A_0, %arg0 : i32
    %scan3A = arith.constant 0 : i32
    %scan3A_1 = arith.constant 0 : i32
    %scan3A_2 = arith.constant 128 : i32
    %scan3A_3 = arith.addi %scan3A_1, %scan3A_2 : i32
    %scan3A_4 = arith.constant 1 : i32
    scf.for %scan3A_120 = %scan3A_1 to %scan3A_3 step %scan3A_4  : i32 {
      %broadcast_in_dim3A = arith.constant 0.000000e+00 : f32
      %broadcast_in_dim3A_121 = vector.broadcast %broadcast_in_dim3A : f32 to vector<16xf32>
      %swap3A = arith.index_cast %scan3A_120 : i32 to index
      %swap3A_122 = arith.constant 0 : index
      %swap3A_123 = tpu.vector_load %arg7[%swap3A, %swap3A_122] {strides = array<i32>} : memref<128x128xf32, #tpu.memory_space<vmem>>, vector<1x16xf32>,
      %swap3A_124 = vector.shape_cast %swap3A_123 : vector<1x16xf32> to vector<16xf32>
      %swap3A_125 = vector.shape_cast %broadcast_in_dim3A_121 : vector<16xf32> to vector<1x16xf32>
      tpu.vector_store %arg7[%swap3A, %swap3A_122], %swap3A_125 {strides = array<i32>} : memref<128x128xf32, #tpu.memory_space<vmem>>, vector<1x16xf32>,
      %broadcast_in_dim3A_126 = arith.constant 0.000000e+00 : f32
      %broadcast_in_dim3A_127 = vector.broadcast %broadcast_in_dim3A_126 : f32 to vector<16xf32>
      %swap3A_128 = arith.index_cast %scan3A_120 : i32 to index
      %swap3A_129 = arith.constant 16 : index
      %swap3A_130 = tpu.vector_load %arg7[%swap3A_128, %swap3A_129] {strides = array<i32>} : memref<128x128xf32, #tpu.memory_space<vmem>>, vector<1x16xf32>,
      %swap3A_131 = vector.shape_cast %swap3A_130 : vector<1x16xf32> to vector<16xf32>
      %swap3A_132 = vector.shape_cast %broadcast_in_dim3A_127 : vector<16xf32> to vector<1x16xf32>
      tpu.vector_store %arg7[%swap3A_128, %swap3A_129], %swap3A_132 {strides = array<i32>} : memref<128x128xf32, #tpu.memory_space<vmem>>, vector<1x16xf32>,
      %broadcast_in_dim3A_133 = arith.constant 0.000000e+00 : f32
      %broadcast_in_dim3A_134 = vector.broadcast %broadcast_in_dim3A_133 : f32 to vector<16xf32>
      %swap3A_135 = arith.index_cast %scan3A_120 : i32 to index
      %swap3A_136 = arith.constant 32 : index
      %swap3A_137 = tpu.vector_load %arg7[%swap3A_135, %swap3A_136] {strides = array<i32>} : memref<128x128xf32, #tpu.memory_space<vmem>>, vector<1x16xf32>,
      %swap3A_138 = vector.shape_cast %swap3A_137 : vector<1x16xf32> to vector<16xf32>
      %swap3A_139 = vector.shape_cast %broadcast_in_dim3A_134 : vector<16xf32> to vector<1x16xf32>
      tpu.vector_store %arg7[%swap3A_135, %swap3A_136], %swap3A_139 {strides = array<i32>} : memref<128x128xf32, #tpu.memory_space<vmem>>, vector<1x16xf32>,
      %broadcast_in_dim3A_140 = arith.constant 0.000000e+00 : f32
      %broadcast_in_dim3A_141 = vector.broadcast %broadcast_in_dim3A_140 : f32 to vector<16xf32>
      %swap3A_142 = arith.index_cast %scan3A_120 : i32 to index
      %swap3A_143 = arith.constant 48 : index
      %swap3A_144 = tpu.vector_load %arg7[%swap3A_142, %swap3A_143] {strides = array<i32>} : memref<128x128xf32, #tpu.memory_space<vmem>>, vector<1x16xf32>,
      %swap3A_145 = vector.shape_cast %swap3A_144 : vector<1x16xf32> to vector<16xf32>
      %swap3A_146 = vector.shape_cast %broadcast_in_dim3A_141 : vector<16xf32> to vector<1x16xf32>
      tpu.vector_store %arg7[%swap3A_142, %swap3A_143], %swap3A_146 {strides = array<i32>} : memref<128x128xf32, #tpu.memory_space<vmem>>, vector<1x16xf32>,
      %broadcast_in_dim3A_147 = arith.constant 0.000000e+00 : f32
      %broadcast_in_dim3A_148 = vector.broadcast %broadcast_in_dim3A_147 : f32 to vector<16xf32>
      %swap3A_149 = arith.index_cast %scan3A_120 : i32 to index
      %swap3A_150 = arith.constant 64 : index
      %swap3A_151 = tpu.vector_load %arg7[%swap3A_149, %swap3A_150] {strides = array<i32>} : memref<128x128xf32, #tpu.memory_space<vmem>>, vector<1x16xf32>,
      %swap3A_152 = vector.shape_cast %swap3A_151 : vector<1x16xf32> to vector<16xf32>
      %swap3A_153 = vector.shape_cast %broadcast_in_dim3A_148 : vector<16xf32> to vector<1x16xf32>
      tpu.vector_store %arg7[%swap3A_149, %swap3A_150], %swap3A_153 {strides = array<i32>} : memref<128x128xf32, #tpu.memory_space<vmem>>, vector<1x16xf32>,
      %broadcast_in_dim3A_154 = arith.constant 0.000000e+00 : f32
      %broadcast_in_dim3A_155 = vector.broadcast %broadcast_in_dim3A_154 : f32 to vector<16xf32>
      %swap3A_156 = arith.index_cast %scan3A_120 : i32 to index
      %swap3A_157 = arith.constant 80 : index
      %swap3A_158 = tpu.vector_load %arg7[%swap3A_156, %swap3A_157] {strides = array<i32>} : memref<128x128xf32, #tpu.memory_space<vmem>>, vector<1x16xf32>,
      %swap3A_159 = vector.shape_cast %swap3A_158 : vector<1x16xf32> to vector<16xf32>
      %swap3A_160 = vector.shape_cast %broadcast_in_dim3A_155 : vector<16xf32> to vector<1x16xf32>
      tpu.vector_store %arg7[%swap3A_156, %swap3A_157], %swap3A_160 {strides = array<i32>} : memref<128x128xf32, #tpu.memory_space<vmem>>, vector<1x16xf32>,
      %broadcast_in_dim3A_161 = arith.constant 0.000000e+00 : f32
      %broadcast_in_dim3A_162 = vector.broadcast %broadcast_in_dim3A_161 : f32 to vector<16xf32>
      %swap3A_163 = arith.index_cast %scan3A_120 : i32 to index
      %swap3A_164 = arith.constant 96 : index
      %swap3A_165 = tpu.vector_load %arg7[%swap3A_163, %swap3A_164] {strides = array<i32>} : memref<128x128xf32, #tpu.memory_space<vmem>>, vector<1x16xf32>,
      %swap3A_166 = vector.shape_cast %swap3A_165 : vector<1x16xf32> to vector<16xf32>
      %swap3A_167 = vector.shape_cast %broadcast_in_dim3A_162 : vector<16xf32> to vector<1x16xf32>
      tpu.vector_store %arg7[%swap3A_163, %swap3A_164], %swap3A_167 {strides = array<i32>} : memref<128x128xf32, #tpu.memory_space<vmem>>, vector<1x16xf32>,
      %broadcast_in_dim3A_168 = arith.constant 0.000000e+00 : f32
      %broadcast_in_dim3A_169 = vector.broadcast %broadcast_in_dim3A_168 : f32 to vector<16xf32>
      %swap3A_170 = arith.index_cast %scan3A_120 : i32 to index
      %swap3A_171 = arith.constant 112 : index
      %swap3A_172 = tpu.vector_load %arg7[%swap3A_170, %swap3A_171] {strides = array<i32>} : memref<128x128xf32, #tpu.memory_space<vmem>>, vector<1x16xf32>,
      %swap3A_173 = vector.shape_cast %swap3A_172 : vector<1x16xf32> to vector<16xf32>
      %swap3A_174 = vector.shape_cast %broadcast_in_dim3A_169 : vector<16xf32> to vector<1x16xf32>
      tpu.vector_store %arg7[%swap3A_170, %swap3A_171], %swap3A_174 {strides = array<i32>} : memref<128x128xf32, #tpu.memory_space<vmem>>, vector<1x16xf32>,
    }
    %scan3A_5 = arith.constant 128 : i32
    %mul3A_6 = arith.constant 640 : i32
    %mul3A_7 = arith.muli %arg1, %mul3A_6 : i32
    %add3A_8 = arith.constant 0 : i32
    %add3A_9 = arith.addi %mul3A_7, %add3A_8 : i32
    "tpu.region"() ({
      %run_scoped3A_120 = tpu.sem_alloc : memref<!tpu.dma_semaphore, #tpu.memory_space<semaphore_mem>>
      %dma_start3A_121 = arith.constant 0 : i32
      %dma_start3A_122 = tpu.memref_slice %arg9[%add3A_9, %dma_start3A_121] : memref<10240x128xf32, #tpu.memory_space<vmem_shared>> -> memref<128x128xf32, #tpu.memory_space<vmem_shared>>
      %dma_start3A_123 = arith.constant 0 : i32
      %dma_start3A_124 = tpu.memref_slice %arg9[%add3A_9, %dma_start3A_123] : memref<10240x128xf32, #tpu.memory_space<vmem_shared>> -> memref<128x128xf32, #tpu.memory_space<vmem_shared>>
      tpu.enqueue_dma source(%arg7 : memref<128x128xf32, #tpu.memory_space<vmem>>) target(%dma_start3A_124 : memref<128x128xf32, #tpu.memory_space<vmem_shared>>) target_semaphore(%run_scoped3A_120 : memref<!tpu.dma_semaphore, #tpu.memory_space<semaphore_mem>>)
      %dma_wait3A_125 = arith.constant 0 : i32
      %dma_wait3A_126 = tpu.memref_slice %arg9[%add3A_9, %dma_wait3A_125] : memref<10240x128xf32, #tpu.memory_space<vmem_shared>> -> memref<128x128xf32, #tpu.memory_space<vmem_shared>>
      %dma_wait3A_127 = arith.constant 0 : i32
      %dma_wait3A_128 = tpu.memref_slice %arg9[%add3A_9, %dma_wait3A_127] : memref<10240x128xf32, #tpu.memory_space<vmem_shared>> -> memref<128x128xf32, #tpu.memory_space<vmem_shared>>
      tpu.wait_dma2 semaphore(%run_scoped3A_120 : memref<!tpu.dma_semaphore, #tpu.memory_space<semaphore_mem>>) src(%arg7 : memref<128x128xf32, #tpu.memory_space<vmem>>) dst(%dma_wait3A_128 : memref<128x128xf32, #tpu.memory_space<vmem_shared>>)
      tpu.yield
    }) : () -> ()
    %mul3A_10 = arith.constant 640 : i32
    %mul3A_11 = arith.muli %arg1, %mul3A_10 : i32
    %add3A_12 = arith.constant 128 : i32
    %add3A_13 = arith.addi %mul3A_11, %add3A_12 : i32
    "tpu.region"() ({
      %run_scoped3A_120 = tpu.sem_alloc : memref<!tpu.dma_semaphore, #tpu.memory_space<semaphore_mem>>
      %dma_start3A_121 = arith.constant 0 : i32
      %dma_start3A_122 = tpu.memref_slice %arg9[%add3A_13, %dma_start3A_121] : memref<10240x128xf32, #tpu.memory_space<vmem_shared>> -> memref<128x128xf32, #tpu.memory_space<vmem_shared>>
      %dma_start3A_123 = arith.constant 0 : i32
      %dma_start3A_124 = tpu.memref_slice %arg9[%add3A_13, %dma_start3A_123] : memref<10240x128xf32, #tpu.memory_space<vmem_shared>> -> memref<128x128xf32, #tpu.memory_space<vmem_shared>>
      tpu.enqueue_dma source(%arg7 : memref<128x128xf32, #tpu.memory_space<vmem>>) target(%dma_start3A_124 : memref<128x128xf32, #tpu.memory_space<vmem_shared>>) target_semaphore(%run_scoped3A_120 : memref<!tpu.dma_semaphore, #tpu.memory_space<semaphore_mem>>)
      %dma_wait3A_125 = arith.constant 0 : i32
      %dma_wait3A_126 = tpu.memref_slice %arg9[%add3A_13, %dma_wait3A_125] : memref<10240x128xf32, #tpu.memory_space<vmem_shared>> -> memref<128x128xf32, #tpu.memory_space<vmem_shared>>
      %dma_wait3A_127 = arith.constant 0 : i32
      %dma_wait3A_128 = tpu.memref_slice %arg9[%add3A_13, %dma_wait3A_127] : memref<10240x128xf32, #tpu.memory_space<vmem_shared>> -> memref<128x128xf32, #tpu.memory_space<vmem_shared>>
      tpu.wait_dma2 semaphore(%run_scoped3A_120 : memref<!tpu.dma_semaphore, #tpu.memory_space<semaphore_mem>>) src(%arg7 : memref<128x128xf32, #tpu.memory_space<vmem>>) dst(%dma_wait3A_128 : memref<128x128xf32, #tpu.memory_space<vmem_shared>>)
      tpu.yield
    }) : () -> ()
    %mul3A_14 = arith.constant 640 : i32
    %mul3A_15 = arith.muli %arg1, %mul3A_14 : i32
    %add3A_16 = arith.constant 256 : i32
    %add3A_17 = arith.addi %mul3A_15, %add3A_16 : i32
    "tpu.region"() ({
      %run_scoped3A_120 = tpu.sem_alloc : memref<!tpu.dma_semaphore, #tpu.memory_space<semaphore_mem>>
      %dma_start3A_121 = arith.constant 0 : i32
      %dma_start3A_122 = tpu.memref_slice %arg9[%add3A_17, %dma_start3A_121] : memref<10240x128xf32, #tpu.memory_space<vmem_shared>> -> memref<128x128xf32, #tpu.memory_space<vmem_shared>>
      %dma_start3A_123 = arith.constant 0 : i32
      %dma_start3A_124 = tpu.memref_slice %arg9[%add3A_17, %dma_start3A_123] : memref<10240x128xf32, #tpu.memory_space<vmem_shared>> -> memref<128x128xf32, #tpu.memory_space<vmem_shared>>
      tpu.enqueue_dma source(%arg7 : memref<128x128xf32, #tpu.memory_space<vmem>>) target(%dma_start3A_124 : memref<128x128xf32, #tpu.memory_space<vmem_shared>>) target_semaphore(%run_scoped3A_120 : memref<!tpu.dma_semaphore, #tpu.memory_space<semaphore_mem>>)
      %dma_wait3A_125 = arith.constant 0 : i32
      %dma_wait3A_126 = tpu.memref_slice %arg9[%add3A_17, %dma_wait3A_125] : memref<10240x128xf32, #tpu.memory_space<vmem_shared>> -> memref<128x128xf32, #tpu.memory_space<vmem_shared>>
      %dma_wait3A_127 = arith.constant 0 : i32
      %dma_wait3A_128 = tpu.memref_slice %arg9[%add3A_17, %dma_wait3A_127] : memref<10240x128xf32, #tpu.memory_space<vmem_shared>> -> memref<128x128xf32, #tpu.memory_space<vmem_shared>>
      tpu.wait_dma2 semaphore(%run_scoped3A_120 : memref<!tpu.dma_semaphore, #tpu.memory_space<semaphore_mem>>) src(%arg7 : memref<128x128xf32, #tpu.memory_space<vmem>>) dst(%dma_wait3A_128 : memref<128x128xf32, #tpu.memory_space<vmem_shared>>)
      tpu.yield
    }) : () -> ()
    %mul3A_18 = arith.constant 640 : i32
    %mul3A_19 = arith.muli %arg1, %mul3A_18 : i32
    %add3A_20 = arith.constant 384 : i32
    %add3A_21 = arith.addi %mul3A_19, %add3A_20 : i32
    "tpu.region"() ({
      %run_scoped3A_120 = tpu.sem_alloc : memref<!tpu.dma_semaphore, #tpu.memory_space<semaphore_mem>>
      %dma_start3A_121 = arith.constant 0 : i32
      %dma_start3A_122 = tpu.memref_slice %arg9[%add3A_21, %dma_start3A_121] : memref<10240x128xf32, #tpu.memory_space<vmem_shared>> -> memref<128x128xf32, #tpu.memory_space<vmem_shared>>
      %dma_start3A_123 = arith.constant 0 : i32
      %dma_start3A_124 = tpu.memref_slice %arg9[%add3A_21, %dma_start3A_123] : memref<10240x128xf32, #tpu.memory_space<vmem_shared>> -> memref<128x128xf32, #tpu.memory_space<vmem_shared>>
      tpu.enqueue_dma source(%arg7 : memref<128x128xf32, #tpu.memory_space<vmem>>) target(%dma_start3A_124 : memref<128x128xf32, #tpu.memory_space<vmem_shared>>) target_semaphore(%run_scoped3A_120 : memref<!tpu.dma_semaphore, #tpu.memory_space<semaphore_mem>>)
      %dma_wait3A_125 = arith.constant 0 : i32
      %dma_wait3A_126 = tpu.memref_slice %arg9[%add3A_21, %dma_wait3A_125] : memref<10240x128xf32, #tpu.memory_space<vmem_shared>> -> memref<128x128xf32, #tpu.memory_space<vmem_shared>>
      %dma_wait3A_127 = arith.constant 0 : i32
      %dma_wait3A_128 = tpu.memref_slice %arg9[%add3A_21, %dma_wait3A_127] : memref<10240x128xf32, #tpu.memory_space<vmem_shared>> -> memref<128x128xf32, #tpu.memory_space<vmem_shared>>
      tpu.wait_dma2 semaphore(%run_scoped3A_120 : memref<!tpu.dma_semaphore, #tpu.memory_space<semaphore_mem>>) src(%arg7 : memref<128x128xf32, #tpu.memory_space<vmem>>) dst(%dma_wait3A_128 : memref<128x128xf32, #tpu.memory_space<vmem_shared>>)
      tpu.yield
    }) : () -> ()
    %mul3A_22 = arith.constant 640 : i32
    %mul3A_23 = arith.muli %arg1, %mul3A_22 : i32
    %add3A_24 = arith.constant 512 : i32
    %add3A_25 = arith.addi %mul3A_23, %add3A_24 : i32
    "tpu.region"() ({
      %run_scoped3A_120 = tpu.sem_alloc : memref<!tpu.dma_semaphore, #tpu.memory_space<semaphore_mem>>
      %dma_start3A_121 = arith.constant 0 : i32
      %dma_start3A_122 = tpu.memref_slice %arg9[%add3A_25, %dma_start3A_121] : memref<10240x128xf32, #tpu.memory_space<vmem_shared>> -> memref<128x128xf32, #tpu.memory_space<vmem_shared>>
      %dma_start3A_123 = arith.constant 0 : i32
      %dma_start3A_124 = tpu.memref_slice %arg9[%add3A_25, %dma_start3A_123] : memref<10240x128xf32, #tpu.memory_space<vmem_shared>> -> memref<128x128xf32, #tpu.memory_space<vmem_shared>>
      tpu.enqueue_dma source(%arg7 : memref<128x128xf32, #tpu.memory_space<vmem>>) target(%dma_start3A_124 : memref<128x128xf32, #tpu.memory_space<vmem_shared>>) target_semaphore(%run_scoped3A_120 : memref<!tpu.dma_semaphore, #tpu.memory_space<semaphore_mem>>)
      %dma_wait3A_125 = arith.constant 0 : i32
      %dma_wait3A_126 = tpu.memref_slice %arg9[%add3A_25, %dma_wait3A_125] : memref<10240x128xf32, #tpu.memory_space<vmem_shared>> -> memref<128x128xf32, #tpu.memory_space<vmem_shared>>
      %dma_wait3A_127 = arith.constant 0 : i32
      %dma_wait3A_128 = tpu.memref_slice %arg9[%add3A_25, %dma_wait3A_127] : memref<10240x128xf32, #tpu.memory_space<vmem_shared>> -> memref<128x128xf32, #tpu.memory_space<vmem_shared>>
      tpu.wait_dma2 semaphore(%run_scoped3A_120 : memref<!tpu.dma_semaphore, #tpu.memory_space<semaphore_mem>>) src(%arg7 : memref<128x128xf32, #tpu.memory_space<vmem>>) dst(%dma_wait3A_128 : memref<128x128xf32, #tpu.memory_space<vmem_shared>>)
      tpu.yield
    }) : () -> ()
    %barrier3A = arith.constant 0 : index
    tpu.barrier barrier_id(%barrier3A)
    %run_scoped3A = arith.constant 0 : i32
    "tpu.region"() ({
      %run_scoped3A_120 = tpu.sem_alloc : memref<!tpu.dma_semaphore, #tpu.memory_space<semaphore_mem>>
      %dma_start3A_121 = arith.constant 0 : i32
      %dma_start3A_122 = arith.constant 0 : i32
      %dma_start3A_123 = tpu.memref_slice %arg3[%run_scoped3A, %add3A, %dma_start3A_121, %dma_start3A_122] : memref<2x32x80x128xi32, #tpu.memory_space<hbm>> -> memref<1x1x40x128xi32, #tpu.memory_space<hbm>>
      %dma_start3A_124 = tpu.memref_squeeze %dma_start3A_123 : memref<1x1x40x128xi32, #tpu.memory_space<hbm>> -> memref<40x128xi32, #tpu.memory_space<hbm>>
      %dma_start3A_125 = arith.constant 0 : i32
      %dma_start3A_126 = arith.constant 0 : i32
      %dma_start3A_127 = tpu.memref_slice %arg3[%run_scoped3A, %add3A, %dma_start3A_125, %dma_start3A_126] : memref<2x32x80x128xi32, #tpu.memory_space<hbm>> -> memref<1x1x40x128xi32, #tpu.memory_space<hbm>>
      %dma_start3A_128 = tpu.memref_squeeze %dma_start3A_127 : memref<1x1x40x128xi32, #tpu.memory_space<hbm>> -> memref<40x128xi32, #tpu.memory_space<hbm>>
      tpu.enqueue_dma source(%dma_start3A_128 : memref<40x128xi32, #tpu.memory_space<hbm>>) target(%arg5 : memref<40x128xi32, #tpu.memory_space<vmem>>) target_semaphore(%run_scoped3A_120 : memref<!tpu.dma_semaphore, #tpu.memory_space<semaphore_mem>>)
      %dma_wait3A_129 = arith.constant 0 : i32
      %dma_wait3A_130 = arith.constant 0 : i32
      %dma_wait3A_131 = tpu.memref_slice %arg3[%run_scoped3A, %add3A, %dma_wait3A_129, %dma_wait3A_130] : memref<2x32x80x128xi32, #tpu.memory_space<hbm>> -> memref<1x1x40x128xi32, #tpu.memory_space<hbm>>
      %dma_wait3A_132 = tpu.memref_squeeze %dma_wait3A_131 : memref<1x1x40x128xi32, #tpu.memory_space<hbm>> -> memref<40x128xi32, #tpu.memory_space<hbm>>
      %dma_wait3A_133 = arith.constant 0 : i32
      %dma_wait3A_134 = arith.constant 0 : i32
      %dma_wait3A_135 = tpu.memref_slice %arg3[%run_scoped3A, %add3A, %dma_wait3A_133, %dma_wait3A_134] : memref<2x32x80x128xi32, #tpu.memory_space<hbm>> -> memref<1x1x40x128xi32, #tpu.memory_space<hbm>>
      %dma_wait3A_136 = tpu.memref_squeeze %dma_wait3A_135 : memref<1x1x40x128xi32, #tpu.memory_space<hbm>> -> memref<40x128xi32, #tpu.memory_space<hbm>>
      tpu.wait_dma2 semaphore(%run_scoped3A_120 : memref<!tpu.dma_semaphore, #tpu.memory_space<semaphore_mem>>) src(%dma_wait3A_136 : memref<40x128xi32, #tpu.memory_space<hbm>>) dst(%arg5 : memref<40x128xi32, #tpu.memory_space<vmem>>)
      tpu.yield
    }) : () -> ()
    %run_scoped3A_26 = arith.constant 1 : i32
    "tpu.region"() ({
      %run_scoped3A_120 = tpu.sem_alloc : memref<!tpu.dma_semaphore, #tpu.memory_space<semaphore_mem>>
      %dma_start3A_121 = arith.constant 0 : i32
      %dma_start3A_122 = arith.constant 0 : i32
      %dma_start3A_123 = tpu.memref_slice %arg3[%run_scoped3A_26, %add3A, %dma_start3A_121, %dma_start3A_122] : memref<2x32x80x128xi32, #tpu.memory_space<hbm>> -> memref<1x1x40x128xi32, #tpu.memory_space<hbm>>
      %dma_start3A_124 = tpu.memref_squeeze %dma_start3A_123 : memref<1x1x40x128xi32, #tpu.memory_space<hbm>> -> memref<40x128xi32, #tpu.memory_space<hbm>>
      %dma_start3A_125 = arith.constant 0 : i32
      %dma_start3A_126 = arith.constant 0 : i32
      %dma_start3A_127 = tpu.memref_slice %arg3[%run_scoped3A_26, %add3A, %dma_start3A_125, %dma_start3A_126] : memref<2x32x80x128xi32, #tpu.memory_space<hbm>> -> memref<1x1x40x128xi32, #tpu.memory_space<hbm>>
      %dma_start3A_128 = tpu.memref_squeeze %dma_start3A_127 : memref<1x1x40x128xi32, #tpu.memory_space<hbm>> -> memref<40x128xi32, #tpu.memory_space<hbm>>
      tpu.enqueue_dma source(%dma_start3A_128 : memref<40x128xi32, #tpu.memory_space<hbm>>) target(%arg6 : memref<40x128xi32, #tpu.memory_space<vmem>>) target_semaphore(%run_scoped3A_120 : memref<!tpu.dma_semaphore, #tpu.memory_space<semaphore_mem>>)
      %dma_wait3A_129 = arith.constant 0 : i32
      %dma_wait3A_130 = arith.constant 0 : i32
      %dma_wait3A_131 = tpu.memref_slice %arg3[%run_scoped3A_26, %add3A, %dma_wait3A_129, %dma_wait3A_130] : memref<2x32x80x128xi32, #tpu.memory_space<hbm>> -> memref<1x1x40x128xi32, #tpu.memory_space<hbm>>
      %dma_wait3A_132 = tpu.memref_squeeze %dma_wait3A_131 : memref<1x1x40x128xi32, #tpu.memory_space<hbm>> -> memref<40x128xi32, #tpu.memory_space<hbm>>
      %dma_wait3A_133 = arith.constant 0 : i32
      %dma_wait3A_134 = arith.constant 0 : i32
      %dma_wait3A_135 = tpu.memref_slice %arg3[%run_scoped3A_26, %add3A, %dma_wait3A_133, %dma_wait3A_134] : memref<2x32x80x128xi32, #tpu.memory_space<hbm>> -> memref<1x1x40x128xi32, #tpu.memory_space<hbm>>
      %dma_wait3A_136 = tpu.memref_squeeze %dma_wait3A_135 : memref<1x1x40x128xi32, #tpu.memory_space<hbm>> -> memref<40x128xi32, #tpu.memory_space<hbm>>
      tpu.wait_dma2 semaphore(%run_scoped3A_120 : memref<!tpu.dma_semaphore, #tpu.memory_space<semaphore_mem>>) src(%dma_wait3A_136 : memref<40x128xi32, #tpu.memory_space<hbm>>) dst(%arg6 : memref<40x128xi32, #tpu.memory_space<vmem>>)
      tpu.yield
    }) : () -> ()
    %dma_start3A = arith.constant 0 : i32
    %dma_start3A_27 = arith.constant 0 : i32
    %dma_start3A_28 = tpu.memref_slice %arg5[%dma_start3A, %dma_start3A_27] : memref<40x128xi32, #tpu.memory_space<vmem>> -> memref<1x128xi32, #tpu.memory_space<vmem>>
    %dma_start3A_29 = tpu.memref_squeeze %dma_start3A_28 : memref<1x128xi32, #tpu.memory_space<vmem>> -> memref<128xi32, #tpu.memory_space<vmem>>
    %dma_start3A_30 = arith.constant 0 : i32
    %dma_start3A_31 = arith.constant 0 : i32
    %dma_start3A_32 = tpu.memref_slice %arg2[%dma_start3A_30, %dma_start3A_31] : memref<10240x128xf32, #tpu.memory_space<hbm>> -> memref<10240x128xf32, #tpu.memory_space<hbm>>
    tpu.enqueue_indirect_dma source(%dma_start3A_32 : memref<10240x128xf32, #tpu.memory_space<hbm>>) target(%arg7 : memref<128x128xf32, #tpu.memory_space<vmem>>) offsets(%dma_start3A_29 : memref<128xi32, #tpu.memory_space<vmem>>) semaphore(%arg10 : memref<!tpu.dma_semaphore, #tpu.memory_space<semaphore_mem>>)
    %scan3A_33 = arith.constant 0 : i32
    %scan3A_34 = arith.constant 0 : i32
    %scan3A_35 = arith.constant 19 : i32
    %scan3A_36 = arith.addi %scan3A_34, %scan3A_35 : i32
    %scan3A_37 = arith.constant 1 : i32
    scf.for %scan3A_120 = %scan3A_34 to %scan3A_36 step %scan3A_37  : i32 {
      %mul3A_121 = arith.constant 2 : i32
      %mul3A_122 = arith.muli %mul3A_121, %scan3A_120 : i32
      %dma_wait3A_123 = arith.constant 0 : i32
      %dma_wait3A_124 = tpu.memref_slice %arg5[%mul3A_122, %dma_wait3A_123] : memref<40x128xi32, #tpu.memory_space<vmem>> -> memref<1x128xi32, #tpu.memory_space<vmem>>
      %dma_wait3A_125 = tpu.memref_squeeze %dma_wait3A_124 : memref<1x128xi32, #tpu.memory_space<vmem>> -> memref<128xi32, #tpu.memory_space<vmem>>
      %dma_wait3A_126 = arith.constant 0 : i32
      %dma_wait3A_127 = arith.constant 0 : i32
      %dma_wait3A_128 = tpu.memref_slice %arg2[%dma_wait3A_126, %dma_wait3A_127] : memref<10240x128xf32, #tpu.memory_space<hbm>> -> memref<10240x128xf32, #tpu.memory_space<hbm>>
      tpu.wait_indirect_dma semaphore(%arg10 : memref<!tpu.dma_semaphore, #tpu.memory_space<semaphore_mem>>) src(%dma_wait3A_128 : memref<10240x128xf32, #tpu.memory_space<hbm>>) dst(%arg7 : memref<128x128xf32, #tpu.memory_space<vmem>>)
      %add3A_129 = arith.constant 1 : i32
      %add3A_130 = arith.addi %mul3A_122, %add3A_129 : i32
      %dma_start3A_131 = arith.constant 0 : i32
      %dma_start3A_132 = tpu.memref_slice %arg5[%add3A_130, %dma_start3A_131] : memref<40x128xi32, #tpu.memory_space<vmem>> -> memref<1x128xi32, #tpu.memory_space<vmem>>
      %dma_start3A_133 = tpu.memref_squeeze %dma_start3A_132 : memref<1x128xi32, #tpu.memory_space<vmem>> -> memref<128xi32, #tpu.memory_space<vmem>>
      %dma_start3A_134 = arith.constant 0 : i32
      %dma_start3A_135 = arith.constant 0 : i32
      %dma_start3A_136 = tpu.memref_slice %arg2[%dma_start3A_134, %dma_start3A_135] : memref<10240x128xf32, #tpu.memory_space<hbm>> -> memref<10240x128xf32, #tpu.memory_space<hbm>>
      tpu.enqueue_indirect_dma source(%dma_start3A_136 : memref<10240x128xf32, #tpu.memory_space<hbm>>) target(%arg8 : memref<128x128xf32, #tpu.memory_space<vmem>>) offsets(%dma_start3A_133 : memref<128xi32, #tpu.memory_space<vmem>>) semaphore(%arg11 : memref<!tpu.dma_semaphore, #tpu.memory_space<semaphore_mem>>)
      "tpu.region"() ({
        %run_scoped3A_155 = tpu.sem_alloc : memref<!tpu.dma_semaphore, #tpu.memory_space<semaphore_mem>>
        %dma_start3A_156 = arith.constant 0 : i32
        %dma_start3A_157 = tpu.memref_slice %arg6[%mul3A_122, %dma_start3A_156] : memref<40x128xi32, #tpu.memory_space<vmem>> -> memref<1x128xi32, #tpu.memory_space<vmem>>
        %dma_start3A_158 = tpu.memref_squeeze %dma_start3A_157 : memref<1x128xi32, #tpu.memory_space<vmem>> -> memref<128xi32, #tpu.memory_space<vmem>>
        %dma_start3A_159 = arith.constant 0 : i32
        %dma_start3A_160 = arith.constant 0 : i32
        %dma_start3A_161 = tpu.memref_slice %arg9[%dma_start3A_159, %dma_start3A_160] : memref<10240x128xf32, #tpu.memory_space<vmem_shared>> -> memref<10240x128xf32, #tpu.memory_space<vmem_shared>>
        tpu.enqueue_indirect_dma source(%arg7 : memref<128x128xf32, #tpu.memory_space<vmem>>) target(%dma_start3A_161 : memref<10240x128xf32, #tpu.memory_space<vmem_shared>>) offsets(%dma_start3A_158 : memref<128xi32, #tpu.memory_space<vmem>>) semaphore(%run_scoped3A_155 : memref<!tpu.dma_semaphore, #tpu.memory_space<semaphore_mem>>) {add = true}
        %dma_wait3A_162 = arith.constant 0 : i32
        %dma_wait3A_163 = tpu.memref_slice %arg6[%mul3A_122, %dma_wait3A_162] : memref<40x128xi32, #tpu.memory_space<vmem>> -> memref<1x128xi32, #tpu.memory_space<vmem>>
        %dma_wait3A_164 = tpu.memref_squeeze %dma_wait3A_163 : memref<1x128xi32, #tpu.memory_space<vmem>> -> memref<128xi32, #tpu.memory_space<vmem>>
        %dma_wait3A_165 = arith.constant 0 : i32
        %dma_wait3A_166 = arith.constant 0 : i32
        %dma_wait3A_167 = tpu.memref_slice %arg9[%dma_wait3A_165, %dma_wait3A_166] : memref<10240x128xf32, #tpu.memory_space<vmem_shared>> -> memref<10240x128xf32, #tpu.memory_space<vmem_shared>>
        tpu.wait_indirect_dma semaphore(%run_scoped3A_155 : memref<!tpu.dma_semaphore, #tpu.memory_space<semaphore_mem>>) src(%arg7 : memref<128x128xf32, #tpu.memory_space<vmem>>) dst(%dma_wait3A_167 : memref<10240x128xf32, #tpu.memory_space<vmem_shared>>)
        tpu.yield
      }) : () -> ()
      %add3A_137 = arith.constant 1 : i32
      %add3A_138 = arith.addi %mul3A_122, %add3A_137 : i32
      %dma_wait3A_139 = arith.constant 0 : i32
      %dma_wait3A_140 = tpu.memref_slice %arg5[%add3A_138, %dma_wait3A_139] : memref<40x128xi32, #tpu.memory_space<vmem>> -> memref<1x128xi32, #tpu.memory_space<vmem>>
      %dma_wait3A_141 = tpu.memref_squeeze %dma_wait3A_140 : memref<1x128xi32, #tpu.memory_space<vmem>> -> memref<128xi32, #tpu.memory_space<vmem>>
      %dma_wait3A_142 = arith.constant 0 : i32
      %dma_wait3A_143 = arith.constant 0 : i32
      %dma_wait3A_144 = tpu.memref_slice %arg2[%dma_wait3A_142, %dma_wait3A_143] : memref<10240x128xf32, #tpu.memory_space<hbm>> -> memref<10240x128xf32, #tpu.memory_space<hbm>>
      tpu.wait_indirect_dma semaphore(%arg11 : memref<!tpu.dma_semaphore, #tpu.memory_space<semaphore_mem>>) src(%dma_wait3A_144 : memref<10240x128xf32, #tpu.memory_space<hbm>>) dst(%arg8 : memref<128x128xf32, #tpu.memory_space<vmem>>)
      %add3A_145 = arith.constant 2 : i32
      %add3A_146 = arith.addi %mul3A_122, %add3A_145 : i32
      %dma_start3A_147 = arith.constant 0 : i32
      %dma_start3A_148 = tpu.memref_slice %arg5[%add3A_146, %dma_start3A_147] : memref<40x128xi32, #tpu.memory_space<vmem>> -> memref<1x128xi32, #tpu.memory_space<vmem>>
      %dma_start3A_149 = tpu.memref_squeeze %dma_start3A_148 : memref<1x128xi32, #tpu.memory_space<vmem>> -> memref<128xi32, #tpu.memory_space<vmem>>
      %dma_start3A_150 = arith.constant 0 : i32
      %dma_start3A_151 = arith.constant 0 : i32
      %dma_start3A_152 = tpu.memref_slice %arg2[%dma_start3A_150, %dma_start3A_151] : memref<10240x128xf32, #tpu.memory_space<hbm>> -> memref<10240x128xf32, #tpu.memory_space<hbm>>
      tpu.enqueue_indirect_dma source(%dma_start3A_152 : memref<10240x128xf32, #tpu.memory_space<hbm>>) target(%arg7 : memref<128x128xf32, #tpu.memory_space<vmem>>) offsets(%dma_start3A_149 : memref<128xi32, #tpu.memory_space<vmem>>) semaphore(%arg10 : memref<!tpu.dma_semaphore, #tpu.memory_space<semaphore_mem>>)
      %add3A_153 = arith.constant 1 : i32
      %add3A_154 = arith.addi %mul3A_122, %add3A_153 : i32
      "tpu.region"() ({
        %run_scoped3A_155 = tpu.sem_alloc : memref<!tpu.dma_semaphore, #tpu.memory_space<semaphore_mem>>
        %dma_start3A_156 = arith.constant 0 : i32
        %dma_start3A_157 = tpu.memref_slice %arg6[%add3A_154, %dma_start3A_156] : memref<40x128xi32, #tpu.memory_space<vmem>> -> memref<1x128xi32, #tpu.memory_space<vmem>>
        %dma_start3A_158 = tpu.memref_squeeze %dma_start3A_157 : memref<1x128xi32, #tpu.memory_space<vmem>> -> memref<128xi32, #tpu.memory_space<vmem>>
        %dma_start3A_159 = arith.constant 0 : i32
        %dma_start3A_160 = arith.constant 0 : i32
        %dma_start3A_161 = tpu.memref_slice %arg9[%dma_start3A_159, %dma_start3A_160] : memref<10240x128xf32, #tpu.memory_space<vmem_shared>> -> memref<10240x128xf32, #tpu.memory_space<vmem_shared>>
        tpu.enqueue_indirect_dma source(%arg8 : memref<128x128xf32, #tpu.memory_space<vmem>>) target(%dma_start3A_161 : memref<10240x128xf32, #tpu.memory_space<vmem_shared>>) offsets(%dma_start3A_158 : memref<128xi32, #tpu.memory_space<vmem>>) semaphore(%run_scoped3A_155 : memref<!tpu.dma_semaphore, #tpu.memory_space<semaphore_mem>>) {add = true}
        %dma_wait3A_162 = arith.constant 0 : i32
        %dma_wait3A_163 = tpu.memref_slice %arg6[%add3A_154, %dma_wait3A_162] : memref<40x128xi32, #tpu.memory_space<vmem>> -> memref<1x128xi32, #tpu.memory_space<vmem>>
        %dma_wait3A_164 = tpu.memref_squeeze %dma_wait3A_163 : memref<1x128xi32, #tpu.memory_space<vmem>> -> memref<128xi32, #tpu.memory_space<vmem>>
        %dma_wait3A_165 = arith.constant 0 : i32
        %dma_wait3A_166 = arith.constant 0 : i32
        %dma_wait3A_167 = tpu.memref_slice %arg9[%dma_wait3A_165, %dma_wait3A_166] : memref<10240x128xf32, #tpu.memory_space<vmem_shared>> -> memref<10240x128xf32, #tpu.memory_space<vmem_shared>>
        tpu.wait_indirect_dma semaphore(%run_scoped3A_155 : memref<!tpu.dma_semaphore, #tpu.memory_space<semaphore_mem>>) src(%arg8 : memref<128x128xf32, #tpu.memory_space<vmem>>) dst(%dma_wait3A_167 : memref<10240x128xf32, #tpu.memory_space<vmem_shared>>)
        tpu.yield
      }) : () -> ()
    }
    %scan3A_38 = arith.constant 19 : i32
    %dma_wait3A = arith.constant 38 : i32
    %dma_wait3A_39 = arith.constant 0 : i32
    %dma_wait3A_40 = tpu.memref_slice %arg5[%dma_wait3A, %dma_wait3A_39] : memref<40x128xi32, #tpu.memory_space<vmem>> -> memref<1x128xi32, #tpu.memory_space<vmem>>
    %dma_wait3A_41 = tpu.memref_squeeze %dma_wait3A_40 : memref<1x128xi32, #tpu.memory_space<vmem>> -> memref<128xi32, #tpu.memory_space<vmem>>
    %dma_wait3A_42 = arith.constant 0 : i32
    %dma_wait3A_43 = arith.constant 0 : i32
    %dma_wait3A_44 = tpu.memref_slice %arg2[%dma_wait3A_42, %dma_wait3A_43] : memref<10240x128xf32, #tpu.memory_space<hbm>> -> memref<10240x128xf32, #tpu.memory_space<hbm>>
    tpu.wait_indirect_dma semaphore(%arg10 : memref<!tpu.dma_semaphore, #tpu.memory_space<semaphore_mem>>) src(%dma_wait3A_44 : memref<10240x128xf32, #tpu.memory_space<hbm>>) dst(%arg7 : memref<128x128xf32, #tpu.memory_space<vmem>>)
    %dma_start3A_45 = arith.constant 39 : i32
    %dma_start3A_46 = arith.constant 0 : i32
    %dma_start3A_47 = tpu.memref_slice %arg5[%dma_start3A_45, %dma_start3A_46] : memref<40x128xi32, #tpu.memory_space<vmem>> -> memref<1x128xi32, #tpu.memory_space<vmem>>
    %dma_start3A_48 = tpu.memref_squeeze %dma_start3A_47 : memref<1x128xi32, #tpu.memory_space<vmem>> -> memref<128xi32, #tpu.memory_space<vmem>>
    %dma_start3A_49 = arith.constant 0 : i32
    %dma_start3A_50 = arith.constant 0 : i32
    %dma_start3A_51 = tpu.memref_slice %arg2[%dma_start3A_49, %dma_start3A_50] : memref<10240x128xf32, #tpu.memory_space<hbm>> -> memref<10240x128xf32, #tpu.memory_space<hbm>>
    tpu.enqueue_indirect_dma source(%dma_start3A_51 : memref<10240x128xf32, #tpu.memory_space<hbm>>) target(%arg8 : memref<128x128xf32, #tpu.memory_space<vmem>>) offsets(%dma_start3A_48 : memref<128xi32, #tpu.memory_space<vmem>>) semaphore(%arg11 : memref<!tpu.dma_semaphore, #tpu.memory_space<semaphore_mem>>)
    %run_scoped3A_52 = arith.constant 38 : i32
    "tpu.region"() ({
      %run_scoped3A_120 = tpu.sem_alloc : memref<!tpu.dma_semaphore, #tpu.memory_space<semaphore_mem>>
      %dma_start3A_121 = arith.constant 0 : i32
      %dma_start3A_122 = tpu.memref_slice %arg6[%run_scoped3A_52, %dma_start3A_121] : memref<40x128xi32, #tpu.memory_space<vmem>> -> memref<1x128xi32, #tpu.memory_space<vmem>>
      %dma_start3A_123 = tpu.memref_squeeze %dma_start3A_122 : memref<1x128xi32, #tpu.memory_space<vmem>> -> memref<128xi32, #tpu.memory_space<vmem>>
      %dma_start3A_124 = arith.constant 0 : i32
      %dma_start3A_125 = arith.constant 0 : i32
      %dma_start3A_126 = tpu.memref_slice %arg9[%dma_start3A_124, %dma_start3A_125] : memref<10240x128xf32, #tpu.memory_space<vmem_shared>> -> memref<10240x128xf32, #tpu.memory_space<vmem_shared>>
      tpu.enqueue_indirect_dma source(%arg7 : memref<128x128xf32, #tpu.memory_space<vmem>>) target(%dma_start3A_126 : memref<10240x128xf32, #tpu.memory_space<vmem_shared>>) offsets(%dma_start3A_123 : memref<128xi32, #tpu.memory_space<vmem>>) semaphore(%run_scoped3A_120 : memref<!tpu.dma_semaphore, #tpu.memory_space<semaphore_mem>>) {add = true}
      %dma_wait3A_127 = arith.constant 0 : i32
      %dma_wait3A_128 = tpu.memref_slice %arg6[%run_scoped3A_52, %dma_wait3A_127] : memref<40x128xi32, #tpu.memory_space<vmem>> -> memref<1x128xi32, #tpu.memory_space<vmem>>
      %dma_wait3A_129 = tpu.memref_squeeze %dma_wait3A_128 : memref<1x128xi32, #tpu.memory_space<vmem>> -> memref<128xi32, #tpu.memory_space<vmem>>
      %dma_wait3A_130 = arith.constant 0 : i32
      %dma_wait3A_131 = arith.constant 0 : i32
      %dma_wait3A_132 = tpu.memref_slice %arg9[%dma_wait3A_130, %dma_wait3A_131] : memref<10240x128xf32, #tpu.memory_space<vmem_shared>> -> memref<10240x128xf32, #tpu.memory_space<vmem_shared>>
      tpu.wait_indirect_dma semaphore(%run_scoped3A_120 : memref<!tpu.dma_semaphore, #tpu.memory_space<semaphore_mem>>) src(%arg7 : memref<128x128xf32, #tpu.memory_space<vmem>>) dst(%dma_wait3A_132 : memref<10240x128xf32, #tpu.memory_space<vmem_shared>>)
      tpu.yield
    }) : () -> ()
    %dma_wait3A_53 = arith.constant 39 : i32
    %dma_wait3A_54 = arith.constant 0 : i32
    %dma_wait3A_55 = tpu.memref_slice %arg5[%dma_wait3A_53, %dma_wait3A_54] : memref<40x128xi32, #tpu.memory_space<vmem>> -> memref<1x128xi32, #tpu.memory_space<vmem>>
    %dma_wait3A_56 = tpu.memref_squeeze %dma_wait3A_55 : memref<1x128xi32, #tpu.memory_space<vmem>> -> memref<128xi32, #tpu.memory_space<vmem>>
    %dma_wait3A_57 = arith.constant 0 : i32
    %dma_wait3A_58 = arith.constant 0 : i32
    %dma_wait3A_59 = tpu.memref_slice %arg2[%dma_wait3A_57, %dma_wait3A_58] : memref<10240x128xf32, #tpu.memory_space<hbm>> -> memref<10240x128xf32, #tpu.memory_space<hbm>>
    tpu.wait_indirect_dma semaphore(%arg11 : memref<!tpu.dma_semaphore, #tpu.memory_space<semaphore_mem>>) src(%dma_wait3A_59 : memref<10240x128xf32, #tpu.memory_space<hbm>>) dst(%arg8 : memref<128x128xf32, #tpu.memory_space<vmem>>)
    %run_scoped3A_60 = arith.constant 39 : i32
    "tpu.region"() ({
      %run_scoped3A_120 = tpu.sem_alloc : memref<!tpu.dma_semaphore, #tpu.memory_space<semaphore_mem>>
      %dma_start3A_121 = arith.constant 0 : i32
      %dma_start3A_122 = tpu.memref_slice %arg6[%run_scoped3A_60, %dma_start3A_121] : memref<40x128xi32, #tpu.memory_space<vmem>> -> memref<1x128xi32, #tpu.memory_space<vmem>>
      %dma_start3A_123 = tpu.memref_squeeze %dma_start3A_122 : memref<1x128xi32, #tpu.memory_space<vmem>> -> memref<128xi32, #tpu.memory_space<vmem>>
      %dma_start3A_124 = arith.constant 0 : i32
      %dma_start3A_125 = arith.constant 0 : i32
      %dma_start3A_126 = tpu.memref_slice %arg9[%dma_start3A_124, %dma_start3A_125] : memref<10240x128xf32, #tpu.memory_space<vmem_shared>> -> memref<10240x128xf32, #tpu.memory_space<vmem_shared>>
      tpu.enqueue_indirect_dma source(%arg8 : memref<128x128xf32, #tpu.memory_space<vmem>>) target(%dma_start3A_126 : memref<10240x128xf32, #tpu.memory_space<vmem_shared>>) offsets(%dma_start3A_123 : memref<128xi32, #tpu.memory_space<vmem>>) semaphore(%run_scoped3A_120 : memref<!tpu.dma_semaphore, #tpu.memory_space<semaphore_mem>>) {add = true}
      %dma_wait3A_127 = arith.constant 0 : i32
      %dma_wait3A_128 = tpu.memref_slice %arg6[%run_scoped3A_60, %dma_wait3A_127] : memref<40x128xi32, #tpu.memory_space<vmem>> -> memref<1x128xi32, #tpu.memory_space<vmem>>
      %dma_wait3A_129 = tpu.memref_squeeze %dma_wait3A_128 : memref<1x128xi32, #tpu.memory_space<vmem>> -> memref<128xi32, #tpu.memory_space<vmem>>
      %dma_wait3A_130 = arith.constant 0 : i32
      %dma_wait3A_131 = arith.constant 0 : i32
      %dma_wait3A_132 = tpu.memref_slice %arg9[%dma_wait3A_130, %dma_wait3A_131] : memref<10240x128xf32, #tpu.memory_space<vmem_shared>> -> memref<10240x128xf32, #tpu.memory_space<vmem_shared>>
      tpu.wait_indirect_dma semaphore(%run_scoped3A_120 : memref<!tpu.dma_semaphore, #tpu.memory_space<semaphore_mem>>) src(%arg8 : memref<128x128xf32, #tpu.memory_space<vmem>>) dst(%dma_wait3A_132 : memref<10240x128xf32, #tpu.memory_space<vmem_shared>>)
      tpu.yield
    }) : () -> ()
    %run_scoped3A_61 = arith.constant 0 : i32
    "tpu.region"() ({
      %run_scoped3A_120 = tpu.sem_alloc : memref<!tpu.dma_semaphore, #tpu.memory_space<semaphore_mem>>
      %dma_start3A_121 = arith.constant 40 : i32
      %dma_start3A_122 = arith.constant 0 : i32
      %dma_start3A_123 = tpu.memref_slice %arg3[%run_scoped3A_61, %add3A, %dma_start3A_121, %dma_start3A_122] : memref<2x32x80x128xi32, #tpu.memory_space<hbm>> -> memref<1x1x40x128xi32, #tpu.memory_space<hbm>>
      %dma_start3A_124 = tpu.memref_squeeze %dma_start3A_123 : memref<1x1x40x128xi32, #tpu.memory_space<hbm>> -> memref<40x128xi32, #tpu.memory_space<hbm>>
      %dma_start3A_125 = arith.constant 40 : i32
      %dma_start3A_126 = arith.constant 0 : i32
      %dma_start3A_127 = tpu.memref_slice %arg3[%run_scoped3A_61, %add3A, %dma_start3A_125, %dma_start3A_126] : memref<2x32x80x128xi32, #tpu.memory_space<hbm>> -> memref<1x1x40x128xi32, #tpu.memory_space<hbm>>
      %dma_start3A_128 = tpu.memref_squeeze %dma_start3A_127 : memref<1x1x40x128xi32, #tpu.memory_space<hbm>> -> memref<40x128xi32, #tpu.memory_space<hbm>>
      tpu.enqueue_dma source(%dma_start3A_128 : memref<40x128xi32, #tpu.memory_space<hbm>>) target(%arg5 : memref<40x128xi32, #tpu.memory_space<vmem>>) target_semaphore(%run_scoped3A_120 : memref<!tpu.dma_semaphore, #tpu.memory_space<semaphore_mem>>)
      %dma_wait3A_129 = arith.constant 40 : i32
      %dma_wait3A_130 = arith.constant 0 : i32
      %dma_wait3A_131 = tpu.memref_slice %arg3[%run_scoped3A_61, %add3A, %dma_wait3A_129, %dma_wait3A_130] : memref<2x32x80x128xi32, #tpu.memory_space<hbm>> -> memref<1x1x40x128xi32, #tpu.memory_space<hbm>>
      %dma_wait3A_132 = tpu.memref_squeeze %dma_wait3A_131 : memref<1x1x40x128xi32, #tpu.memory_space<hbm>> -> memref<40x128xi32, #tpu.memory_space<hbm>>
      %dma_wait3A_133 = arith.constant 40 : i32
      %dma_wait3A_134 = arith.constant 0 : i32
      %dma_wait3A_135 = tpu.memref_slice %arg3[%run_scoped3A_61, %add3A, %dma_wait3A_133, %dma_wait3A_134] : memref<2x32x80x128xi32, #tpu.memory_space<hbm>> -> memref<1x1x40x128xi32, #tpu.memory_space<hbm>>
      %dma_wait3A_136 = tpu.memref_squeeze %dma_wait3A_135 : memref<1x1x40x128xi32, #tpu.memory_space<hbm>> -> memref<40x128xi32, #tpu.memory_space<hbm>>
      tpu.wait_dma2 semaphore(%run_scoped3A_120 : memref<!tpu.dma_semaphore, #tpu.memory_space<semaphore_mem>>) src(%dma_wait3A_136 : memref<40x128xi32, #tpu.memory_space<hbm>>) dst(%arg5 : memref<40x128xi32, #tpu.memory_space<vmem>>)
      tpu.yield
    }) : () -> ()
    %run_scoped3A_62 = arith.constant 1 : i32
    "tpu.region"() ({
      %run_scoped3A_120 = tpu.sem_alloc : memref<!tpu.dma_semaphore, #tpu.memory_space<semaphore_mem>>
      %dma_start3A_121 = arith.constant 40 : i32
      %dma_start3A_122 = arith.constant 0 : i32
      %dma_start3A_123 = tpu.memref_slice %arg3[%run_scoped3A_62, %add3A, %dma_start3A_121, %dma_start3A_122] : memref<2x32x80x128xi32, #tpu.memory_space<hbm>> -> memref<1x1x40x128xi32, #tpu.memory_space<hbm>>
      %dma_start3A_124 = tpu.memref_squeeze %dma_start3A_123 : memref<1x1x40x128xi32, #tpu.memory_space<hbm>> -> memref<40x128xi32, #tpu.memory_space<hbm>>
      %dma_start3A_125 = arith.constant 40 : i32
      %dma_start3A_126 = arith.constant 0 : i32
      %dma_start3A_127 = tpu.memref_slice %arg3[%run_scoped3A_62, %add3A, %dma_start3A_125, %dma_start3A_126] : memref<2x32x80x128xi32, #tpu.memory_space<hbm>> -> memref<1x1x40x128xi32, #tpu.memory_space<hbm>>
      %dma_start3A_128 = tpu.memref_squeeze %dma_start3A_127 : memref<1x1x40x128xi32, #tpu.memory_space<hbm>> -> memref<40x128xi32, #tpu.memory_space<hbm>>
      tpu.enqueue_dma source(%dma_start3A_128 : memref<40x128xi32, #tpu.memory_space<hbm>>) target(%arg6 : memref<40x128xi32, #tpu.memory_space<vmem>>) target_semaphore(%run_scoped3A_120 : memref<!tpu.dma_semaphore, #tpu.memory_space<semaphore_mem>>)
      %dma_wait3A_129 = arith.constant 40 : i32
      %dma_wait3A_130 = arith.constant 0 : i32
      %dma_wait3A_131 = tpu.memref_slice %arg3[%run_scoped3A_62, %add3A, %dma_wait3A_129, %dma_wait3A_130] : memref<2x32x80x128xi32, #tpu.memory_space<hbm>> -> memref<1x1x40x128xi32, #tpu.memory_space<hbm>>
      %dma_wait3A_132 = tpu.memref_squeeze %dma_wait3A_131 : memref<1x1x40x128xi32, #tpu.memory_space<hbm>> -> memref<40x128xi32, #tpu.memory_space<hbm>>
      %dma_wait3A_133 = arith.constant 40 : i32
      %dma_wait3A_134 = arith.constant 0 : i32
      %dma_wait3A_135 = tpu.memref_slice %arg3[%run_scoped3A_62, %add3A, %dma_wait3A_133, %dma_wait3A_134] : memref<2x32x80x128xi32, #tpu.memory_space<hbm>> -> memref<1x1x40x128xi32, #tpu.memory_space<hbm>>
      %dma_wait3A_136 = tpu.memref_squeeze %dma_wait3A_135 : memref<1x1x40x128xi32, #tpu.memory_space<hbm>> -> memref<40x128xi32, #tpu.memory_space<hbm>>
      tpu.wait_dma2 semaphore(%run_scoped3A_120 : memref<!tpu.dma_semaphore, #tpu.memory_space<semaphore_mem>>) src(%dma_wait3A_136 : memref<40x128xi32, #tpu.memory_space<hbm>>) dst(%arg6 : memref<40x128xi32, #tpu.memory_space<vmem>>)
      tpu.yield
    }) : () -> ()
    %dma_start3A_63 = arith.constant 0 : i32
    %dma_start3A_64 = arith.constant 0 : i32
    %dma_start3A_65 = tpu.memref_slice %arg5[%dma_start3A_63, %dma_start3A_64] : memref<40x128xi32, #tpu.memory_space<vmem>> -> memref<1x128xi32, #tpu.memory_space<vmem>>
    %dma_start3A_66 = tpu.memref_squeeze %dma_start3A_65 : memref<1x128xi32, #tpu.memory_space<vmem>> -> memref<128xi32, #tpu.memory_space<vmem>>
    %dma_start3A_67 = arith.constant 0 : i32
    %dma_start3A_68 = arith.constant 0 : i32
    %dma_start3A_69 = tpu.memref_slice %arg2[%dma_start3A_67, %dma_start3A_68] : memref<10240x128xf32, #tpu.memory_space<hbm>> -> memref<10240x128xf32, #tpu.memory_space<hbm>>
    tpu.enqueue_indirect_dma source(%dma_start3A_69 : memref<10240x128xf32, #tpu.memory_space<hbm>>) target(%arg7 : memref<128x128xf32, #tpu.memory_space<vmem>>) offsets(%dma_start3A_66 : memref<128xi32, #tpu.memory_space<vmem>>) semaphore(%arg10 : memref<!tpu.dma_semaphore, #tpu.memory_space<semaphore_mem>>)
    %scan3A_70 = arith.constant 0 : i32
    %scan3A_71 = arith.constant 0 : i32
    %scan3A_72 = arith.constant 19 : i32
    %scan3A_73 = arith.addi %scan3A_71, %scan3A_72 : i32
    %scan3A_74 = arith.constant 1 : i32
    scf.for %scan3A_120 = %scan3A_71 to %scan3A_73 step %scan3A_74  : i32 {
      %mul3A_121 = arith.constant 2 : i32
      %mul3A_122 = arith.muli %mul3A_121, %scan3A_120 : i32
      %dma_wait3A_123 = arith.constant 0 : i32
      %dma_wait3A_124 = tpu.memref_slice %arg5[%mul3A_122, %dma_wait3A_123] : memref<40x128xi32, #tpu.memory_space<vmem>> -> memref<1x128xi32, #tpu.memory_space<vmem>>
      %dma_wait3A_125 = tpu.memref_squeeze %dma_wait3A_124 : memref<1x128xi32, #tpu.memory_space<vmem>> -> memref<128xi32, #tpu.memory_space<vmem>>
      %dma_wait3A_126 = arith.constant 0 : i32
      %dma_wait3A_127 = arith.constant 0 : i32
      %dma_wait3A_128 = tpu.memref_slice %arg2[%dma_wait3A_126, %dma_wait3A_127] : memref<10240x128xf32, #tpu.memory_space<hbm>> -> memref<10240x128xf32, #tpu.memory_space<hbm>>
      tpu.wait_indirect_dma semaphore(%arg10 : memref<!tpu.dma_semaphore, #tpu.memory_space<semaphore_mem>>) src(%dma_wait3A_128 : memref<10240x128xf32, #tpu.memory_space<hbm>>) dst(%arg7 : memref<128x128xf32, #tpu.memory_space<vmem>>)
      %add3A_129 = arith.constant 1 : i32
      %add3A_130 = arith.addi %mul3A_122, %add3A_129 : i32
      %dma_start3A_131 = arith.constant 0 : i32
      %dma_start3A_132 = tpu.memref_slice %arg5[%add3A_130, %dma_start3A_131] : memref<40x128xi32, #tpu.memory_space<vmem>> -> memref<1x128xi32, #tpu.memory_space<vmem>>
      %dma_start3A_133 = tpu.memref_squeeze %dma_start3A_132 : memref<1x128xi32, #tpu.memory_space<vmem>> -> memref<128xi32, #tpu.memory_space<vmem>>
      %dma_start3A_134 = arith.constant 0 : i32
      %dma_start3A_135 = arith.constant 0 : i32
      %dma_start3A_136 = tpu.memref_slice %arg2[%dma_start3A_134, %dma_start3A_135] : memref<10240x128xf32, #tpu.memory_space<hbm>> -> memref<10240x128xf32, #tpu.memory_space<hbm>>
      tpu.enqueue_indirect_dma source(%dma_start3A_136 : memref<10240x128xf32, #tpu.memory_space<hbm>>) target(%arg8 : memref<128x128xf32, #tpu.memory_space<vmem>>) offsets(%dma_start3A_133 : memref<128xi32, #tpu.memory_space<vmem>>) semaphore(%arg11 : memref<!tpu.dma_semaphore, #tpu.memory_space<semaphore_mem>>)
      "tpu.region"() ({
        %run_scoped3A_155 = tpu.sem_alloc : memref<!tpu.dma_semaphore, #tpu.memory_space<semaphore_mem>>
        %dma_start3A_156 = arith.constant 0 : i32
        %dma_start3A_157 = tpu.memref_slice %arg6[%mul3A_122, %dma_start3A_156] : memref<40x128xi32, #tpu.memory_space<vmem>> -> memref<1x128xi32, #tpu.memory_space<vmem>>
        %dma_start3A_158 = tpu.memref_squeeze %dma_start3A_157 : memref<1x128xi32, #tpu.memory_space<vmem>> -> memref<128xi32, #tpu.memory_space<vmem>>
        %dma_start3A_159 = arith.constant 0 : i32
        %dma_start3A_160 = arith.constant 0 : i32
        %dma_start3A_161 = tpu.memref_slice %arg9[%dma_start3A_159, %dma_start3A_160] : memref<10240x128xf32, #tpu.memory_space<vmem_shared>> -> memref<10240x128xf32, #tpu.memory_space<vmem_shared>>
        tpu.enqueue_indirect_dma source(%arg7 : memref<128x128xf32, #tpu.memory_space<vmem>>) target(%dma_start3A_161 : memref<10240x128xf32, #tpu.memory_space<vmem_shared>>) offsets(%dma_start3A_158 : memref<128xi32, #tpu.memory_space<vmem>>) semaphore(%run_scoped3A_155 : memref<!tpu.dma_semaphore, #tpu.memory_space<semaphore_mem>>) {add = true}
        %dma_wait3A_162 = arith.constant 0 : i32
        %dma_wait3A_163 = tpu.memref_slice %arg6[%mul3A_122, %dma_wait3A_162] : memref<40x128xi32, #tpu.memory_space<vmem>> -> memref<1x128xi32, #tpu.memory_space<vmem>>
        %dma_wait3A_164 = tpu.memref_squeeze %dma_wait3A_163 : memref<1x128xi32, #tpu.memory_space<vmem>> -> memref<128xi32, #tpu.memory_space<vmem>>
        %dma_wait3A_165 = arith.constant 0 : i32
        %dma_wait3A_166 = arith.constant 0 : i32
        %dma_wait3A_167 = tpu.memref_slice %arg9[%dma_wait3A_165, %dma_wait3A_166] : memref<10240x128xf32, #tpu.memory_space<vmem_shared>> -> memref<10240x128xf32, #tpu.memory_space<vmem_shared>>
        tpu.wait_indirect_dma semaphore(%run_scoped3A_155 : memref<!tpu.dma_semaphore, #tpu.memory_space<semaphore_mem>>) src(%arg7 : memref<128x128xf32, #tpu.memory_space<vmem>>) dst(%dma_wait3A_167 : memref<10240x128xf32, #tpu.memory_space<vmem_shared>>)
        tpu.yield
      }) : () -> ()
      %add3A_137 = arith.constant 1 : i32
      %add3A_138 = arith.addi %mul3A_122, %add3A_137 : i32
      %dma_wait3A_139 = arith.constant 0 : i32
      %dma_wait3A_140 = tpu.memref_slice %arg5[%add3A_138, %dma_wait3A_139] : memref<40x128xi32, #tpu.memory_space<vmem>> -> memref<1x128xi32, #tpu.memory_space<vmem>>
      %dma_wait3A_141 = tpu.memref_squeeze %dma_wait3A_140 : memref<1x128xi32, #tpu.memory_space<vmem>> -> memref<128xi32, #tpu.memory_space<vmem>>
      %dma_wait3A_142 = arith.constant 0 : i32
      %dma_wait3A_143 = arith.constant 0 : i32
      %dma_wait3A_144 = tpu.memref_slice %arg2[%dma_wait3A_142, %dma_wait3A_143] : memref<10240x128xf32, #tpu.memory_space<hbm>> -> memref<10240x128xf32, #tpu.memory_space<hbm>>
      tpu.wait_indirect_dma semaphore(%arg11 : memref<!tpu.dma_semaphore, #tpu.memory_space<semaphore_mem>>) src(%dma_wait3A_144 : memref<10240x128xf32, #tpu.memory_space<hbm>>) dst(%arg8 : memref<128x128xf32, #tpu.memory_space<vmem>>)
      %add3A_145 = arith.constant 2 : i32
      %add3A_146 = arith.addi %mul3A_122, %add3A_145 : i32
      %dma_start3A_147 = arith.constant 0 : i32
      %dma_start3A_148 = tpu.memref_slice %arg5[%add3A_146, %dma_start3A_147] : memref<40x128xi32, #tpu.memory_space<vmem>> -> memref<1x128xi32, #tpu.memory_space<vmem>>
      %dma_start3A_149 = tpu.memref_squeeze %dma_start3A_148 : memref<1x128xi32, #tpu.memory_space<vmem>> -> memref<128xi32, #tpu.memory_space<vmem>>
      %dma_start3A_150 = arith.constant 0 : i32
      %dma_start3A_151 = arith.constant 0 : i32
      %dma_start3A_152 = tpu.memref_slice %arg2[%dma_start3A_150, %dma_start3A_151] : memref<10240x128xf32, #tpu.memory_space<hbm>> -> memref<10240x128xf32, #tpu.memory_space<hbm>>
      tpu.enqueue_indirect_dma source(%dma_start3A_152 : memref<10240x128xf32, #tpu.memory_space<hbm>>) target(%arg7 : memref<128x128xf32, #tpu.memory_space<vmem>>) offsets(%dma_start3A_149 : memref<128xi32, #tpu.memory_space<vmem>>) semaphore(%arg10 : memref<!tpu.dma_semaphore, #tpu.memory_space<semaphore_mem>>)
      %add3A_153 = arith.constant 1 : i32
      %add3A_154 = arith.addi %mul3A_122, %add3A_153 : i32
      "tpu.region"() ({
        %run_scoped3A_155 = tpu.sem_alloc : memref<!tpu.dma_semaphore, #tpu.memory_space<semaphore_mem>>
        %dma_start3A_156 = arith.constant 0 : i32
        %dma_start3A_157 = tpu.memref_slice %arg6[%add3A_154, %dma_start3A_156] : memref<40x128xi32, #tpu.memory_space<vmem>> -> memref<1x128xi32, #tpu.memory_space<vmem>>
        %dma_start3A_158 = tpu.memref_squeeze %dma_start3A_157 : memref<1x128xi32, #tpu.memory_space<vmem>> -> memref<128xi32, #tpu.memory_space<vmem>>
        %dma_start3A_159 = arith.constant 0 : i32
        %dma_start3A_160 = arith.constant 0 : i32
        %dma_start3A_161 = tpu.memref_slice %arg9[%dma_start3A_159, %dma_start3A_160] : memref<10240x128xf32, #tpu.memory_space<vmem_shared>> -> memref<10240x128xf32, #tpu.memory_space<vmem_shared>>
        tpu.enqueue_indirect_dma source(%arg8 : memref<128x128xf32, #tpu.memory_space<vmem>>) target(%dma_start3A_161 : memref<10240x128xf32, #tpu.memory_space<vmem_shared>>) offsets(%dma_start3A_158 : memref<128xi32, #tpu.memory_space<vmem>>) semaphore(%run_scoped3A_155 : memref<!tpu.dma_semaphore, #tpu.memory_space<semaphore_mem>>) {add = true}
        %dma_wait3A_162 = arith.constant 0 : i32
        %dma_wait3A_163 = tpu.memref_slice %arg6[%add3A_154, %dma_wait3A_162] : memref<40x128xi32, #tpu.memory_space<vmem>> -> memref<1x128xi32, #tpu.memory_space<vmem>>
        %dma_wait3A_164 = tpu.memref_squeeze %dma_wait3A_163 : memref<1x128xi32, #tpu.memory_space<vmem>> -> memref<128xi32, #tpu.memory_space<vmem>>
        %dma_wait3A_165 = arith.constant 0 : i32
        %dma_wait3A_166 = arith.constant 0 : i32
        %dma_wait3A_167 = tpu.memref_slice %arg9[%dma_wait3A_165, %dma_wait3A_166] : memref<10240x128xf32, #tpu.memory_space<vmem_shared>> -> memref<10240x128xf32, #tpu.memory_space<vmem_shared>>
        tpu.wait_indirect_dma semaphore(%run_scoped3A_155 : memref<!tpu.dma_semaphore, #tpu.memory_space<semaphore_mem>>) src(%arg8 : memref<128x128xf32, #tpu.memory_space<vmem>>) dst(%dma_wait3A_167 : memref<10240x128xf32, #tpu.memory_space<vmem_shared>>)
        tpu.yield
      }) : () -> ()
    }
    %scan3A_75 = arith.constant 19 : i32
    %dma_wait3A_76 = arith.constant 38 : i32
    %dma_wait3A_77 = arith.constant 0 : i32
    %dma_wait3A_78 = tpu.memref_slice %arg5[%dma_wait3A_76, %dma_wait3A_77] : memref<40x128xi32, #tpu.memory_space<vmem>> -> memref<1x128xi32, #tpu.memory_space<vmem>>
    %dma_wait3A_79 = tpu.memref_squeeze %dma_wait3A_78 : memref<1x128xi32, #tpu.memory_space<vmem>> -> memref<128xi32, #tpu.memory_space<vmem>>
    %dma_wait3A_80 = arith.constant 0 : i32
    %dma_wait3A_81 = arith.constant 0 : i32
    %dma_wait3A_82 = tpu.memref_slice %arg2[%dma_wait3A_80, %dma_wait3A_81] : memref<10240x128xf32, #tpu.memory_space<hbm>> -> memref<10240x128xf32, #tpu.memory_space<hbm>>
    tpu.wait_indirect_dma semaphore(%arg10 : memref<!tpu.dma_semaphore, #tpu.memory_space<semaphore_mem>>) src(%dma_wait3A_82 : memref<10240x128xf32, #tpu.memory_space<hbm>>) dst(%arg7 : memref<128x128xf32, #tpu.memory_space<vmem>>)
    %dma_start3A_83 = arith.constant 39 : i32
    %dma_start3A_84 = arith.constant 0 : i32
    %dma_start3A_85 = tpu.memref_slice %arg5[%dma_start3A_83, %dma_start3A_84] : memref<40x128xi32, #tpu.memory_space<vmem>> -> memref<1x128xi32, #tpu.memory_space<vmem>>
    %dma_start3A_86 = tpu.memref_squeeze %dma_start3A_85 : memref<1x128xi32, #tpu.memory_space<vmem>> -> memref<128xi32, #tpu.memory_space<vmem>>
    %dma_start3A_87 = arith.constant 0 : i32
    %dma_start3A_88 = arith.constant 0 : i32
    %dma_start3A_89 = tpu.memref_slice %arg2[%dma_start3A_87, %dma_start3A_88] : memref<10240x128xf32, #tpu.memory_space<hbm>> -> memref<10240x128xf32, #tpu.memory_space<hbm>>
    tpu.enqueue_indirect_dma source(%dma_start3A_89 : memref<10240x128xf32, #tpu.memory_space<hbm>>) target(%arg8 : memref<128x128xf32, #tpu.memory_space<vmem>>) offsets(%dma_start3A_86 : memref<128xi32, #tpu.memory_space<vmem>>) semaphore(%arg11 : memref<!tpu.dma_semaphore, #tpu.memory_space<semaphore_mem>>)
    %run_scoped3A_90 = arith.constant 38 : i32
    "tpu.region"() ({
      %run_scoped3A_120 = tpu.sem_alloc : memref<!tpu.dma_semaphore, #tpu.memory_space<semaphore_mem>>
      %dma_start3A_121 = arith.constant 0 : i32
      %dma_start3A_122 = tpu.memref_slice %arg6[%run_scoped3A_90, %dma_start3A_121] : memref<40x128xi32, #tpu.memory_space<vmem>> -> memref<1x128xi32, #tpu.memory_space<vmem>>
      %dma_start3A_123 = tpu.memref_squeeze %dma_start3A_122 : memref<1x128xi32, #tpu.memory_space<vmem>> -> memref<128xi32, #tpu.memory_space<vmem>>
      %dma_start3A_124 = arith.constant 0 : i32
      %dma_start3A_125 = arith.constant 0 : i32
      %dma_start3A_126 = tpu.memref_slice %arg9[%dma_start3A_124, %dma_start3A_125] : memref<10240x128xf32, #tpu.memory_space<vmem_shared>> -> memref<10240x128xf32, #tpu.memory_space<vmem_shared>>
      tpu.enqueue_indirect_dma source(%arg7 : memref<128x128xf32, #tpu.memory_space<vmem>>) target(%dma_start3A_126 : memref<10240x128xf32, #tpu.memory_space<vmem_shared>>) offsets(%dma_start3A_123 : memref<128xi32, #tpu.memory_space<vmem>>) semaphore(%run_scoped3A_120 : memref<!tpu.dma_semaphore, #tpu.memory_space<semaphore_mem>>) {add = true}
      %dma_wait3A_127 = arith.constant 0 : i32
      %dma_wait3A_128 = tpu.memref_slice %arg6[%run_scoped3A_90, %dma_wait3A_127] : memref<40x128xi32, #tpu.memory_space<vmem>> -> memref<1x128xi32, #tpu.memory_space<vmem>>
      %dma_wait3A_129 = tpu.memref_squeeze %dma_wait3A_128 : memref<1x128xi32, #tpu.memory_space<vmem>> -> memref<128xi32, #tpu.memory_space<vmem>>
      %dma_wait3A_130 = arith.constant 0 : i32
      %dma_wait3A_131 = arith.constant 0 : i32
      %dma_wait3A_132 = tpu.memref_slice %arg9[%dma_wait3A_130, %dma_wait3A_131] : memref<10240x128xf32, #tpu.memory_space<vmem_shared>> -> memref<10240x128xf32, #tpu.memory_space<vmem_shared>>
      tpu.wait_indirect_dma semaphore(%run_scoped3A_120 : memref<!tpu.dma_semaphore, #tpu.memory_space<semaphore_mem>>) src(%arg7 : memref<128x128xf32, #tpu.memory_space<vmem>>) dst(%dma_wait3A_132 : memref<10240x128xf32, #tpu.memory_space<vmem_shared>>)
      tpu.yield
    }) : () -> ()
    %dma_wait3A_91 = arith.constant 39 : i32
    %dma_wait3A_92 = arith.constant 0 : i32
    %dma_wait3A_93 = tpu.memref_slice %arg5[%dma_wait3A_91, %dma_wait3A_92] : memref<40x128xi32, #tpu.memory_space<vmem>> -> memref<1x128xi32, #tpu.memory_space<vmem>>
    %dma_wait3A_94 = tpu.memref_squeeze %dma_wait3A_93 : memref<1x128xi32, #tpu.memory_space<vmem>> -> memref<128xi32, #tpu.memory_space<vmem>>
    %dma_wait3A_95 = arith.constant 0 : i32
    %dma_wait3A_96 = arith.constant 0 : i32
    %dma_wait3A_97 = tpu.memref_slice %arg2[%dma_wait3A_95, %dma_wait3A_96] : memref<10240x128xf32, #tpu.memory_space<hbm>> -> memref<10240x128xf32, #tpu.memory_space<hbm>>
    tpu.wait_indirect_dma semaphore(%arg11 : memref<!tpu.dma_semaphore, #tpu.memory_space<semaphore_mem>>) src(%dma_wait3A_97 : memref<10240x128xf32, #tpu.memory_space<hbm>>) dst(%arg8 : memref<128x128xf32, #tpu.memory_space<vmem>>)
    %run_scoped3A_98 = arith.constant 39 : i32
    "tpu.region"() ({
      %run_scoped3A_120 = tpu.sem_alloc : memref<!tpu.dma_semaphore, #tpu.memory_space<semaphore_mem>>
      %dma_start3A_121 = arith.constant 0 : i32
      %dma_start3A_122 = tpu.memref_slice %arg6[%run_scoped3A_98, %dma_start3A_121] : memref<40x128xi32, #tpu.memory_space<vmem>> -> memref<1x128xi32, #tpu.memory_space<vmem>>
      %dma_start3A_123 = tpu.memref_squeeze %dma_start3A_122 : memref<1x128xi32, #tpu.memory_space<vmem>> -> memref<128xi32, #tpu.memory_space<vmem>>
      %dma_start3A_124 = arith.constant 0 : i32
      %dma_start3A_125 = arith.constant 0 : i32
      %dma_start3A_126 = tpu.memref_slice %arg9[%dma_start3A_124, %dma_start3A_125] : memref<10240x128xf32, #tpu.memory_space<vmem_shared>> -> memref<10240x128xf32, #tpu.memory_space<vmem_shared>>
      tpu.enqueue_indirect_dma source(%arg8 : memref<128x128xf32, #tpu.memory_space<vmem>>) target(%dma_start3A_126 : memref<10240x128xf32, #tpu.memory_space<vmem_shared>>) offsets(%dma_start3A_123 : memref<128xi32, #tpu.memory_space<vmem>>) semaphore(%run_scoped3A_120 : memref<!tpu.dma_semaphore, #tpu.memory_space<semaphore_mem>>) {add = true}
      %dma_wait3A_127 = arith.constant 0 : i32
      %dma_wait3A_128 = tpu.memref_slice %arg6[%run_scoped3A_98, %dma_wait3A_127] : memref<40x128xi32, #tpu.memory_space<vmem>> -> memref<1x128xi32, #tpu.memory_space<vmem>>
      %dma_wait3A_129 = tpu.memref_squeeze %dma_wait3A_128 : memref<1x128xi32, #tpu.memory_space<vmem>> -> memref<128xi32, #tpu.memory_space<vmem>>
      %dma_wait3A_130 = arith.constant 0 : i32
      %dma_wait3A_131 = arith.constant 0 : i32
      %dma_wait3A_132 = tpu.memref_slice %arg9[%dma_wait3A_130, %dma_wait3A_131] : memref<10240x128xf32, #tpu.memory_space<vmem_shared>> -> memref<10240x128xf32, #tpu.memory_space<vmem_shared>>
      tpu.wait_indirect_dma semaphore(%run_scoped3A_120 : memref<!tpu.dma_semaphore, #tpu.memory_space<semaphore_mem>>) src(%arg8 : memref<128x128xf32, #tpu.memory_space<vmem>>) dst(%dma_wait3A_132 : memref<10240x128xf32, #tpu.memory_space<vmem_shared>>)
      tpu.yield
    }) : () -> ()
    %barrier3A_99 = arith.constant 0 : index
    tpu.barrier barrier_id(%barrier3A_99)
    %mul3A_100 = arith.constant 640 : i32
    %mul3A_101 = arith.muli %arg1, %mul3A_100 : i32
    %add3A_102 = arith.constant 0 : i32
    %add3A_103 = arith.addi %mul3A_101, %add3A_102 : i32
    "tpu.region"() ({
      %run_scoped3A_120 = tpu.sem_alloc : memref<!tpu.dma_semaphore, #tpu.memory_space<semaphore_mem>>
      %dma_start3A_121 = arith.constant 0 : i32
      %dma_start3A_122 = tpu.memref_slice %arg4[%arg0, %add3A_103, %dma_start3A_121] : memref<2x10240x128xf32, #tpu.memory_space<hbm>> -> memref<1x128x128xf32, #tpu.memory_space<hbm>>
      %dma_start3A_123 = tpu.memref_squeeze %dma_start3A_122 : memref<1x128x128xf32, #tpu.memory_space<hbm>> -> memref<128x128xf32, #tpu.memory_space<hbm>>
      %dma_start3A_124 = arith.constant 0 : i32
      %dma_start3A_125 = tpu.memref_slice %arg9[%add3A_103, %dma_start3A_124] : memref<10240x128xf32, #tpu.memory_space<vmem_shared>> -> memref<128x128xf32, #tpu.memory_space<vmem_shared>>
      tpu.enqueue_dma source(%dma_start3A_125 : memref<128x128xf32, #tpu.memory_space<vmem_shared>>) target(%dma_start3A_123 : memref<128x128xf32, #tpu.memory_space<hbm>>) target_semaphore(%run_scoped3A_120 : memref<!tpu.dma_semaphore, #tpu.memory_space<semaphore_mem>>)
      %dma_wait3A_126 = arith.constant 0 : i32
      %dma_wait3A_127 = tpu.memref_slice %arg4[%arg0, %add3A_103, %dma_wait3A_126] : memref<2x10240x128xf32, #tpu.memory_space<hbm>> -> memref<1x128x128xf32, #tpu.memory_space<hbm>>
      %dma_wait3A_128 = tpu.memref_squeeze %dma_wait3A_127 : memref<1x128x128xf32, #tpu.memory_space<hbm>> -> memref<128x128xf32, #tpu.memory_space<hbm>>
      %dma_wait3A_129 = arith.constant 0 : i32
      %dma_wait3A_130 = tpu.memref_slice %arg9[%add3A_103, %dma_wait3A_129] : memref<10240x128xf32, #tpu.memory_space<vmem_shared>> -> memref<128x128xf32, #tpu.memory_space<vmem_shared>>
      tpu.wait_dma2 semaphore(%run_scoped3A_120 : memref<!tpu.dma_semaphore, #tpu.memory_space<semaphore_mem>>) src(%dma_wait3A_130 : memref<128x128xf32, #tpu.memory_space<vmem_shared>>) dst(%dma_wait3A_128 : memref<128x128xf32, #tpu.memory_space<hbm>>)
      tpu.yield
    }) : () -> ()
    %mul3A_104 = arith.constant 640 : i32
    %mul3A_105 = arith.muli %arg1, %mul3A_104 : i32
    %add3A_106 = arith.constant 128 : i32
    %add3A_107 = arith.addi %mul3A_105, %add3A_106 : i32
    "tpu.region"() ({
      %run_scoped3A_120 = tpu.sem_alloc : memref<!tpu.dma_semaphore, #tpu.memory_space<semaphore_mem>>
      %dma_start3A_121 = arith.constant 0 : i32
      %dma_start3A_122 = tpu.memref_slice %arg4[%arg0, %add3A_107, %dma_start3A_121] : memref<2x10240x128xf32, #tpu.memory_space<hbm>> -> memref<1x128x128xf32, #tpu.memory_space<hbm>>
      %dma_start3A_123 = tpu.memref_squeeze %dma_start3A_122 : memref<1x128x128xf32, #tpu.memory_space<hbm>> -> memref<128x128xf32, #tpu.memory_space<hbm>>
      %dma_start3A_124 = arith.constant 0 : i32
      %dma_start3A_125 = tpu.memref_slice %arg9[%add3A_107, %dma_start3A_124] : memref<10240x128xf32, #tpu.memory_space<vmem_shared>> -> memref<128x128xf32, #tpu.memory_space<vmem_shared>>
      tpu.enqueue_dma source(%dma_start3A_125 : memref<128x128xf32, #tpu.memory_space<vmem_shared>>) target(%dma_start3A_123 : memref<128x128xf32, #tpu.memory_space<hbm>>) target_semaphore(%run_scoped3A_120 : memref<!tpu.dma_semaphore, #tpu.memory_space<semaphore_mem>>)
      %dma_wait3A_126 = arith.constant 0 : i32
      %dma_wait3A_127 = tpu.memref_slice %arg4[%arg0, %add3A_107, %dma_wait3A_126] : memref<2x10240x128xf32, #tpu.memory_space<hbm>> -> memref<1x128x128xf32, #tpu.memory_space<hbm>>
      %dma_wait3A_128 = tpu.memref_squeeze %dma_wait3A_127 : memref<1x128x128xf32, #tpu.memory_space<hbm>> -> memref<128x128xf32, #tpu.memory_space<hbm>>
      %dma_wait3A_129 = arith.constant 0 : i32
      %dma_wait3A_130 = tpu.memref_slice %arg9[%add3A_107, %dma_wait3A_129] : memref<10240x128xf32, #tpu.memory_space<vmem_shared>> -> memref<128x128xf32, #tpu.memory_space<vmem_shared>>
      tpu.wait_dma2 semaphore(%run_scoped3A_120 : memref<!tpu.dma_semaphore, #tpu.memory_space<semaphore_mem>>) src(%dma_wait3A_130 : memref<128x128xf32, #tpu.memory_space<vmem_shared>>) dst(%dma_wait3A_128 : memref<128x128xf32, #tpu.memory_space<hbm>>)
      tpu.yield
    }) : () -> ()
    %mul3A_108 = arith.constant 640 : i32
    %mul3A_109 = arith.muli %arg1, %mul3A_108 : i32
    %add3A_110 = arith.constant 256 : i32
    %add3A_111 = arith.addi %mul3A_109, %add3A_110 : i32
    "tpu.region"() ({
      %run_scoped3A_120 = tpu.sem_alloc : memref<!tpu.dma_semaphore, #tpu.memory_space<semaphore_mem>>
      %dma_start3A_121 = arith.constant 0 : i32
      %dma_start3A_122 = tpu.memref_slice %arg4[%arg0, %add3A_111, %dma_start3A_121] : memref<2x10240x128xf32, #tpu.memory_space<hbm>> -> memref<1x128x128xf32, #tpu.memory_space<hbm>>
      %dma_start3A_123 = tpu.memref_squeeze %dma_start3A_122 : memref<1x128x128xf32, #tpu.memory_space<hbm>> -> memref<128x128xf32, #tpu.memory_space<hbm>>
      %dma_start3A_124 = arith.constant 0 : i32
      %dma_start3A_125 = tpu.memref_slice %arg9[%add3A_111, %dma_start3A_124] : memref<10240x128xf32, #tpu.memory_space<vmem_shared>> -> memref<128x128xf32, #tpu.memory_space<vmem_shared>>
      tpu.enqueue_dma source(%dma_start3A_125 : memref<128x128xf32, #tpu.memory_space<vmem_shared>>) target(%dma_start3A_123 : memref<128x128xf32, #tpu.memory_space<hbm>>) target_semaphore(%run_scoped3A_120 : memref<!tpu.dma_semaphore, #tpu.memory_space<semaphore_mem>>)
      %dma_wait3A_126 = arith.constant 0 : i32
      %dma_wait3A_127 = tpu.memref_slice %arg4[%arg0, %add3A_111, %dma_wait3A_126] : memref<2x10240x128xf32, #tpu.memory_space<hbm>> -> memref<1x128x128xf32, #tpu.memory_space<hbm>>
      %dma_wait3A_128 = tpu.memref_squeeze %dma_wait3A_127 : memref<1x128x128xf32, #tpu.memory_space<hbm>> -> memref<128x128xf32, #tpu.memory_space<hbm>>
      %dma_wait3A_129 = arith.constant 0 : i32
      %dma_wait3A_130 = tpu.memref_slice %arg9[%add3A_111, %dma_wait3A_129] : memref<10240x128xf32, #tpu.memory_space<vmem_shared>> -> memref<128x128xf32, #tpu.memory_space<vmem_shared>>
      tpu.wait_dma2 semaphore(%run_scoped3A_120 : memref<!tpu.dma_semaphore, #tpu.memory_space<semaphore_mem>>) src(%dma_wait3A_130 : memref<128x128xf32, #tpu.memory_space<vmem_shared>>) dst(%dma_wait3A_128 : memref<128x128xf32, #tpu.memory_space<hbm>>)
      tpu.yield
    }) : () -> ()
    %mul3A_112 = arith.constant 640 : i32
    %mul3A_113 = arith.muli %arg1, %mul3A_112 : i32
    %add3A_114 = arith.constant 384 : i32
    %add3A_115 = arith.addi %mul3A_113, %add3A_114 : i32
    "tpu.region"() ({
      %run_scoped3A_120 = tpu.sem_alloc : memref<!tpu.dma_semaphore, #tpu.memory_space<semaphore_mem>>
      %dma_start3A_121 = arith.constant 0 : i32
      %dma_start3A_122 = tpu.memref_slice %arg4[%arg0, %add3A_115, %dma_start3A_121] : memref<2x10240x128xf32, #tpu.memory_space<hbm>> -> memref<1x128x128xf32, #tpu.memory_space<hbm>>
      %dma_start3A_123 = tpu.memref_squeeze %dma_start3A_122 : memref<1x128x128xf32, #tpu.memory_space<hbm>> -> memref<128x128xf32, #tpu.memory_space<hbm>>
      %dma_start3A_124 = arith.constant 0 : i32
      %dma_start3A_125 = tpu.memref_slice %arg9[%add3A_115, %dma_start3A_124] : memref<10240x128xf32, #tpu.memory_space<vmem_shared>> -> memref<128x128xf32, #tpu.memory_space<vmem_shared>>
      tpu.enqueue_dma source(%dma_start3A_125 : memref<128x128xf32, #tpu.memory_space<vmem_shared>>) target(%dma_start3A_123 : memref<128x128xf32, #tpu.memory_space<hbm>>) target_semaphore(%run_scoped3A_120 : memref<!tpu.dma_semaphore, #tpu.memory_space<semaphore_mem>>)
      %dma_wait3A_126 = arith.constant 0 : i32
      %dma_wait3A_127 = tpu.memref_slice %arg4[%arg0, %add3A_115, %dma_wait3A_126] : memref<2x10240x128xf32, #tpu.memory_space<hbm>> -> memref<1x128x128xf32, #tpu.memory_space<hbm>>
      %dma_wait3A_128 = tpu.memref_squeeze %dma_wait3A_127 : memref<1x128x128xf32, #tpu.memory_space<hbm>> -> memref<128x128xf32, #tpu.memory_space<hbm>>
      %dma_wait3A_129 = arith.constant 0 : i32
      %dma_wait3A_130 = tpu.memref_slice %arg9[%add3A_115, %dma_wait3A_129] : memref<10240x128xf32, #tpu.memory_space<vmem_shared>> -> memref<128x128xf32, #tpu.memory_space<vmem_shared>>
      tpu.wait_dma2 semaphore(%run_scoped3A_120 : memref<!tpu.dma_semaphore, #tpu.memory_space<semaphore_mem>>) src(%dma_wait3A_130 : memref<128x128xf32, #tpu.memory_space<vmem_shared>>) dst(%dma_wait3A_128 : memref<128x128xf32, #tpu.memory_space<hbm>>)
      tpu.yield
    }) : () -> ()
    %mul3A_116 = arith.constant 640 : i32
    %mul3A_117 = arith.muli %arg1, %mul3A_116 : i32
    %add3A_118 = arith.constant 512 : i32
    %add3A_119 = arith.addi %mul3A_117, %add3A_118 : i32
    "tpu.region"() ({
      %run_scoped3A_120 = tpu.sem_alloc : memref<!tpu.dma_semaphore, #tpu.memory_space<semaphore_mem>>
      %dma_start3A_121 = arith.constant 0 : i32
      %dma_start3A_122 = tpu.memref_slice %arg4[%arg0, %add3A_119, %dma_start3A_121] : memref<2x10240x128xf32, #tpu.memory_space<hbm>> -> memref<1x128x128xf32, #tpu.memory_space<hbm>>
      %dma_start3A_123 = tpu.memref_squeeze %dma_start3A_122 : memref<1x128x128xf32, #tpu.memory_space<hbm>> -> memref<128x128xf32, #tpu.memory_space<hbm>>
      %dma_start3A_124 = arith.constant 0 : i32
      %dma_start3A_125 = tpu.memref_slice %arg9[%add3A_119, %dma_start3A_124] : memref<10240x128xf32, #tpu.memory_space<vmem_shared>> -> memref<128x128xf32, #tpu.memory_space<vmem_shared>>
      tpu.enqueue_dma source(%dma_start3A_125 : memref<128x128xf32, #tpu.memory_space<vmem_shared>>) target(%dma_start3A_123 : memref<128x128xf32, #tpu.memory_space<hbm>>) target_semaphore(%run_scoped3A_120 : memref<!tpu.dma_semaphore, #tpu.memory_space<semaphore_mem>>)
      %dma_wait3A_126 = arith.constant 0 : i32
      %dma_wait3A_127 = tpu.memref_slice %arg4[%arg0, %add3A_119, %dma_wait3A_126] : memref<2x10240x128xf32, #tpu.memory_space<hbm>> -> memref<1x128x128xf32, #tpu.memory_space<hbm>>
      %dma_wait3A_128 = tpu.memref_squeeze %dma_wait3A_127 : memref<1x128x128xf32, #tpu.memory_space<hbm>> -> memref<128x128xf32, #tpu.memory_space<hbm>>
      %dma_wait3A_129 = arith.constant 0 : i32
      %dma_wait3A_130 = tpu.memref_slice %arg9[%add3A_119, %dma_wait3A_129] : memref<10240x128xf32, #tpu.memory_space<vmem_shared>> -> memref<128x128xf32, #tpu.memory_space<vmem_shared>>
      tpu.wait_dma2 semaphore(%run_scoped3A_120 : memref<!tpu.dma_semaphore, #tpu.memory_space<semaphore_mem>>) src(%dma_wait3A_130 : memref<128x128xf32, #tpu.memory_space<vmem_shared>>) dst(%dma_wait3A_128 : memref<128x128xf32, #tpu.memory_space<hbm>>)
      tpu.yield
    }) : () -> ()
    return
  }
}

module attributes {stable_mosaic.version = 14 : i64} {
  func.func @body(%arg0: i32, %arg1: memref<1280x128xf32, #tpu.memory_space<vmem>>, %arg2: memref<128x128xf32, #tpu.memory_space<vmem>>, %arg3: memref<1280x128xf32, #tpu.memory_space<vmem>>) attributes {dimension_semantics = [#tpu.dimension_semantics<arbitrary>], iteration_bounds = array<i64: 8>, scalar_prefetch = 0 : i64, scratch_operands = 0 : i64, tpu.core_type = #tpu.core_type<tc>, window_params = [{transform_indices = @transform_0, window_bounds = array<i64: 1280, 128>}, {pipeline_mode = #tpu.pipeline_mode<synchronous>, transform_indices = @transform_1, window_bounds = array<i64: 128, 128>}, {transform_indices = @transform_2, window_bounds = array<i64: 1280, 128>}]} {
    %get3A = arith.constant 0 : index
    %get3A_0 = arith.constant 0 : index
    %get3A_1 = vector.load %arg1[%get3A, %get3A_0] : memref<1280x128xf32, #tpu.memory_space<vmem>>, vector<1280x128xf32>
    %get3A_2 = arith.constant 0 : index
    %get3A_3 = arith.constant 0 : index
    %get3A_4 = vector.load %arg2[%get3A_2, %get3A_3] : memref<128x128xf32, #tpu.memory_space<vmem>>, vector<128x128xf32>
    %dot_general3A = arith.constant dense<0.000000e+00> : vector<1280x128xf32>
    %dot_general3A_5 = tpu.matmul %get3A_1, %get3A_4, %dot_general3A {dimension_numbers = #tpu.dot_dimension_numbers<[1], [0], [0], [1], [0, 0, 1, 1], [], []>, transpose_lhs_hint = false} : vector<1280x128xf32>, vector<128x128xf32>, vector<1280x128xf32> -> vector<1280x128xf32>
    %swap3A = arith.constant 0 : index
    %swap3A_6 = arith.constant 0 : index
    %swap3A_7 = vector.load %arg3[%swap3A, %swap3A_6] : memref<1280x128xf32, #tpu.memory_space<vmem>>, vector<1280x128xf32>
    tpu.vector_store %arg3[%swap3A, %swap3A_6], %dot_general3A_5 {strides = array<i32>} : memref<1280x128xf32, #tpu.memory_space<vmem>>, vector<1280x128xf32>,
    return
  }
  func.func @transform_0(%arg0: i32) -> (i32, i32) {
    %c0_i32 = arith.constant 0 : i32
    %c0_i32_0 = arith.constant 0 : i32
    return %arg0, %c0_i32 : i32, i32
  }
  func.func @transform_1(%arg0: i32) -> (i32, i32) {
    %c0_i32 = arith.constant 0 : i32
    %c0_i32_0 = arith.constant 0 : i32
    %c0_i32_1 = arith.constant 0 : i32
    return %c0_i32, %c0_i32_0 : i32, i32
  }
  func.func @transform_2(%arg0: i32) -> (i32, i32) {
    %c0_i32 = arith.constant 0 : i32
    %c0_i32_0 = arith.constant 0 : i32
    return %arg0, %c0_i32 : i32, i32
  }
}

module attributes {stable_mosaic.version = 14 : i64} {
  func.func @body(%arg0: memref<2x2x10240xf32, #tpu.memory_space<vmem>>, %arg1: memref<2x10240xf32, #tpu.memory_space<vmem>>) attributes {dimension_semantics = [], scalar_prefetch = 0 : i64, scratch_operands = 0 : i64, tpu.core_type = #tpu.core_type<tc>} {
    %get3A = arith.constant 0 : index
    %get3A_0 = arith.constant 0 : index
    %get3A_1 = arith.constant 0 : index
    %get3A_2 = vector.load %arg0[%get3A, %get3A_0, %get3A_1] : memref<2x2x10240xf32, #tpu.memory_space<vmem>>, vector<1x1x10240xf32>
    %get3A_3 = vector.shape_cast %get3A_2 : vector<1x1x10240xf32> to vector<10240xf32>
    %get3A_4 = arith.constant 1 : index
    %get3A_5 = arith.constant 0 : index
    %get3A_6 = arith.constant 0 : index
    %get3A_7 = vector.load %arg0[%get3A_4, %get3A_5, %get3A_6] : memref<2x2x10240xf32, #tpu.memory_space<vmem>>, vector<1x1x10240xf32>
    %get3A_8 = vector.shape_cast %get3A_7 : vector<1x1x10240xf32> to vector<10240xf32>
    %add3A = arith.addf %get3A_3, %get3A_8 : vector<10240xf32>
    %get3A_9 = arith.constant 0 : index
    %get3A_10 = arith.constant 1 : index
    %get3A_11 = arith.constant 0 : index
    %get3A_12 = vector.load %arg0[%get3A_9, %get3A_10, %get3A_11] : memref<2x2x10240xf32, #tpu.memory_space<vmem>>, vector<1x1x10240xf32>
    %get3A_13 = vector.shape_cast %get3A_12 : vector<1x1x10240xf32> to vector<10240xf32>
    %get3A_14 = arith.constant 1 : index
    %get3A_15 = arith.constant 1 : index
    %get3A_16 = arith.constant 0 : index
    %get3A_17 = vector.load %arg0[%get3A_14, %get3A_15, %get3A_16] : memref<2x2x10240xf32, #tpu.memory_space<vmem>>, vector<1x1x10240xf32>
    %get3A_18 = vector.shape_cast %get3A_17 : vector<1x1x10240xf32> to vector<10240xf32>
    %add3A_19 = arith.addf %get3A_13, %get3A_18 : vector<10240xf32>
    %max3A = arith.constant 1.000000e+00 : f32
    %max3A_20 = vector.broadcast %max3A : f32 to vector<10240xf32>
    %max3A_21 = arith.maximumf %add3A, %max3A_20 : vector<10240xf32>
    %rsqrt3A = math.rsqrt %max3A_21 : vector<10240xf32>
    %swap3A = arith.constant 0 : index
    %swap3A_22 = arith.constant 0 : index
    %swap3A_23 = vector.load %arg1[%swap3A, %swap3A_22] : memref<2x10240xf32, #tpu.memory_space<vmem>>, vector<1x10240xf32>
    %swap3A_24 = vector.shape_cast %swap3A_23 : vector<1x10240xf32> to vector<10240xf32>
    %swap3A_25 = vector.shape_cast %rsqrt3A : vector<10240xf32> to vector<1x10240xf32>
    tpu.vector_store %arg1[%swap3A, %swap3A_22], %swap3A_25 {strides = array<i32>} : memref<2x10240xf32, #tpu.memory_space<vmem>>, vector<1x10240xf32>,
    %max3A_26 = arith.constant 1.000000e+00 : f32
    %max3A_27 = vector.broadcast %max3A_26 : f32 to vector<10240xf32>
    %max3A_28 = arith.maximumf %add3A_19, %max3A_27 : vector<10240xf32>
    %rsqrt3A_29 = math.rsqrt %max3A_28 : vector<10240xf32>
    %swap3A_30 = arith.constant 1 : index
    %swap3A_31 = arith.constant 0 : index
    %swap3A_32 = vector.load %arg1[%swap3A_30, %swap3A_31] : memref<2x10240xf32, #tpu.memory_space<vmem>>, vector<1x10240xf32>
    %swap3A_33 = vector.shape_cast %swap3A_32 : vector<1x10240xf32> to vector<10240xf32>
    %swap3A_34 = vector.shape_cast %rsqrt3A_29 : vector<10240xf32> to vector<1x10240xf32>
    tpu.vector_store %arg1[%swap3A_30, %swap3A_31], %swap3A_34 {strides = array<i32>} : memref<2x10240xf32, #tpu.memory_space<vmem>>, vector<1x10240xf32>,
    return
  }
}

module attributes {stable_mosaic.version = 14 : i64} {
  func.func @body(%arg0: i32, %arg1: memref<1280x128xf32, #tpu.memory_space<vmem>>, %arg2: memref<1280x2xf32, #tpu.memory_space<vmem>>, %arg3: memref<1280x128xf32, #tpu.memory_space<vmem>>) attributes {dimension_semantics = [#tpu.dimension_semantics<arbitrary>], iteration_bounds = array<i64: 8>, scalar_prefetch = 0 : i64, scratch_operands = 0 : i64, tpu.core_type = #tpu.core_type<tc>, window_params = [{transform_indices = @transform_0, window_bounds = array<i64: 1280, 128>}, {transform_indices = @transform_1, window_bounds = array<i64: 1280, 2>}, {transform_indices = @transform_2, window_bounds = array<i64: 1280, 128>}]} {
    %get3A = arith.constant 0 : index
    %get3A_0 = arith.constant 0 : index
    %get3A_1 = vector.load %arg1[%get3A, %get3A_0] : memref<1280x128xf32, #tpu.memory_space<vmem>>, vector<1280x128xf32>
    %get3A_2 = arith.constant 0 : index
    %get3A_3 = arith.constant 0 : index
    %get3A_4 = vector.load %arg2[%get3A_2, %get3A_3] : memref<1280x2xf32, #tpu.memory_space<vmem>>, vector<1280x1xf32>
    %mul3A = vector.broadcast %get3A_4 : vector<1280x1xf32> to vector<1280x128xf32>
    %mul3A_5 = arith.mulf %get3A_1, %mul3A : vector<1280x128xf32>
    %swap3A = arith.constant 0 : index
    %swap3A_6 = arith.constant 0 : index
    %swap3A_7 = vector.load %arg3[%swap3A, %swap3A_6] : memref<1280x128xf32, #tpu.memory_space<vmem>>, vector<1280x128xf32>
    tpu.vector_store %arg3[%swap3A, %swap3A_6], %mul3A_5 {strides = array<i32>} : memref<1280x128xf32, #tpu.memory_space<vmem>>, vector<1280x128xf32>,
    return
  }
  func.func @transform_0(%arg0: i32) -> (i32, i32) {
    %c0_i32 = arith.constant 0 : i32
    %c0_i32_0 = arith.constant 0 : i32
    return %arg0, %c0_i32 : i32, i32
  }
  func.func @transform_1(%arg0: i32) -> (i32, i32) {
    %c0_i32 = arith.constant 0 : i32
    %c0_i32_0 = arith.constant 0 : i32
    return %arg0, %c0_i32 : i32, i32
  }
  func.func @transform_2(%arg0: i32) -> (i32, i32) {
    %c0_i32 = arith.constant 0 : i32
    %c0_i32_0 = arith.constant 0 : i32
    return %arg0, %c0_i32 : i32, i32
  }
}

module attributes {stable_mosaic.version = 14 : i64} {
  func.func @body(%arg0: i32, %arg1: memref<2x1280x128xf32, #tpu.memory_space<vmem>>, %arg2: memref<1280x2xf32, #tpu.memory_space<vmem>>, %arg3: memref<1x128xf32, #tpu.memory_space<vmem>>, %arg4: memref<128x128xf32, #tpu.memory_space<vmem>>, %arg5: memref<1280x128xf32, #tpu.memory_space<vmem>>) attributes {dimension_semantics = [#tpu.dimension_semantics<arbitrary>], iteration_bounds = array<i64: 8>, scalar_prefetch = 0 : i64, scratch_operands = 0 : i64, tpu.core_type = #tpu.core_type<tc>, window_params = [{transform_indices = @transform_0, window_bounds = array<i64: 2, 1280, 128>}, {transform_indices = @transform_1, window_bounds = array<i64: 1280, 2>}, {pipeline_mode = #tpu.pipeline_mode<synchronous>, transform_indices = @transform_2, window_bounds = array<i64: 1, 128>}, {pipeline_mode = #tpu.pipeline_mode<synchronous>, transform_indices = @transform_3, window_bounds = array<i64: 128, 128>}, {transform_indices = @transform_4, window_bounds = array<i64: 1280, 128>}]} {
    %get3A = arith.constant 0 : index
    %get3A_0 = arith.constant 0 : index
    %get3A_1 = arith.constant 0 : index
    %get3A_2 = vector.load %arg1[%get3A, %get3A_0, %get3A_1] : memref<2x1280x128xf32, #tpu.memory_space<vmem>>, vector<1x1280x128xf32>
    %get3A_3 = vector.shape_cast %get3A_2 : vector<1x1280x128xf32> to vector<1280x128xf32>
    %get3A_4 = arith.constant 1 : index
    %get3A_5 = arith.constant 0 : index
    %get3A_6 = arith.constant 0 : index
    %get3A_7 = vector.load %arg1[%get3A_4, %get3A_5, %get3A_6] : memref<2x1280x128xf32, #tpu.memory_space<vmem>>, vector<1x1280x128xf32>
    %get3A_8 = vector.shape_cast %get3A_7 : vector<1x1280x128xf32> to vector<1280x128xf32>
    %add3A = arith.addf %get3A_3, %get3A_8 : vector<1280x128xf32>
    %get3A_9 = arith.constant 0 : index
    %get3A_10 = arith.constant 1 : index
    %get3A_11 = vector.load %arg2[%get3A_9, %get3A_10] : memref<1280x2xf32, #tpu.memory_space<vmem>>, vector<1280x1xf32>
    %mul3A = vector.broadcast %get3A_11 : vector<1280x1xf32> to vector<1280x128xf32>
    %mul3A_12 = arith.mulf %add3A, %mul3A : vector<1280x128xf32>
    %get3A_13 = arith.constant 0 : index
    %get3A_14 = arith.constant 0 : index
    %get3A_15 = vector.load %arg3[%get3A_13, %get3A_14] : memref<1x128xf32, #tpu.memory_space<vmem>>, vector<1x128xf32>
    %add3A_16 = vector.broadcast %get3A_15 : vector<1x128xf32> to vector<1280x128xf32>
    %add3A_17 = arith.addf %mul3A_12, %add3A_16 : vector<1280x128xf32>
    %max3A = arith.constant 0.000000e+00 : f32
    %max3A_18 = vector.broadcast %max3A : f32 to vector<1280x128xf32>
    %max3A_19 = arith.maximumf %add3A_17, %max3A_18 : vector<1280x128xf32>
    %get3A_20 = arith.constant 0 : index
    %get3A_21 = arith.constant 0 : index
    %get3A_22 = vector.load %arg4[%get3A_20, %get3A_21] : memref<128x128xf32, #tpu.memory_space<vmem>>, vector<128x128xf32>
    %dot_general3A = arith.constant dense<0.000000e+00> : vector<1280x128xf32>
    %dot_general3A_23 = tpu.matmul %max3A_19, %get3A_22, %dot_general3A {dimension_numbers = #tpu.dot_dimension_numbers<[1], [0], [0], [1], [0, 0, 1, 1], [], []>, transpose_lhs_hint = false} : vector<1280x128xf32>, vector<128x128xf32>, vector<1280x128xf32> -> vector<1280x128xf32>
    %get3A_24 = arith.constant 0 : index
    %get3A_25 = arith.constant 0 : index
    %get3A_26 = vector.load %arg2[%get3A_24, %get3A_25] : memref<1280x2xf32, #tpu.memory_space<vmem>>, vector<1280x1xf32>
    %mul3A_27 = vector.broadcast %get3A_26 : vector<1280x1xf32> to vector<1280x128xf32>
    %mul3A_28 = arith.mulf %dot_general3A_23, %mul3A_27 : vector<1280x128xf32>
    %swap3A = arith.constant 0 : index
    %swap3A_29 = arith.constant 0 : index
    %swap3A_30 = vector.load %arg5[%swap3A, %swap3A_29] : memref<1280x128xf32, #tpu.memory_space<vmem>>, vector<1280x128xf32>
    tpu.vector_store %arg5[%swap3A, %swap3A_29], %mul3A_28 {strides = array<i32>} : memref<1280x128xf32, #tpu.memory_space<vmem>>, vector<1280x128xf32>,
    return
  }
  func.func @transform_0(%arg0: i32) -> (i32, i32, i32) {
    %c0_i32 = arith.constant 0 : i32
    %c0_i32_0 = arith.constant 0 : i32
    %c0_i32_1 = arith.constant 0 : i32
    return %c0_i32, %arg0, %c0_i32_0 : i32, i32, i32
  }
  func.func @transform_1(%arg0: i32) -> (i32, i32) {
    %c0_i32 = arith.constant 0 : i32
    %c0_i32_0 = arith.constant 0 : i32
    return %arg0, %c0_i32 : i32, i32
  }
  func.func @transform_2(%arg0: i32) -> (i32, i32) {
    %c0_i32 = arith.constant 0 : i32
    %c0_i32_0 = arith.constant 0 : i32
    %c0_i32_1 = arith.constant 0 : i32
    return %c0_i32, %c0_i32_0 : i32, i32
  }
  func.func @transform_3(%arg0: i32) -> (i32, i32) {
    %c0_i32 = arith.constant 0 : i32
    %c0_i32_0 = arith.constant 0 : i32
    %c0_i32_1 = arith.constant 0 : i32
    return %c0_i32, %c0_i32_0 : i32, i32
  }
  func.func @transform_4(%arg0: i32) -> (i32, i32) {
    %c0_i32 = arith.constant 0 : i32
    %c0_i32_0 = arith.constant 0 : i32
    return %arg0, %c0_i32 : i32, i32
  }
}

module attributes {stable_mosaic.version = 14 : i64} {
  func.func @body(%arg0: i32, %arg1: memref<2x1000x128xf32, #tpu.memory_space<vmem>>, %arg2: memref<1000x2xf32, #tpu.memory_space<vmem>>, %arg3: memref<1x128xf32, #tpu.memory_space<vmem>>, %arg4: memref<1000x128xf32, #tpu.memory_space<vmem>>) attributes {dimension_semantics = [#tpu.dimension_semantics<arbitrary>], iteration_bounds = array<i64: 10>, scalar_prefetch = 0 : i64, scratch_operands = 0 : i64, tpu.core_type = #tpu.core_type<tc>, window_params = [{transform_indices = @transform_0, window_bounds = array<i64: 2, 1000, 128>}, {transform_indices = @transform_1, window_bounds = array<i64: 1000, 2>}, {pipeline_mode = #tpu.pipeline_mode<synchronous>, transform_indices = @transform_2, window_bounds = array<i64: 1, 128>}, {transform_indices = @transform_3, window_bounds = array<i64: 1000, 128>}]} {
    %get3A = arith.constant 0 : index
    %get3A_0 = arith.constant 0 : index
    %get3A_1 = arith.constant 0 : index
    %get3A_2 = vector.load %arg1[%get3A, %get3A_0, %get3A_1] : memref<2x1000x128xf32, #tpu.memory_space<vmem>>, vector<1x1000x128xf32>
    %get3A_3 = vector.shape_cast %get3A_2 : vector<1x1000x128xf32> to vector<1000x128xf32>
    %get3A_4 = arith.constant 1 : index
    %get3A_5 = arith.constant 0 : index
    %get3A_6 = arith.constant 0 : index
    %get3A_7 = vector.load %arg1[%get3A_4, %get3A_5, %get3A_6] : memref<2x1000x128xf32, #tpu.memory_space<vmem>>, vector<1x1000x128xf32>
    %get3A_8 = vector.shape_cast %get3A_7 : vector<1x1000x128xf32> to vector<1000x128xf32>
    %add3A = arith.addf %get3A_3, %get3A_8 : vector<1000x128xf32>
    %get3A_9 = arith.constant 0 : index
    %get3A_10 = arith.constant 1 : index
    %get3A_11 = vector.load %arg2[%get3A_9, %get3A_10] : memref<1000x2xf32, #tpu.memory_space<vmem>>, vector<1000x1xf32>
    %mul3A = vector.broadcast %get3A_11 : vector<1000x1xf32> to vector<1000x128xf32>
    %mul3A_12 = arith.mulf %add3A, %mul3A : vector<1000x128xf32>
    %get3A_13 = arith.constant 0 : index
    %get3A_14 = arith.constant 0 : index
    %get3A_15 = vector.load %arg3[%get3A_13, %get3A_14] : memref<1x128xf32, #tpu.memory_space<vmem>>, vector<1x128xf32>
    %add3A_16 = vector.broadcast %get3A_15 : vector<1x128xf32> to vector<1000x128xf32>
    %add3A_17 = arith.addf %mul3A_12, %add3A_16 : vector<1000x128xf32>
    %swap3A = arith.constant 0 : index
    %swap3A_18 = arith.constant 0 : index
    %swap3A_19 = vector.load %arg4[%swap3A, %swap3A_18] : memref<1000x128xf32, #tpu.memory_space<vmem>>, vector<1000x128xf32>
    tpu.vector_store %arg4[%swap3A, %swap3A_18], %add3A_17 {strides = array<i32>} : memref<1000x128xf32, #tpu.memory_space<vmem>>, vector<1000x128xf32>,
    return
  }
  func.func @transform_0(%arg0: i32) -> (i32, i32, i32) {
    %c0_i32 = arith.constant 0 : i32
    %c0_i32_0 = arith.constant 0 : i32
    %c0_i32_1 = arith.constant 0 : i32
    return %c0_i32, %arg0, %c0_i32_0 : i32, i32, i32
  }
  func.func @transform_1(%arg0: i32) -> (i32, i32) {
    %c0_i32 = arith.constant 0 : i32
    %c0_i32_0 = arith.constant 0 : i32
    return %arg0, %c0_i32 : i32, i32
  }
  func.func @transform_2(%arg0: i32) -> (i32, i32) {
    %c0_i32 = arith.constant 0 : i32
    %c0_i32_0 = arith.constant 0 : i32
    %c0_i32_1 = arith.constant 0 : i32
    return %c0_i32, %c0_i32_0 : i32, i32
  }
  func.func @transform_3(%arg0: i32) -> (i32, i32) {
    %c0_i32 = arith.constant 0 : i32
    %c0_i32_0 = arith.constant 0 : i32
    return %arg0, %c0_i32 : i32, i32
  }
}

</mosaic_0001>

<sc_bundles>
// kernel: kernel.10.cloned.1.call-start
scs
__scs_entry_jumppad:
0x0: {  	(pc) =	sbr.rel $0x88, $3  }
0x1: {  	(tag) =	ssettag $0x0;
	lr =	simm.s32 $0x1  }
0x2: {  	[smem:$0x3F9B] =	sst lr;
	_ =	strace $0xD0000000  }
0x3: {  	_ = 	snop  }
0x4: {  	_ = 	snop  }
0x5: {  	_ = 	snop  }
0x6: {  	_ = 	snop  }
0x7: {  	_ = 	snop  }
__scs_overlays_trampoline_lowered:
0x8: {  	[smem:$0x3FAA] =	sst s0  }
0x9: {  	[smem:$0x3FAB] =	sst s1  }
0xa: {  	[smem:$0x3FAC] =	sst s2  }
0xb: {  	[smem:$0x3FAD] =	sst s3  }
0xc: {  	[smem:$0x3FAE] =	sst s4  }
0xd: {  	[smem:$0x3FAF] =	sst s5  }
0xe: {  	[smem:$0x3FB0] =	sst s6  }
0xf: {  	[smem:$0x3FB1] =	sst s7  }
0x10: {  	[smem:$0x3FB2] =	sst s8  }
0x11: {  	[smem:$0x3FB3] =	sst s9;
	s0 =	simm.s32 @!p0 $0x0  }
0x12: {  	s1 =	sld [smem:$0x3F99];
	s0 =	simm.s32 @p0 $0x1  }
0x13: {  	[smem:$0x3FB4] =	sst s0;
	s0 =	simm.s32 @!p1 $0x0  }
0x14: {  	s2 =	sld [smem:$0x3F98];
	s0 =	simm.s32 @p1 $0x1  }
0x15: {  	[smem:$0x3FB5] =	sst s0;
	s0 =	simm.s32 @!p2 $0x0  }
0x16: {  	s3 =	sld [smem:$0x3FDB];
	s0 =	simm.s32 @p2 $0x1  }
0x17: {  	s4 =	simm.s32 $0x1BF5;
	[smem:$0x3FB7] =	sst s0  }
0x18: {  	s0 =	sld [smem:$0x3F9A];
	_ =	swait.ge [sflag:s4], $0x0  }
0x19: {  	s7 =	sld [smem:$0x3F9B]  }
0x1a: {  	s8 =	sadd.s32 $0xFFFFE003, lr  }
0x1b: {  	s9 =	sadd.s32 $0xFFFFFEF7, lr;
	s5 =	simm.s32 $0xFFFFFFFF;
	p2 =	slt.u32 s8, $0xFFFFF086  }
0x1c: {  	p1 =	slt.u32 s9, $0xF7A;
	s5 =	simm.s32 @!p2 $0x0  }
0x1d: {  	s5 =	simm.s32 @p1 $0x1;
	p0 =	seq.s32 s7, s2  }
0x1e: {  	s7 =	smul.u32 @!p0 $0xF7A, s2;
	p2 =	seq.s32 @!p0 s5, $0x0  }
0x1f: {  	s9 =	smul.u32 $0xF7A, s1;
	s8 =	simm.s32 @!p0 $0x1BF5;
	p2 =	por !p2, p0  }
0x20: {  	[sflag:s8] =	ssyncset.s32 @!p0 $0xFFFFF086;
	s6 =	sadd.s32 @!p0 s3, s7;
	s7 =	simm.s32 @!p0 $0x108  }
0x21: {  	s3 =	sadd.s32 s3, s9;
	s6 =	sadd.s32 @!p0 $0x88, s6;
	s7 =	simm.s32 @p2 $0x1082  }
0x22: {  	[simem:s7], [sflag:s8] =	dma.local @!p0 [hbm:s6], $0xF7A  }
0x23: {  	s9 =	sor.u32 $0xD0000000, s2;
	s6 =	simm.s32 $0x108;
	_ =	swait.ge @!p0 [sflag:s8], $0x0  }
0x24: {  	s3 =	sadd.s32 $0x88, s3;
	s6 =	simm.s32 @!p1 $0x1082;
	[sflag:s4] =	ssyncset.s32 $0xFFFFF086  }
0x25: {  	[simem:s6], [sflag:s4] =	dma.local [hbm:s3], $0xF7A  }
0x26: {  	[smem:$0x3F9B] =	sst s1;
	(tag) =	ssettag s2;
	_ =	strace s9  }
0x27: {  	s1 =	sld [smem:$0x3FAB]  }
0x28: {  	s2 =	sld [smem:$0x3FAC]  }
0x29: {  	s4 =	sld [smem:$0x3FAE]  }
0x2a: {  	p0 =	seq.s32 s5, $0x0;
	s5 =	sld [smem:$0x3FAF]  }
0x2b: {  	s6 =	sld [smem:$0x3FB0]  }
0x2c: {  	s7 =	sld [smem:$0x3FB1]  }
0x2d: {  	s3 =	simm.s32 $0x108;
	s8 =	sld [smem:$0x3FB2]  }
0x2e: {  	s3 =	simm.s32 @!p0 $0x1082;
	s9 =	sld [smem:$0x3FB3]  }
0x2f: {  	lr =	sadd.s32 s0, s3;
	s0 =	sld [smem:$0x3FAA]  }
0x30: {  	s3 =	sld [smem:$0x3FAD]  }
0x31: {  	[smem:$0x3FB6] =	sst s10  }
0x32: {  	s10 =	sld [smem:$0x3FB4];
	_ =	sdelay $0x3  }
0x33: {  	p0 =	seq.s32 s10, $0x1;
	s10 =	sld [smem:$0x3FB6];
	_ =	sdelay $0x3  }
0x34: {  	[smem:$0x3FB6] =	sst s10  }
0x35: {  	s10 =	sld [smem:$0x3FB5];
	_ =	sdelay $0x3  }
0x36: {  	p1 =	seq.s32 s10, $0x1;
	s10 =	sld [smem:$0x3FB6];
	_ =	sdelay $0x3  }
0x37: {  	[smem:$0x3FB6] =	sst s10  }
0x38: {  	s10 =	sld [smem:$0x3FB7]  }
0x39: {  	_ = 	snop;
	(pc) =	sbr.ind lr, $3  }
0x3a: {  	_ = 	snop  }
0x3b: {  	_ = 	snop  }
0x3c: {  	p2 =	seq.s32 s10, $0x1;
	s10 =	sld [smem:$0x3FB6]  }
0x3d: {  	_ =	shalt  }
0x3e: {  	_ =	shalt  }
0x3f: {  	_ =	shalt  }
0x40: {  	_ =	shalt  }
0x41: {  	_ =	shalt  }
0x42: {  	_ =	shalt  }
0x43: {  	_ =	shalt  }
0x44: {  	_ =	shalt  }
0x45: {  	_ =	shalt  }
0x46: {  	_ =	shalt  }
0x47: {  	_ =	shalt  }
0x48: {  	_ =	shalt  }
0x49: {  	_ =	shalt  }
0x4a: {  	_ =	shalt  }
0x4b: {  	_ =	shalt  }
0x4c: {  	_ =	shalt  }
0x4d: {  	_ =	shalt  }
0x4e: {  	_ =	shalt  }
0x4f: {  	_ =	shalt  }
0x50: {  	_ =	shalt  }
0x51: {  	_ =	shalt  }
0x52: {  	_ =	shalt  }
0x53: {  	_ =	shalt  }
0x54: {  	_ =	shalt  }
0x55: {  	_ =	shalt  }
0x56: {  	_ =	shalt  }
0x57: {  	_ =	shalt  }
0x58: {  	_ =	shalt  }
0x59: {  	_ =	shalt  }
0x5a: {  	_ =	shalt  }
0x5b: {  	_ =	shalt  }
0x5c: {  	_ =	shalt  }
0x5d: {  	_ =	shalt  }
0x5e: {  	_ =	shalt  }
0x5f: {  	_ =	shalt  }
0x60: {  	_ =	shalt  }
0x61: {  	_ =	shalt  }
0x62: {  	_ =	shalt  }
0x63: {  	_ =	shalt  }
0x64: {  	_ =	shalt  }
0x65: {  	_ =	shalt  }
0x66: {  	_ =	shalt  }
0x67: {  	_ =	shalt  }
0x68: {  	_ =	shalt  }
0x69: {  	_ =	shalt  }
0x6a: {  	_ =	shalt  }
0x6b: {  	_ =	shalt  }
0x6c: {  	_ =	shalt  }
0x6d: {  	_ =	shalt  }
0x6e: {  	_ =	shalt  }
0x6f: {  	_ =	shalt  }
0x70: {  	_ =	shalt  }
0x71: {  	_ =	shalt  }
0x72: {  	_ =	shalt  }
0x73: {  	_ =	shalt  }
0x74: {  	_ =	shalt  }
0x75: {  	_ =	shalt  }
0x76: {  	_ =	shalt  }
0x77: {  	_ =	shalt  }
0x78: {  	_ =	shalt  }
0x79: {  	_ =	shalt  }
0x7a: {  	_ =	shalt  }
0x7b: {  	_ =	shalt  }
0x7c: {  	_ =	shalt  }
0x7d: {  	_ =	shalt  }
0x7e: {  	_ =	shalt  }
0x7f: {  	_ =	shalt  }
0x80: {  	_ =	shalt  }
0x81: {  	_ =	shalt  }
0x82: {  	_ =	shalt  }
0x83: {  	_ =	shalt  }
0x84: {  	_ =	shalt  }
0x85: {  	_ =	shalt  }
0x86: {  	_ =	shalt  }
0x87: {  	_ =	shalt  }
.Lfunc_end0:
.L_simem_size_0:
called_computation_lowered:
.L_overlay_start_0:
0x88: {  	s2 =	sld [smem:$0x3FD9]  }
0x89: {  	s3 =	sld [smem:$0x3FFE];
	_ =	sdelay $0x1  }
0x8a: {  	s1 =	srdreg.scid  }
0x8b: {  	s0 =	sand.u32 $0x1, s1  }
0x8c: {  	s17 =	sshll.u32 s0, $0xA;
	s2 =	sadd.s32 s3, s2  }
0x8d: {  	s2 =	sadd.s32 s2, s17  }
0x8e: {  	[smem:$0x3FC2] =	sst s2  }
0x8f: {  	_ = 	snop  }
0x90: {  	s2 =	sld [smem:$0x3FD0];
	(tm) =	ssettm $0x1  }
0x91: {  	s18 =	sld [smem:$0x3FFB];
	_ =	sdelay $0x3  }
0x92: {  	_ =	strace s18  }
0x93: {  	s3 =	sld [smem:$0x3FFC];
	_ =	sdelay $0x3  }
0x94: {  	_ =	strace s3  }
0x95: {  	s3 =	sld [smem:$0x3FFD];
	_ =	sdelay $0x3  }
0x96: {  	_ =	strace s3  }
0x97: {  	_ =	strace $0x8FFFFFFF  }
0x98: {  	s19 =	sld [smem:$0x3FDB];
	_ =	sdelay $0x1  }
0x99: {  	s4 =	simm.s32 $_scs_section_size  }
0x9a: {  	s5 =	simm.s32 $_size__tile_overlayer_lowered;
	s6 =	simm.s32 $_tile_overlayer_lowered  }
0x9b: {  	s22 =	simm.s32 $0x1BFF;
	s21 =	sshll.u32 s6, $0x1;
	s3 =	sadd.s32 s4, s19  }
0x9c: {  	s7 =	simm.s32 $0x0;
	s20 =	sshll.u32 s5, $0x1;
	s5 =	sadd.s32 s21, s3  }
0x9d: {  	[timem:s7], [sflag:s22] =	dma.local [hbm:s5], s20  }
0x9e: {  	_ =	swait.ge [sflag:s22], s20  }
0x9f: {  	s4 =	ssub.s32 $0x0, s20;
	[sflag:s22] =	ssyncset.done $0x0  }
0xa0: {  	[sflag:s22] =	ssyncadd.s32 s4;
	_ =	sdelay $0x1  }
0xa1: {  	s23 =	simm.s32 $0x1B8B  }
0xa2: {  	_ =	swait.ge [sflag:s23], $0x1  }
0xa3: {  	[sflag:s23] =	ssyncset.done $0x0  }
0xa4: {  	s25 =	simm.s32 $0x1B8E;
	s24 =	sld [smem:$0x3FFE];
	[sflag:s23] =	ssyncadd.s32 $0xFFFFFFFF  }
0xa5: {  	s26 =	simm.s32 $execute0_lowered;
	[smem:$0x3FD2] =	sst s25  }
0xa6: {  	s5 =	sshll.u32 s26, $0x1;
	_ =	strace $0x80000046;
	[dreg:$0x1] =	wrdreg $0xFFFFFFFF  }
0xa7: {  	s28 =	simm.s32 $_size_execute0_lowered;
	s3 =	sadd.s32 s3, s5;
	[dreg:$0x0] =	wrdreg $0x0  }
0xa8: {  	s5 =	sshll.u32 s28, $0x1;
	[dreg:$0x2] =	wrdreg s3  }
0xa9: {  	[dreg:$0x3] =	wrdreg s5  }
0xaa: {  	[dreg:$0x4] =	wrdreg $0xC0  }
0xab: {  	_ =	task [dreg:s7], $0x5FFFF  }
0xac: {  	[dreg:$0x1] =	wrdreg $0xFFFFFFFF  }
0xad: {  	[dreg:$0x0] =	wrdreg $0x60  }
0xae: {  	[dreg:$0x2] =	wrdreg s2  }
0xaf: {  	[dreg:$0x3] =	wrdreg s24  }
0xb0: {  	[dreg:$0x4] =	wrdreg $0x51000  }
0xb1: {  	[dreg:$0x5] =	wrdreg $0x53800  }
0xb2: {  	[dreg:$0x6] =	wrdreg $0x9  }
0xb3: {  	_ =	task.clear_ibuf [dreg:s7], $0x7FFFF;
	_ =	strace $0x90000046  }
0xb4: {  	s29 =	simm.s32 $0x9;
	_ =	strace $0x80000048  }
0xb5: {  	_ =	swait.ge [sflag:s29], $0x1  }
0xb6: {  	[sflag:s29] =	ssyncadd.s32 $0xFFFFFFFF  }
0xb7: {  	_ =	strace $0x90000048  }
0xb8: {  	_ =	sfence  }
0xb9: {  	s30 =	sld [smem:$0x0];
	_ =	sdelay $0x2  }
0xba: {  	s31 =	sshll.u32 s1, $0xD;
	s1 =	sshrl.u32 s1, $0x2  }
0xbb: {  	s3 =	sand.u32 $0x4000, s31;
	s1 =	sadd.s32 s1, s30  }
0xbc: {  	s0 =	sor.u32 s3, s0;
	s1 =	sshll.u32 s1, $0x11  }
0xbd: {  	s0 =	sor.u32 s1, s0  }
0xbe: {  	s0 =	sadd.s32 $0x8F2B, s0  }
0xbf: {  	[sflag:s0] =	ssyncadd.remote.s32 $0x1  }
0xc0: {  	_ =	sfence.sel $0xFFFF  }
0xc1: {  	[dreg:$0x0] =	wrdreg $0xFFFFFFFF;
	(pc) =	sbr.abs _section_cstart, $3  }
0xc2: {  	[dreg:$0x1] =	wrdreg $0xFFFFFFFF  }
0xc3: {  	_ =	task.clear_ibuf [dreg:s7], $0x2FFFF;
	_ =	strace $0x9FFFFFFF  }
0xc4: {  	(tm) =	ssettm $0x7FFFFFFF  }
0xc5: {  	_ =	shalt  }
tec
execute0_lowered:
.L_overlay_start_1:
0x0: {  	(tag) =	ssettag $0x1  }
0x1: {  	s0 =	rddreg [dreg:$0x0]  }
0x2: {  	s2 =	rddreg [dreg:$0x1]  }
0x3: {  	s1 =	rddreg [dreg:$0x2]  }
0x4: {  	s3 =	rddreg [dreg:$0x3]  }
0x5: {  	s4 =	srdreg.scid;
	s5 =	simm.s32 $0x0;
	s10 =	stileid.u32  }
0x6: {  	s29 =	simm.s32 $0x5080;
	s30 =	simm.s32 $0x2;
	s31 =	simm.s32 $0x1  }
0x7: {  	s4 =	sand.u32 $0x1, s4;
	[smem:$0x7FF] =	sst s5;
	s11 =	smul.u32 $0x280, s10  }
0x8: {  	s12 =	sadd.s32 $0x2600, s2;
	s9 =	sshll.u32 s10, $0x1;
	s16 =	smul.u32 $0x500, s10  }
0x9: {  	s2 =	sadd.s32 $0x2610, s2;
	s25 =	ssub.s32 $0x2, s4;
	_ =	strace $0x80000047  }
0xa: {  	s18 =	smul.u32 $0x5000, s4;
	s4 =	sor.u32 s4, s9;
	s6 =	sshrl.u32 s25, $0x1  }
0xb: {  	s14 =	sadd.s32 $0x80, s11;
	s5 =	sadd.s32 s11, s1;
	s15 =	sadd.s32 $0x100, s11  }
0xc: {  	s4 =	smul.u32 $0x2800, s4;
	s23 =	sadd.s32 $0x180, s11;
	s13 =	ssub.s32 s25, s6  }
0xd: {  	s6 =	sadd.s32 s11, s3;
	s7 =	sadd.s32 s14, s1;
	s8 =	sadd.s32 s14, s3  }
0xe: {  	s9 =	sadd.s32 s15, s1;
	s10 =	sadd.s32 s15, s3;
	s25 =	sadd.s32 $0x200, s11  }
0xf: {  	s26 =	sadd.s32 s16, s18;
	s14 =	sshll.u32 s14, $0x1;
	s15 =	sshll.u32 s15, $0x1  }
0x10: {  	s21 =	sshll.u32 s23, $0x1;
	s4 =	sshrl.u32 s4, $0x3;
	s16 =	sshrl.u32 s26, $0x3  }
0x11: {  	s14 =	sadd.s32 s18, s14;
	s11 =	sadd.s32 s0, s4;
	s4 =	sadd.s32 s12, s16  }
0x12: {  	s0 =	sshrl.u32 s14, $0x3;
	s17 =	sadd.s32 s16, s2;
	[dreg:$0x5] =	wrdreg s4  }
0x13: {  	[dreg:$0x6] =	wrdreg s17;
	s19 =	sadd.s32 s12, s0;
	s4 =	sadd.s32 s18, s15  }
0x14: {  	s15 =	sadd.s32 s0, s2;
	s14 =	smov.u32 s11;
	s28 =	sadd.s32 $0xA000, s11  }
0x15: {  	s0 =	simm.s32 $0x80;
	[dreg:$0x7] =	wrdreg s19;
	s20 =	sshrl.u32 s4, $0x3  }
0x16: {  	s4 =	sadd.s32 s18, s21;
	s19 =	sshll.u32 s25, $0x1;
	s16 =	sadd.s32 s12, s20  }
0x17: {  	s17 =	sadd.s32 s20, s2;
	s22 =	sshrl.u32 s4, $0x3;
	s24 =	sadd.s32 s18, s19  }
0x18: {  	s4 =	simm.s32 $0x0;
	s18 =	sadd.s32 s12, s22;
	s19 =	sadd.s32 s22, s2  }
0x19: {  	s26 =	sshrl.u32 s24, $0x3;
	s22 =	sadd.s32 s23, s1;
	s23 =	sadd.s32 s23, s3  }
0x1a: {  	s24 =	sadd.s32 s25, s1;
	s25 =	sadd.s32 s25, s3;
	s20 =	sadd.s32 s12, s26  }
0x1b: {  	v0 =	vimm.f32 $1.000000000e+00;
	v1 =	vimm.f32 $0.0e+00;
	s21 =	sadd.s32 s26, s2;
	s26 =	smax.u32 s13, $0x1;
	s2 =	simm.s32 $0x5000  }
.LBB2_1:
0x1c: {  	[tilespmem:$0x5000] =	vst v0  }
0x1d: {  	[tilespmem:$0x5080] =	vst v1  }
0x1e: {  	[tilespmem:$0x5010] =	vst v0  }
0x1f: {  	[tilespmem:$0x5090] =	vst v1  }
0x20: {  	[tilespmem:$0x5020] =	vst v0  }
0x21: {  	[tilespmem:$0x50A0] =	vst v1  }
0x22: {  	[tilespmem:$0x5030] =	vst v0  }
0x23: {  	[tilespmem:$0x50B0] =	vst v1  }
0x24: {  	[tilespmem:$0x5040] =	vst v0  }
0x25: {  	[tilespmem:$0x50C0] =	vst v1  }
0x26: {  	[tilespmem:$0x5050] =	vst v0  }
0x27: {  	[tilespmem:$0x50D0] =	vst v1  }
0x28: {  	[tilespmem:$0x5060] =	vst v0  }
0x29: {  	[tilespmem:$0x50E0] =	vst v1  }
0x2a: {  	[tilespmem:$0x5070] =	vst v0  }
0x2b: {  	[tilespmem:$0x50F0] =	vst v1  }
0x2c: {  	[spmem:s5] =	stream.linear.scatter [tilespmem:s29], [sflag:$0x2], $0x80, $0x38;
	[tilespmem:$0x5600] =	vst v63  }
0x2d: {  	_ =	swait.ge [sflag:s30], $0x80  }
0x2e: {  	[sflag:s30] =	ssyncset.done $0x0  }
0x2f: {  	[sflag:s30] =	ssyncadd.s32 $0xFFFFFF80  }
0x30: {  	[spmem:s6] =	stream.linear.scatter [tilespmem:s29], [sflag:$0x2], $0x80, $0x38;
	[tilespmem:$0x5600] =	vst v63  }
0x31: {  	_ =	swait.ge [sflag:s30], $0x80  }
0x32: {  	[sflag:s30] =	ssyncset.done $0x0  }
0x33: {  	[sflag:s30] =	ssyncadd.s32 $0xFFFFFF80  }
0x34: {  	[spmem:s7] =	stream.linear.scatter [tilespmem:s29], [sflag:$0x2], $0x80, $0x38;
	[tilespmem:$0x5600] =	vst v63  }
0x35: {  	_ =	swait.ge [sflag:s30], $0x80  }
0x36: {  	[sflag:s30] =	ssyncset.done $0x0  }
0x37: {  	[sflag:s30] =	ssyncadd.s32 $0xFFFFFF80  }
0x38: {  	[spmem:s8] =	stream.linear.scatter [tilespmem:s29], [sflag:$0x2], $0x80, $0x38;
	[tilespmem:$0x5600] =	vst v63  }
0x39: {  	_ =	swait.ge [sflag:s30], $0x80  }
0x3a: {  	[sflag:s30] =	ssyncset.done $0x0  }
0x3b: {  	[sflag:s30] =	ssyncadd.s32 $0xFFFFFF80  }
0x3c: {  	[spmem:s9] =	stream.linear.scatter [tilespmem:s29], [sflag:$0x2], $0x80, $0x38;
	[tilespmem:$0x5600] =	vst v63  }
0x3d: {  	_ =	swait.ge [sflag:s30], $0x80  }
0x3e: {  	[sflag:s30] =	ssyncset.done $0x0  }
0x3f: {  	[sflag:s30] =	ssyncadd.s32 $0xFFFFFF80  }
0x40: {  	[spmem:s10] =	stream.linear.scatter [tilespmem:s29], [sflag:$0x2], $0x80, $0x38;
	[tilespmem:$0x5600] =	vst v63  }
0x41: {  	_ =	swait.ge [sflag:s30], $0x80  }
0x42: {  	[sflag:s30] =	ssyncset.done $0x0  }
0x43: {  	[sflag:s30] =	ssyncadd.s32 $0xFFFFFF80  }
0x44: {  	[spmem:s22] =	stream.linear.scatter [tilespmem:s29], [sflag:$0x2], $0x80, $0x38;
	[tilespmem:$0x5600] =	vst v63  }
0x45: {  	_ =	swait.ge [sflag:s30], $0x80  }
0x46: {  	[sflag:s30] =	ssyncset.done $0x0  }
0x47: {  	[sflag:s30] =	ssyncadd.s32 $0xFFFFFF80  }
0x48: {  	[spmem:s23] =	stream.linear.scatter [tilespmem:s29], [sflag:$0x2], $0x80, $0x38;
	[tilespmem:$0x5600] =	vst v63  }
0x49: {  	_ =	swait.ge [sflag:s30], $0x80  }
0x4a: {  	[sflag:s30] =	ssyncset.done $0x0  }
0x4b: {  	[sflag:s30] =	ssyncadd.s32 $0xFFFFFF80  }
0x4c: {  	[spmem:s24] =	stream.linear.scatter [tilespmem:s29], [sflag:$0x2], $0x80, $0x38;
	[tilespmem:$0x5600] =	vst v63  }
0x4d: {  	_ =	swait.ge [sflag:s30], $0x80  }
0x4e: {  	[sflag:s30] =	ssyncset.done $0x0  }
0x4f: {  	[sflag:s30] =	ssyncadd.s32 $0xFFFFFF80  }
0x50: {  	[spmem:s25] =	stream.linear.scatter [tilespmem:s29], [sflag:$0x2], $0x80, $0x38;
	[tilespmem:$0x5600] =	vst v63  }
0x51: {  	_ =	swait.ge [sflag:s30], $0x80  }
0x52: {  	[sflag:s30] =	ssyncset.done $0x0  }
0x53: {  	s12 =	simm.s32 $0x0;
	[sflag:s30] =	ssyncadd.s32 $0xFFFFFF80  }
0x54: {  	[tilespmem:s12], [sflag:$0x2] =	stream.linear.gather [hbm4b:s14+s12], $0x2800, $0x38;
	[tilespmem:$0x5600] =	vst v63  }
0x55: {  	_ =	swait.ge [sflag:s30], $0x2800  }
0x56: {  	[sflag:s30] =	ssyncset.done $0x0  }
0x57: {  	s11 =	simm.s32 $0x2800;
	[sflag:s30] =	ssyncadd.s32 $0xFFFFD800  }
0x58: {  	[tilespmem:s11], [sflag:$0x2] =	stream.linear.gather [hbm4b:s28+s12], $0x2800, $0x38;
	[tilespmem:$0x5600] =	vst v63  }
0x59: {  	_ =	swait.ge [sflag:s30], $0x2800  }
0x5a: {  	[sflag:s30] =	ssyncset.done $0x0  }
0x5b: {  	[sflag:s30] =	ssyncadd.s32 $0xFFFFD800  }
0x5c: {  	s13 =	simm.s32 $0x0;
	[bflag:$0x0] =	sbarrier.arrive $0xFFFF  }
0x5d: {  	[spmem:s1] =	stream.indirect.scatter.add.f32 [tilespmem:s2], [sflag:$0x1], $0x1, s13, s0, $0xb8;
	[tilespmem:$0x5600] =	vst v63  }
0x5e: {  	s12 =	simm.s32 $0x200;
	s13 =	simm.s32 $0x2800  }
.LBB2_2:
0x5f: {  	[spmem:s3] =	stream.indirect.scatter.add.f32 [tilespmem:s2], [sflag:$0x1], $0x1, s13, s0, $0xb8;
	[tilespmem:$0x5600] =	vst v63  }
0x60: {  	s13 =	smov.u32 s12;
	p0 =	sne.s32 s12, $0x9E00  }
.Ltmp0:
0x61: {  	s12 =	sadd.s32 $0x200, s12;
	(pc) =	sbr.rel @p0 .LBB2_2-.Ltmp0, $4  }
0x62: {  	_ = 	snop  }
0x63: {  	s13 =	sshra.s32 s13, $0x2  }
0x64: {  	[spmem:s1] =	stream.indirect.scatter.add.f32 [tilespmem:s2], [sflag:$0x1], $0x1, s13, s0, $0xb8;
	[tilespmem:$0x5600] =	vst v63  }
0x65: {  	s13 =	sadd.s32 $0x2800, s13  }
0x66: {  	[spmem:s3] =	stream.indirect.scatter.add.f32 [tilespmem:s2], [sflag:$0x1], $0x1, s13, s0, $0xb8;
	[tilespmem:$0x5600] =	vst v63  }
0x67: {  	_ =	swait.ge [sflag:s31], $0x80  }
0x68: {  	[sflag:s31] =	ssyncset.done $0x0  }
0x69: {  	[sflag:s31] =	ssyncadd.s32 $0xFFFFFF80  }
0x6a: {  	_ =	swait.ge [sflag:s31], $0x80  }
0x6b: {  	s12 =	simm.s32 $0x4F;
	[sflag:s31] =	ssyncset.done $0x0  }
.LBB2_4:
0x6c: {  	p0 =	sne.s32 s12, $0x1;
	s12 =	sadd.s32 $0xFFFFFFFF, s12;
	[sflag:s31] =	ssyncadd.s32 $0xFFFFFF80  }
.Ltmp1:
0x6d: {  	_ =	swait.ge [sflag:s31], $0x80;
	(pc) =	sbr.rel @p0 .LBB2_4-.Ltmp1, $4  }
0x6e: {  	[sflag:s31] =	ssyncset.done $0x0  }
0x6f: {  	[sflag:s31] =	ssyncadd.s32 $0xFFFFFF80  }
0x70: {  	_ =	swait.ge [sflag:s31], $0x80  }
0x71: {  	[sflag:s31] =	ssyncset.done $0x0  }
0x72: {  	[sflag:s31] =	ssyncadd.s32 $0xFFFFFF80;
	s12 =	stileid.u32  }
0x73: {  	s12 =	sshll.u32 s12, $0x6;
	[bflag:$0x0] =	sbarrier.arrive $0xFFFF  }
0x74: {  	s13 =	sshrl.u32 s5, $0x3;
	s12 =	sor.u32 $0x1C02, s12;
	s11 =	rddreg [dreg:$0x5]  }
0x75: {  	[hbm:s11], [sflag:s12] =	dma.local [spmem:s13], $0x10  }
0x76: {  	_ =	swait.ge [sflag:s30], $0x10  }
0x77: {  	[sflag:s30] =	ssyncset.done $0x0  }
0x78: {  	s13 =	sshrl.u32 s6, $0x3;
	s11 =	rddreg [dreg:$0x6];
	[sflag:s30] =	ssyncadd.s32 $0xFFFFFFF0  }
0x79: {  	[hbm:s11], [sflag:s12] =	dma.local [spmem:s13], $0x10  }
0x7a: {  	_ =	swait.ge [sflag:s30], $0x10  }
0x7b: {  	[sflag:s30] =	ssyncset.done $0x0  }
0x7c: {  	s13 =	sshrl.u32 s7, $0x3;
	s11 =	rddreg [dreg:$0x7];
	[sflag:s30] =	ssyncadd.s32 $0xFFFFFFF0  }
0x7d: {  	[hbm:s11], [sflag:s12] =	dma.local [spmem:s13], $0x10  }
0x7e: {  	_ =	swait.ge [sflag:s30], $0x10  }
0x7f: {  	[sflag:s30] =	ssyncset.done $0x0  }
0x80: {  	s11 =	sshrl.u32 s8, $0x3;
	[sflag:s30] =	ssyncadd.s32 $0xFFFFFFF0  }
0x81: {  	[hbm:s15], [sflag:s12] =	dma.local [spmem:s11], $0x10  }
0x82: {  	_ =	swait.ge [sflag:s30], $0x10  }
0x83: {  	[sflag:s30] =	ssyncset.done $0x0  }
0x84: {  	s11 =	sshrl.u32 s9, $0x3;
	[sflag:s30] =	ssyncadd.s32 $0xFFFFFFF0  }
0x85: {  	[hbm:s16], [sflag:s12] =	dma.local [spmem:s11], $0x10  }
0x86: {  	_ =	swait.ge [sflag:s30], $0x10  }
0x87: {  	[sflag:s30] =	ssyncset.done $0x0  }
0x88: {  	s11 =	sshrl.u32 s10, $0x3;
	[sflag:s30] =	ssyncadd.s32 $0xFFFFFFF0  }
0x89: {  	[hbm:s17], [sflag:s12] =	dma.local [spmem:s11], $0x10  }
0x8a: {  	_ =	swait.ge [sflag:s30], $0x10  }
0x8b: {  	[sflag:s30] =	ssyncset.done $0x0  }
0x8c: {  	s11 =	sshrl.u32 s22, $0x3;
	[sflag:s30] =	ssyncadd.s32 $0xFFFFFFF0  }
0x8d: {  	[hbm:s18], [sflag:s12] =	dma.local [spmem:s11], $0x10  }
0x8e: {  	_ =	swait.ge [sflag:s30], $0x10  }
0x8f: {  	[sflag:s30] =	ssyncset.done $0x0  }
0x90: {  	s11 =	sshrl.u32 s23, $0x3;
	[sflag:s30] =	ssyncadd.s32 $0xFFFFFFF0  }
0x91: {  	[hbm:s19], [sflag:s12] =	dma.local [spmem:s11], $0x10  }
0x92: {  	_ =	swait.ge [sflag:s30], $0x10  }
0x93: {  	[sflag:s30] =	ssyncset.done $0x0  }
0x94: {  	s11 =	sshrl.u32 s24, $0x3;
	[sflag:s30] =	ssyncadd.s32 $0xFFFFFFF0  }
0x95: {  	[hbm:s20], [sflag:s12] =	dma.local [spmem:s11], $0x10  }
0x96: {  	s4 =	sadd.s32 $0x1, s4;
	_ =	swait.ge [sflag:s30], $0x10  }
0x97: {  	p0 =	sne.s32 s4, s26;
	[sflag:s30] =	ssyncset.done $0x0  }
.Ltmp2:
0x98: {  	s11 =	sshrl.u32 s25, $0x3;
	[sflag:s30] =	ssyncadd.s32 $0xFFFFFFF0;
	(pc) =	sbr.rel @p0 .LBB2_1-.Ltmp2, $4  }
0x99: {  	[hbm:s21], [sflag:s12] =	dma.local [spmem:s11], $0x10  }
0x9a: {  	_ =	swait.ge [sflag:s30], $0x10  }
0x9b: {  	[sflag:s30] =	ssyncset.done $0x0  }
0x9c: {  	[sflag:s30] =	ssyncadd.s32 $0xFFFFFFF0  }
0x9d: {  	_ =	sfence.sel $0x180000  }
0x9e: {  	[bflag:$0x0] =	sbarrier.arrive $0xFFFF  }
0x9f: {  	_ =	strace $0x90000047  }
0xa0: {  	s0 =	stileid.u32;
	[bflag:$0x2] =	sbarrier.arrive $0xFFFF  }
0xa1: {  	p0 =	sne.s32 s0, $0x0;
	s0 =	rddreg [dreg:$0x4]  }
0xa2: {  	s0 =	sadd.s32 @!p0 $0x100000, s0  }
0xa3: {  	[sflag:s0] =	ssyncadd.tile.s32 @!p0 $0x1;
	_ =	shalt  }
.Lfunc_end2:
_tile_overlayer_lowered:
.L_overlay_start_2:
0xa4: {  	(tag) =	ssettag $0x2  }
0xa5: {  	s0 =	rddreg [dreg:$0x0];
	s2 =	stileid.u32  }
0xa6: {  	s1 =	rddreg [dreg:$0x1];
	p0 =	sne.s32 s2, $0x0  }
0xa7: {  	s3 =	rddreg [dreg:$0x2];
	[bflag:$0x3] =	sbarrier.arrive $0xFFFF;
	s2 =	simm.s32 @!p0 $0x1C02  }
0xa8: {  	[timem:s3], [sflag:s2] =	dma.local @!p0 [hbm:s0], s1  }
0xa9: {  	s0 =	simm.s32 @!p0 $0x2  }
0xaa: {  	_ =	swait.ge @!p0 [sflag:s0], s1  }
0xab: {  	s1 =	ssub.s32 @!p0 $0x0, s1;
	[sflag:s0] =	ssyncset.done @!p0 $0x0  }
0xac: {  	[sflag:s0] =	ssyncadd.s32 @!p0 s1  }
0xad: {  	[bflag:$0x3] =	sbarrier.arrive $0xFFFF  }
0xae: {  	_ =	shalt  }

// kernel: kernel.13.cloned.1.call-start
scs
__scs_entry_jumppad:
0x0: {  	(pc) =	sbr.rel $0x88, $3  }
0x1: {  	(tag) =	ssettag $0x0;
	lr =	simm.s32 $0x1  }
0x2: {  	[smem:$0x3F9B] =	sst lr;
	_ =	strace $0xD0000000  }
0x3: {  	_ = 	snop  }
0x4: {  	_ = 	snop  }
0x5: {  	_ = 	snop  }
0x6: {  	_ = 	snop  }
0x7: {  	_ = 	snop  }
__scs_overlays_trampoline_lowered:
0x8: {  	[smem:$0x3FAA] =	sst s0  }
0x9: {  	[smem:$0x3FAB] =	sst s1  }
0xa: {  	[smem:$0x3FAC] =	sst s2  }
0xb: {  	[smem:$0x3FAD] =	sst s3  }
0xc: {  	[smem:$0x3FAE] =	sst s4  }
0xd: {  	[smem:$0x3FAF] =	sst s5  }
0xe: {  	[smem:$0x3FB0] =	sst s6  }
0xf: {  	[smem:$0x3FB1] =	sst s7  }
0x10: {  	[smem:$0x3FB2] =	sst s8  }
0x11: {  	[smem:$0x3FB3] =	sst s9;
	s0 =	simm.s32 @!p0 $0x0  }
0x12: {  	s1 =	sld [smem:$0x3F99];
	s0 =	simm.s32 @p0 $0x1  }
0x13: {  	[smem:$0x3FB4] =	sst s0;
	s0 =	simm.s32 @!p1 $0x0  }
0x14: {  	s2 =	sld [smem:$0x3F98];
	s0 =	simm.s32 @p1 $0x1  }
0x15: {  	[smem:$0x3FB5] =	sst s0;
	s0 =	simm.s32 @!p2 $0x0  }
0x16: {  	s3 =	sld [smem:$0x3FDB];
	s0 =	simm.s32 @p2 $0x1  }
0x17: {  	s4 =	simm.s32 $0x1BF5;
	[smem:$0x3FB7] =	sst s0  }
0x18: {  	s0 =	sld [smem:$0x3F9A];
	_ =	swait.ge [sflag:s4], $0x0  }
0x19: {  	s7 =	sld [smem:$0x3F9B]  }
0x1a: {  	s8 =	sadd.s32 $0xFFFFE003, lr  }
0x1b: {  	s9 =	sadd.s32 $0xFFFFFEF7, lr;
	s5 =	simm.s32 $0xFFFFFFFF;
	p2 =	slt.u32 s8, $0xFFFFF086  }
0x1c: {  	p1 =	slt.u32 s9, $0xF7A;
	s5 =	simm.s32 @!p2 $0x0  }
0x1d: {  	s5 =	simm.s32 @p1 $0x1;
	p0 =	seq.s32 s7, s2  }
0x1e: {  	s7 =	smul.u32 @!p0 $0xF7A, s2;
	p2 =	seq.s32 @!p0 s5, $0x0  }
0x1f: {  	s9 =	smul.u32 $0xF7A, s1;
	s8 =	simm.s32 @!p0 $0x1BF5;
	p2 =	por !p2, p0  }
0x20: {  	[sflag:s8] =	ssyncset.s32 @!p0 $0xFFFFF086;
	s6 =	sadd.s32 @!p0 s3, s7;
	s7 =	simm.s32 @!p0 $0x108  }
0x21: {  	s3 =	sadd.s32 s3, s9;
	s6 =	sadd.s32 @!p0 $0x88, s6;
	s7 =	simm.s32 @p2 $0x1082  }
0x22: {  	[simem:s7], [sflag:s8] =	dma.local @!p0 [hbm:s6], $0xF7A  }
0x23: {  	s9 =	sor.u32 $0xD0000000, s2;
	s6 =	simm.s32 $0x108;
	_ =	swait.ge @!p0 [sflag:s8], $0x0  }
0x24: {  	s3 =	sadd.s32 $0x88, s3;
	s6 =	simm.s32 @!p1 $0x1082;
	[sflag:s4] =	ssyncset.s32 $0xFFFFF086  }
0x25: {  	[simem:s6], [sflag:s4] =	dma.local [hbm:s3], $0xF7A  }
0x26: {  	[smem:$0x3F9B] =	sst s1;
	(tag) =	ssettag s2;
	_ =	strace s9  }
0x27: {  	s1 =	sld [smem:$0x3FAB]  }
0x28: {  	s2 =	sld [smem:$0x3FAC]  }
0x29: {  	s4 =	sld [smem:$0x3FAE]  }
0x2a: {  	p0 =	seq.s32 s5, $0x0;
	s5 =	sld [smem:$0x3FAF]  }
0x2b: {  	s6 =	sld [smem:$0x3FB0]  }
0x2c: {  	s7 =	sld [smem:$0x3FB1]  }
0x2d: {  	s3 =	simm.s32 $0x108;
	s8 =	sld [smem:$0x3FB2]  }
0x2e: {  	s3 =	simm.s32 @!p0 $0x1082;
	s9 =	sld [smem:$0x3FB3]  }
0x2f: {  	lr =	sadd.s32 s0, s3;
	s0 =	sld [smem:$0x3FAA]  }
0x30: {  	s3 =	sld [smem:$0x3FAD]  }
0x31: {  	[smem:$0x3FB6] =	sst s10  }
0x32: {  	s10 =	sld [smem:$0x3FB4];
	_ =	sdelay $0x3  }
0x33: {  	p0 =	seq.s32 s10, $0x1;
	s10 =	sld [smem:$0x3FB6];
	_ =	sdelay $0x3  }
0x34: {  	[smem:$0x3FB6] =	sst s10  }
0x35: {  	s10 =	sld [smem:$0x3FB5];
	_ =	sdelay $0x3  }
0x36: {  	p1 =	seq.s32 s10, $0x1;
	s10 =	sld [smem:$0x3FB6];
	_ =	sdelay $0x3  }
0x37: {  	[smem:$0x3FB6] =	sst s10  }
0x38: {  	s10 =	sld [smem:$0x3FB7]  }
0x39: {  	_ = 	snop;
	(pc) =	sbr.ind lr, $3  }
0x3a: {  	_ = 	snop  }
0x3b: {  	_ = 	snop  }
0x3c: {  	p2 =	seq.s32 s10, $0x1;
	s10 =	sld [smem:$0x3FB6]  }
0x3d: {  	_ =	shalt  }
0x3e: {  	_ =	shalt  }
0x3f: {  	_ =	shalt  }
0x40: {  	_ =	shalt  }
0x41: {  	_ =	shalt  }
0x42: {  	_ =	shalt  }
0x43: {  	_ =	shalt  }
0x44: {  	_ =	shalt  }
0x45: {  	_ =	shalt  }
0x46: {  	_ =	shalt  }
0x47: {  	_ =	shalt  }
0x48: {  	_ =	shalt  }
0x49: {  	_ =	shalt  }
0x4a: {  	_ =	shalt  }
0x4b: {  	_ =	shalt  }
0x4c: {  	_ =	shalt  }
0x4d: {  	_ =	shalt  }
0x4e: {  	_ =	shalt  }
0x4f: {  	_ =	shalt  }
0x50: {  	_ =	shalt  }
0x51: {  	_ =	shalt  }
0x52: {  	_ =	shalt  }
0x53: {  	_ =	shalt  }
0x54: {  	_ =	shalt  }
0x55: {  	_ =	shalt  }
0x56: {  	_ =	shalt  }
0x57: {  	_ =	shalt  }
0x58: {  	_ =	shalt  }
0x59: {  	_ =	shalt  }
0x5a: {  	_ =	shalt  }
0x5b: {  	_ =	shalt  }
0x5c: {  	_ =	shalt  }
0x5d: {  	_ =	shalt  }
0x5e: {  	_ =	shalt  }
0x5f: {  	_ =	shalt  }
0x60: {  	_ =	shalt  }
0x61: {  	_ =	shalt  }
0x62: {  	_ =	shalt  }
0x63: {  	_ =	shalt  }
0x64: {  	_ =	shalt  }
0x65: {  	_ =	shalt  }
0x66: {  	_ =	shalt  }
0x67: {  	_ =	shalt  }
0x68: {  	_ =	shalt  }
0x69: {  	_ =	shalt  }
0x6a: {  	_ =	shalt  }
0x6b: {  	_ =	shalt  }
0x6c: {  	_ =	shalt  }
0x6d: {  	_ =	shalt  }
0x6e: {  	_ =	shalt  }
0x6f: {  	_ =	shalt  }
0x70: {  	_ =	shalt  }
0x71: {  	_ =	shalt  }
0x72: {  	_ =	shalt  }
0x73: {  	_ =	shalt  }
0x74: {  	_ =	shalt  }
0x75: {  	_ =	shalt  }
0x76: {  	_ =	shalt  }
0x77: {  	_ =	shalt  }
0x78: {  	_ =	shalt  }
0x79: {  	_ =	shalt  }
0x7a: {  	_ =	shalt  }
0x7b: {  	_ =	shalt  }
0x7c: {  	_ =	shalt  }
0x7d: {  	_ =	shalt  }
0x7e: {  	_ =	shalt  }
0x7f: {  	_ =	shalt  }
0x80: {  	_ =	shalt  }
0x81: {  	_ =	shalt  }
0x82: {  	_ =	shalt  }
0x83: {  	_ =	shalt  }
0x84: {  	_ =	shalt  }
0x85: {  	_ =	shalt  }
0x86: {  	_ =	shalt  }
0x87: {  	_ =	shalt  }
.Lfunc_end0:
.L_simem_size_0:
called_computation.1_lowered:
.L_overlay_start_0:
0x88: {  	s2 =	sld [smem:$0x3FD9]  }
0x89: {  	s3 =	sld [smem:$0x3FFE];
	_ =	sdelay $0x1  }
0x8a: {  	s1 =	srdreg.scid  }
0x8b: {  	s0 =	sand.u32 $0x1, s1  }
0x8c: {  	s17 =	sshll.u32 s0, $0xA;
	s2 =	sadd.s32 s3, s2  }
0x8d: {  	s2 =	sadd.s32 s2, s17  }
0x8e: {  	[smem:$0x3FC2] =	sst s2  }
0x8f: {  	_ = 	snop  }
0x90: {  	s2 =	sld [smem:$0x3FD0];
	(tm) =	ssettm $0x1  }
0x91: {  	s18 =	sld [smem:$0x3FFB];
	_ =	sdelay $0x3  }
0x92: {  	_ =	strace s18  }
0x93: {  	s3 =	sld [smem:$0x3FFC];
	_ =	sdelay $0x3  }
0x94: {  	_ =	strace s3  }
0x95: {  	s3 =	sld [smem:$0x3FFD];
	_ =	sdelay $0x3  }
0x96: {  	_ =	strace s3  }
0x97: {  	_ =	strace $0x8FFFFFFF  }
0x98: {  	s19 =	sld [smem:$0x3FDB];
	_ =	sdelay $0x1  }
0x99: {  	s4 =	simm.s32 $_scs_section_size  }
0x9a: {  	s5 =	simm.s32 $_size__tile_overlayer_lowered;
	s6 =	simm.s32 $_tile_overlayer_lowered  }
0x9b: {  	s22 =	simm.s32 $0x1BFF;
	s21 =	sshll.u32 s6, $0x1;
	s3 =	sadd.s32 s4, s19  }
0x9c: {  	s7 =	simm.s32 $0x0;
	s20 =	sshll.u32 s5, $0x1;
	s5 =	sadd.s32 s21, s3  }
0x9d: {  	[timem:s7], [sflag:s22] =	dma.local [hbm:s5], s20  }
0x9e: {  	_ =	swait.ge [sflag:s22], s20  }
0x9f: {  	s4 =	ssub.s32 $0x0, s20;
	[sflag:s22] =	ssyncset.done $0x0  }
0xa0: {  	[sflag:s22] =	ssyncadd.s32 s4;
	_ =	sdelay $0x1  }
0xa1: {  	s23 =	simm.s32 $0x1B8B  }
0xa2: {  	_ =	swait.ge [sflag:s23], $0x1  }
0xa3: {  	[sflag:s23] =	ssyncset.done $0x0  }
0xa4: {  	s25 =	simm.s32 $0x1B8E;
	s24 =	sld [smem:$0x3FFE];
	[sflag:s23] =	ssyncadd.s32 $0xFFFFFFFF  }
0xa5: {  	s26 =	simm.s32 $execute0_lowered;
	[smem:$0x3FD2] =	sst s25  }
0xa6: {  	s5 =	sshll.u32 s26, $0x1;
	_ =	strace $0x80000049;
	[dreg:$0x1] =	wrdreg $0xFFFFFFFF  }
0xa7: {  	s28 =	simm.s32 $_size_execute0_lowered;
	s3 =	sadd.s32 s3, s5;
	[dreg:$0x0] =	wrdreg $0x0  }
0xa8: {  	s5 =	sshll.u32 s28, $0x1;
	[dreg:$0x2] =	wrdreg s3  }
0xa9: {  	[dreg:$0x3] =	wrdreg s5  }
0xaa: {  	[dreg:$0x4] =	wrdreg $0xC0  }
0xab: {  	_ =	task [dreg:s7], $0x5FFFF  }
0xac: {  	[dreg:$0x1] =	wrdreg $0xFFFFFFFF  }
0xad: {  	[dreg:$0x0] =	wrdreg $0x60  }
0xae: {  	[dreg:$0x2] =	wrdreg s24  }
0xaf: {  	[dreg:$0x3] =	wrdreg s2  }
0xb0: {  	[dreg:$0x4] =	wrdreg $0xA8000  }
0xb1: {  	[dreg:$0x5] =	wrdreg $0x9  }
0xb2: {  	_ =	task.clear_ibuf [dreg:s7], $0x6FFFF;
	_ =	strace $0x90000049  }
0xb3: {  	s29 =	simm.s32 $0x9;
	_ =	strace $0x8000004B  }
0xb4: {  	_ =	swait.ge [sflag:s29], $0x1  }
0xb5: {  	[sflag:s29] =	ssyncadd.s32 $0xFFFFFFFF  }
0xb6: {  	_ =	strace $0x9000004B  }
0xb7: {  	_ =	sfence  }
0xb8: {  	s30 =	sld [smem:$0x0];
	_ =	sdelay $0x2  }
0xb9: {  	s31 =	sshll.u32 s1, $0xD;
	s1 =	sshrl.u32 s1, $0x2  }
0xba: {  	s3 =	sand.u32 $0x4000, s31;
	s1 =	sadd.s32 s1, s30  }
0xbb: {  	s0 =	sor.u32 s3, s0;
	s1 =	sshll.u32 s1, $0x11  }
0xbc: {  	s0 =	sor.u32 s1, s0  }
0xbd: {  	s0 =	sadd.s32 $0x8F2B, s0  }
0xbe: {  	[sflag:s0] =	ssyncadd.remote.s32 $0x1  }
0xbf: {  	_ =	sfence.sel $0xFFFF  }
0xc0: {  	[dreg:$0x0] =	wrdreg $0xFFFFFFFF;
	(pc) =	sbr.abs _section_cstart, $3  }
0xc1: {  	[dreg:$0x1] =	wrdreg $0xFFFFFFFF  }
0xc2: {  	_ =	task.clear_ibuf [dreg:s7], $0x2FFFF;
	_ =	strace $0x9FFFFFFF  }
0xc3: {  	(tm) =	ssettm $0x7FFFFFFF  }
tec
execute0_lowered:
.L_overlay_start_1:
0x0: {  	(tag) =	ssettag $0x1  }
0x1: {  	s0 =	rddreg [dreg:$0x0]  }
0x2: {  	s9 =	rddreg [dreg:$0x1]  }
0x3: {  	s1 =	rddreg [dreg:$0x2];
	s2 =	simm.s32 $0x0  }
0x4: {  	s5 =	srdreg.scid;
	s3 =	stileid.u32;
	s21 =	simm.s32 $0x3  }
0x5: {  	s22 =	simm.s32 $0x1400;
	s23 =	simm.s32 $0x80;
	s24 =	simm.s32 $0x1  }
0x6: {  	s25 =	simm.s32 $0x6800;
	s26 =	simm.s32 $0x2;
	s28 =	simm.s32 $0x1380  }
0x7: {  	s29 =	simm.s32 $0x2700;
	s30 =	simm.s32 $0x2780;
	[smem:$0x7FF] =	sst s2  }
0x8: {  	s4 =	sadd.s32 $0x2600, s0;
	s8 =	sand.u32 $0x1, s5;
	s6 =	smul.u32 $0x50000, s3  }
0x9: {  	s0 =	sadd.s32 $0x2A600, s0;
	s10 =	sshll.u32 s3, $0x1;
	s12 =	smul.u32 $0x14000, s3  }
0xa: {  	_ =	strace $0x8000004A;
	s5 =	ssub.s32 $0x2, s8;
	s31 =	sor.u32 s8, s10  }
0xb: {  	s18 =	smul.u32 $0x140000, s8;
	s7 =	sshrl.u32 s5, $0x1;
	s6 =	sshrl.u32 s6, $0x2  }
0xc: {  	s13 =	sadd.s32 $0x4000, s12;
	s16 =	sadd.s32 $0x8000, s12;
	s10 =	smul.u32 $0x2800, s31  }
0xd: {  	s17 =	sadd.s32 $0xC000, s12;
	s20 =	sadd.s32 $0x10000, s12;
	s19 =	ssub.s32 s5, s7  }
0xe: {  	s5 =	sadd.s32 s6, s1;
	s6 =	sadd.s32 s13, s1;
	s7 =	sadd.s32 s16, s1  }
0xf: {  	s8 =	sadd.s32 s17, s1;
	s14 =	sadd.s32 s12, s18;
	s15 =	sadd.s32 s18, s13  }
0x10: {  	s16 =	sadd.s32 s18, s16;
	s17 =	sadd.s32 s18, s17;
	s18 =	sadd.s32 s18, s20  }
0x11: {  	s10 =	sshrl.u32 s10, $0x3;
	s14 =	sshrl.u32 s14, $0x3;
	s15 =	sshrl.u32 s15, $0x3  }
0x12: {  	s16 =	sshrl.u32 s16, $0x3;
	s17 =	sshrl.u32 s17, $0x3;
	s18 =	sshrl.u32 s18, $0x3  }
0x13: {  	s19 =	smax.u32 s19, $0x1;
	s9 =	sadd.s32 s9, s10;
	s10 =	sadd.s32 s20, s1  }
0x14: {  	s14 =	sadd.s32 s0, s14;
	s15 =	sadd.s32 s0, s15;
	s16 =	sadd.s32 s0, s16  }
0x15: {  	s17 =	sadd.s32 s0, s17;
	s18 =	sadd.s32 s0, s18;
	s20 =	simm.s32 $0x2800  }
0x16: {  	v0 =	vimm.f32 $0.0e+00;
	s11 =	sadd.s32 $0xA000, s9;
	s12 =	sadd.s32 $0x280, s9;
	s13 =	sadd.s32 $0xA280, s9  }
.LBB2_1:
0x17: {  	s31 =	simm.s32 $0x0;
	s0 =	simm.s32 $0x200  }
.LBB2_2:
0x18: {  	p0 =	sne.s32 s0, $0xFE00;
	[tilespmem:s31+$0x2870] =	vst v0  }
0x19: {  	[tilespmem:s31+$0x2800] =	vst v0  }
0x1a: {  	[tilespmem:s31+$0x2810] =	vst v0  }
.Ltmp0:
0x1b: {  	[tilespmem:s31+$0x2820] =	vst v0;
	(pc) =	sbr.rel @p0 .LBB2_2-.Ltmp0, $4  }
0x1c: {  	[tilespmem:s31+$0x2830] =	vst v0  }
0x1d: {  	[tilespmem:s31+$0x2840] =	vst v0  }
0x1e: {  	[tilespmem:s31+$0x2850] =	vst v0  }
0x1f: {  	[tilespmem:s31+$0x2860] =	vst v0;
	s31 =	sshra.s32 s0, $0x2;
	s0 =	sadd.s32 $0x200, s0  }
0x20: {  	[tilespmem:s31+$0x2870] =	vst v0  }
0x21: {  	[tilespmem:s31+$0x2800] =	vst v0  }
0x22: {  	[tilespmem:s31+$0x2810] =	vst v0  }
0x23: {  	[tilespmem:s31+$0x2820] =	vst v0  }
0x24: {  	[tilespmem:s31+$0x2830] =	vst v0  }
0x25: {  	[tilespmem:s31+$0x2840] =	vst v0  }
0x26: {  	[tilespmem:s31+$0x2850] =	vst v0  }
0x27: {  	[tilespmem:s31+$0x2860] =	vst v0  }
0x28: {  	[spmem:s5] =	stream.linear.scatter [tilespmem:s20], [sflag:$0x3], $0x4000, $0x38;
	[tilespmem:$0x1E800] =	vst v63  }
0x29: {  	_ =	swait.ge [sflag:s21], $0x4000  }
0x2a: {  	[sflag:s21] =	ssyncset.done $0x0  }
0x2b: {  	[sflag:s21] =	ssyncadd.s32 $0xFFFFC000  }
0x2c: {  	[spmem:s6] =	stream.linear.scatter [tilespmem:s20], [sflag:$0x3], $0x4000, $0x38;
	[tilespmem:$0x1E800] =	vst v63  }
0x2d: {  	_ =	swait.ge [sflag:s21], $0x4000  }
0x2e: {  	[sflag:s21] =	ssyncset.done $0x0  }
0x2f: {  	[sflag:s21] =	ssyncadd.s32 $0xFFFFC000  }
0x30: {  	[spmem:s7] =	stream.linear.scatter [tilespmem:s20], [sflag:$0x3], $0x4000, $0x38;
	[tilespmem:$0x1E800] =	vst v63  }
0x31: {  	_ =	swait.ge [sflag:s21], $0x4000  }
0x32: {  	[sflag:s21] =	ssyncset.done $0x0  }
0x33: {  	[sflag:s21] =	ssyncadd.s32 $0xFFFFC000  }
0x34: {  	[spmem:s8] =	stream.linear.scatter [tilespmem:s20], [sflag:$0x3], $0x4000, $0x38;
	[tilespmem:$0x1E800] =	vst v63  }
0x35: {  	_ =	swait.ge [sflag:s21], $0x4000  }
0x36: {  	[sflag:s21] =	ssyncset.done $0x0  }
0x37: {  	[sflag:s21] =	ssyncadd.s32 $0xFFFFC000  }
0x38: {  	[spmem:s10] =	stream.linear.scatter [tilespmem:s20], [sflag:$0x3], $0x4000, $0x38;
	[tilespmem:$0x1E800] =	vst v63  }
0x39: {  	_ =	swait.ge [sflag:s21], $0x4000  }
0x3a: {  	[sflag:s21] =	ssyncset.done $0x0  }
0x3b: {  	[sflag:s21] =	ssyncadd.s32 $0xFFFFC000  }
0x3c: {  	s0 =	simm.s32 $0x0;
	[bflag:$0x0] =	sbarrier.arrive $0xFFFF  }
0x3d: {  	[tilespmem:s0], [sflag:$0x3] =	stream.linear.gather [hbm4b:s9+s0], $0x1400, $0x38;
	[tilespmem:$0x1E800] =	vst v63  }
0x3e: {  	_ =	swait.ge [sflag:s21], $0x1400  }
0x3f: {  	[sflag:s21] =	ssyncset.done $0x0  }
0x40: {  	[sflag:s21] =	ssyncadd.s32 $0xFFFFEC00  }
0x41: {  	[tilespmem:s22], [sflag:$0x3] =	stream.linear.gather [hbm4b:s11+s0], $0x1400, $0x38;
	[tilespmem:$0x1E800] =	vst v63  }
0x42: {  	_ =	swait.ge [sflag:s21], $0x1400  }
0x43: {  	[sflag:s21] =	ssyncset.done $0x0  }
0x44: {  	[sflag:s21] =	ssyncadd.s32 $0xFFFFEC00  }
0x45: {  	[tilespmem:s20], [sflag:$0x1] =	stream.indirect.gather [hbm4b:s4+s23], $0x80, s0, s23, $0xb8;
	[tilespmem:$0x1E800] =	vst v63  }
0x46: {  	_ =	swait.ge [sflag:s24], $0x4000  }
0x47: {  	[sflag:s24] =	ssyncset.done $0x0  }
0x48: {  	s3 =	simm.s32 $0x80;
	[sflag:s24] =	ssyncadd.s32 $0xFFFFC000  }
0x49: {  	[tilespmem:s25], [sflag:$0x2] =	stream.indirect.gather [hbm4b:s4+s23], $0x80, s3, s23, $0xb8;
	[tilespmem:$0x1E800] =	vst v63  }
0x4a: {  	s3 =	simm.s32 $0x1400  }
0x4b: {  	[spmem:s1] =	stream.indirect.scatter.add.f32 [tilespmem:s20], [sflag:$0x3], $0x80, s3, s23, $0xb8;
	[tilespmem:$0x1E800] =	vst v63  }
0x4c: {  	_ =	swait.ge [sflag:s21], $0x4000  }
0x4d: {  	[sflag:s21] =	ssyncset.done $0x0  }
0x4e: {  	[sflag:s21] =	ssyncadd.s32 $0xFFFFC000  }
0x4f: {  	_ =	swait.ge [sflag:s26], $0x4000  }
0x50: {  	[sflag:s26] =	ssyncset.done $0x0  }
0x51: {  	s3 =	simm.s32 $0x100;
	[sflag:s26] =	ssyncadd.s32 $0xFFFFC000  }
0x52: {  	[tilespmem:s20], [sflag:$0x1] =	stream.indirect.gather [hbm4b:s4+s23], $0x80, s3, s23, $0xb8;
	[tilespmem:$0x1E800] =	vst v63  }
0x53: {  	s3 =	simm.s32 $0x1480  }
0x54: {  	[spmem:s1] =	stream.indirect.scatter.add.f32 [tilespmem:s25], [sflag:$0x3], $0x80, s3, s23, $0xb8;
	[tilespmem:$0x1E800] =	vst v63  }
0x55: {  	_ =	swait.ge [sflag:s21], $0x4000  }
0x56: {  	s31 =	simm.s32 $0x400;
	[sflag:s21] =	ssyncset.done $0x0  }
.LBB2_4:
0x57: {  	p0 =	sne.s32 s31, $0x4800  }
0x58: {  	[sflag:s21] =	ssyncadd.s32 $0xFFFFC000;
	s0 =	smov.u32 s31;
	s31 =	sadd.s32 $0x400, s31  }
0x59: {  	_ = 	snop  }
0x5a: {  	_ =	swait.ge [sflag:s24], $0x4000  }
0x5b: {  	s0 =	sshra.s32 s0, $0x2;
	[sflag:s24] =	ssyncset.done $0x0  }
0x5c: {  	s3 =	sadd.s32 $0x80, s0;
	[sflag:s24] =	ssyncadd.s32 $0xFFFFC000  }
0x5d: {  	[tilespmem:s25], [sflag:$0x2] =	stream.indirect.gather [hbm4b:s4+s23], $0x80, s3, s23, $0xb8;
	[tilespmem:$0x1E800] =	vst v63  }
0x5e: {  	s3 =	sadd.s32 $0x1400, s0  }
0x5f: {  	[spmem:s1] =	stream.indirect.scatter.add.f32 [tilespmem:s20], [sflag:$0x3], $0x80, s3, s23, $0xb8;
	[tilespmem:$0x1E800] =	vst v63  }
0x60: {  	_ =	swait.ge [sflag:s21], $0x4000  }
0x61: {  	[sflag:s21] =	ssyncset.done $0x0  }
0x62: {  	[sflag:s21] =	ssyncadd.s32 $0xFFFFC000  }
0x63: {  	_ =	swait.ge [sflag:s26], $0x4000  }
0x64: {  	[sflag:s26] =	ssyncset.done $0x0  }
0x65: {  	s3 =	sadd.s32 $0x100, s0;
	[sflag:s26] =	ssyncadd.s32 $0xFFFFC000  }
0x66: {  	[tilespmem:s20], [sflag:$0x1] =	stream.indirect.gather [hbm4b:s4+s23], $0x80, s3, s23, $0xb8;
	[tilespmem:$0x1E800] =	vst v63  }
.Ltmp1:
0x67: {  	_ = 	snop;
	(pc) =	sbr.rel @p0 .LBB2_4-.Ltmp1, $4  }
0x68: {  	s0 =	sadd.s32 $0x1480, s0  }
0x69: {  	[spmem:s1] =	stream.indirect.scatter.add.f32 [tilespmem:s25], [sflag:$0x3], $0x80, s0, s23, $0xb8;
	[tilespmem:$0x1E800] =	vst v63  }
0x6a: {  	_ =	swait.ge [sflag:s21], $0x4000  }
0x6b: {  	[sflag:s21] =	ssyncset.done $0x0  }
0x6c: {  	[sflag:s21] =	ssyncadd.s32 $0xFFFFC000  }
0x6d: {  	_ =	swait.ge [sflag:s24], $0x4000  }
0x6e: {  	[sflag:s24] =	ssyncset.done $0x0  }
0x6f: {  	[sflag:s24] =	ssyncadd.s32 $0xFFFFC000  }
0x70: {  	[tilespmem:s25], [sflag:$0x2] =	stream.indirect.gather [hbm4b:s4+s23], $0x80, s28, s23, $0xb8;
	[tilespmem:$0x1E800] =	vst v63  }
0x71: {  	_ = 	snop  }
0x72: {  	[spmem:s1] =	stream.indirect.scatter.add.f32 [tilespmem:s20], [sflag:$0x3], $0x80, s29, s23, $0xb8;
	[tilespmem:$0x1E800] =	vst v63  }
0x73: {  	_ =	swait.ge [sflag:s21], $0x4000  }
0x74: {  	[sflag:s21] =	ssyncset.done $0x0  }
0x75: {  	[sflag:s21] =	ssyncadd.s32 $0xFFFFC000  }
0x76: {  	_ =	swait.ge [sflag:s26], $0x4000  }
0x77: {  	[sflag:s26] =	ssyncset.done $0x0  }
0x78: {  	[sflag:s26] =	ssyncadd.s32 $0xFFFFC000  }
0x79: {  	[spmem:s1] =	stream.indirect.scatter.add.f32 [tilespmem:s25], [sflag:$0x3], $0x80, s30, s23, $0xb8;
	[tilespmem:$0x1E800] =	vst v63  }
0x7a: {  	_ =	swait.ge [sflag:s21], $0x4000  }
0x7b: {  	[sflag:s21] =	ssyncset.done $0x0  }
0x7c: {  	s0 =	simm.s32 $0x0;
	[sflag:s21] =	ssyncadd.s32 $0xFFFFC000  }
0x7d: {  	[tilespmem:s0], [sflag:$0x3] =	stream.linear.gather [hbm4b:s12+s0], $0x1400, $0x38;
	[tilespmem:$0x1E800] =	vst v63  }
0x7e: {  	_ =	swait.ge [sflag:s21], $0x1400  }
0x7f: {  	[sflag:s21] =	ssyncset.done $0x0  }
0x80: {  	[sflag:s21] =	ssyncadd.s32 $0xFFFFEC00  }
0x81: {  	[tilespmem:s22], [sflag:$0x3] =	stream.linear.gather [hbm4b:s13+s0], $0x1400, $0x38;
	[tilespmem:$0x1E800] =	vst v63  }
0x82: {  	_ =	swait.ge [sflag:s21], $0x1400  }
0x83: {  	[sflag:s21] =	ssyncset.done $0x0  }
0x84: {  	[sflag:s21] =	ssyncadd.s32 $0xFFFFEC00  }
0x85: {  	[tilespmem:s20], [sflag:$0x1] =	stream.indirect.gather [hbm4b:s4+s23], $0x80, s0, s23, $0xb8;
	[tilespmem:$0x1E800] =	vst v63  }
0x86: {  	_ =	swait.ge [sflag:s24], $0x4000  }
0x87: {  	[sflag:s24] =	ssyncset.done $0x0  }
0x88: {  	s3 =	simm.s32 $0x80;
	[sflag:s24] =	ssyncadd.s32 $0xFFFFC000  }
0x89: {  	[tilespmem:s25], [sflag:$0x2] =	stream.indirect.gather [hbm4b:s4+s23], $0x80, s3, s23, $0xb8;
	[tilespmem:$0x1E800] =	vst v63  }
0x8a: {  	s3 =	simm.s32 $0x1400  }
0x8b: {  	[spmem:s1] =	stream.indirect.scatter.add.f32 [tilespmem:s20], [sflag:$0x3], $0x80, s3, s23, $0xb8;
	[tilespmem:$0x1E800] =	vst v63  }
0x8c: {  	_ =	swait.ge [sflag:s21], $0x4000  }
0x8d: {  	[sflag:s21] =	ssyncset.done $0x0  }
0x8e: {  	[sflag:s21] =	ssyncadd.s32 $0xFFFFC000  }
0x8f: {  	_ =	swait.ge [sflag:s26], $0x4000  }
0x90: {  	[sflag:s26] =	ssyncset.done $0x0  }
0x91: {  	s3 =	simm.s32 $0x100;
	[sflag:s26] =	ssyncadd.s32 $0xFFFFC000  }
0x92: {  	[tilespmem:s20], [sflag:$0x1] =	stream.indirect.gather [hbm4b:s4+s23], $0x80, s3, s23, $0xb8;
	[tilespmem:$0x1E800] =	vst v63  }
0x93: {  	s3 =	simm.s32 $0x1480  }
0x94: {  	[spmem:s1] =	stream.indirect.scatter.add.f32 [tilespmem:s25], [sflag:$0x3], $0x80, s3, s23, $0xb8;
	[tilespmem:$0x1E800] =	vst v63  }
0x95: {  	_ =	swait.ge [sflag:s21], $0x4000  }
0x96: {  	s31 =	simm.s32 $0x400;
	[sflag:s21] =	ssyncset.done $0x0  }
.LBB2_6:
0x97: {  	p0 =	sne.s32 s31, $0x4800  }
0x98: {  	[sflag:s21] =	ssyncadd.s32 $0xFFFFC000;
	s0 =	smov.u32 s31;
	s31 =	sadd.s32 $0x400, s31  }
0x99: {  	_ = 	snop  }
0x9a: {  	_ =	swait.ge [sflag:s24], $0x4000  }
0x9b: {  	s0 =	sshra.s32 s0, $0x2;
	[sflag:s24] =	ssyncset.done $0x0  }
0x9c: {  	s3 =	sadd.s32 $0x80, s0;
	[sflag:s24] =	ssyncadd.s32 $0xFFFFC000  }
0x9d: {  	[tilespmem:s25], [sflag:$0x2] =	stream.indirect.gather [hbm4b:s4+s23], $0x80, s3, s23, $0xb8;
	[tilespmem:$0x1E800] =	vst v63  }
0x9e: {  	s3 =	sadd.s32 $0x1400, s0  }
0x9f: {  	[spmem:s1] =	stream.indirect.scatter.add.f32 [tilespmem:s20], [sflag:$0x3], $0x80, s3, s23, $0xb8;
	[tilespmem:$0x1E800] =	vst v63  }
0xa0: {  	_ =	swait.ge [sflag:s21], $0x4000  }
0xa1: {  	[sflag:s21] =	ssyncset.done $0x0  }
0xa2: {  	[sflag:s21] =	ssyncadd.s32 $0xFFFFC000  }
0xa3: {  	_ =	swait.ge [sflag:s26], $0x4000  }
0xa4: {  	[sflag:s26] =	ssyncset.done $0x0  }
0xa5: {  	s3 =	sadd.s32 $0x100, s0;
	[sflag:s26] =	ssyncadd.s32 $0xFFFFC000  }
0xa6: {  	[tilespmem:s20], [sflag:$0x1] =	stream.indirect.gather [hbm4b:s4+s23], $0x80, s3, s23, $0xb8;
	[tilespmem:$0x1E800] =	vst v63  }
.Ltmp2:
0xa7: {  	_ = 	snop;
	(pc) =	sbr.rel @p0 .LBB2_6-.Ltmp2, $4  }
0xa8: {  	s0 =	sadd.s32 $0x1480, s0  }
0xa9: {  	[spmem:s1] =	stream.indirect.scatter.add.f32 [tilespmem:s25], [sflag:$0x3], $0x80, s0, s23, $0xb8;
	[tilespmem:$0x1E800] =	vst v63  }
0xaa: {  	_ =	swait.ge [sflag:s21], $0x4000  }
0xab: {  	[sflag:s21] =	ssyncset.done $0x0  }
0xac: {  	[sflag:s21] =	ssyncadd.s32 $0xFFFFC000  }
0xad: {  	_ =	swait.ge [sflag:s24], $0x4000  }
0xae: {  	[sflag:s24] =	ssyncset.done $0x0  }
0xaf: {  	[sflag:s24] =	ssyncadd.s32 $0xFFFFC000  }
0xb0: {  	[tilespmem:s25], [sflag:$0x2] =	stream.indirect.gather [hbm4b:s4+s23], $0x80, s28, s23, $0xb8;
	[tilespmem:$0x1E800] =	vst v63  }
0xb1: {  	_ = 	snop  }
0xb2: {  	[spmem:s1] =	stream.indirect.scatter.add.f32 [tilespmem:s20], [sflag:$0x3], $0x80, s29, s23, $0xb8;
	[tilespmem:$0x1E800] =	vst v63  }
0xb3: {  	_ =	swait.ge [sflag:s21], $0x4000  }
0xb4: {  	[sflag:s21] =	ssyncset.done $0x0  }
0xb5: {  	[sflag:s21] =	ssyncadd.s32 $0xFFFFC000  }
0xb6: {  	_ =	swait.ge [sflag:s26], $0x4000  }
0xb7: {  	[sflag:s26] =	ssyncset.done $0x0  }
0xb8: {  	[sflag:s26] =	ssyncadd.s32 $0xFFFFC000  }
0xb9: {  	[spmem:s1] =	stream.indirect.scatter.add.f32 [tilespmem:s25], [sflag:$0x3], $0x80, s30, s23, $0xb8;
	[tilespmem:$0x1E800] =	vst v63  }
0xba: {  	_ =	swait.ge [sflag:s21], $0x4000  }
0xbb: {  	s0 =	stileid.u32;
	[sflag:s21] =	ssyncset.done $0x0  }
0xbc: {  	s0 =	sshll.u32 s0, $0x6;
	[sflag:s21] =	ssyncadd.s32 $0xFFFFC000  }
0xbd: {  	s3 =	sshrl.u32 s5, $0x3;
	s0 =	sor.u32 $0x1C03, s0;
	[bflag:$0x0] =	sbarrier.arrive $0xFFFF  }
0xbe: {  	[hbm:s14], [sflag:s0] =	dma.local [spmem:s3], $0x800  }
0xbf: {  	_ =	swait.ge [sflag:s21], $0x800  }
0xc0: {  	[sflag:s21] =	ssyncset.done $0x0  }
0xc1: {  	s31 =	sshrl.u32 s6, $0x3;
	[sflag:s21] =	ssyncadd.s32 $0xFFFFF800  }
0xc2: {  	[hbm:s15], [sflag:s0] =	dma.local [spmem:s31], $0x800  }
0xc3: {  	_ =	swait.ge [sflag:s21], $0x800  }
0xc4: {  	[sflag:s21] =	ssyncset.done $0x0  }
0xc5: {  	s31 =	sshrl.u32 s7, $0x3;
	[sflag:s21] =	ssyncadd.s32 $0xFFFFF800  }
0xc6: {  	[hbm:s16], [sflag:s0] =	dma.local [spmem:s31], $0x800  }
0xc7: {  	_ =	swait.ge [sflag:s21], $0x800  }
0xc8: {  	[sflag:s21] =	ssyncset.done $0x0  }
0xc9: {  	s31 =	sshrl.u32 s8, $0x3;
	[sflag:s21] =	ssyncadd.s32 $0xFFFFF800  }
0xca: {  	[hbm:s17], [sflag:s0] =	dma.local [spmem:s31], $0x800  }
0xcb: {  	s2 =	sadd.s32 $0x1, s2;
	_ =	swait.ge [sflag:s21], $0x800  }
0xcc: {  	p0 =	sne.s32 s2, s19;
	[sflag:s21] =	ssyncset.done $0x0  }
.Ltmp3:
0xcd: {  	s31 =	sshrl.u32 s10, $0x3;
	[sflag:s21] =	ssyncadd.s32 $0xFFFFF800;
	(pc) =	sbr.rel @p0 .LBB2_1-.Ltmp3, $4  }
0xce: {  	[hbm:s18], [sflag:s0] =	dma.local [spmem:s31], $0x800  }
0xcf: {  	_ =	swait.ge [sflag:s21], $0x800  }
0xd0: {  	[sflag:s21] =	ssyncset.done $0x0  }
0xd1: {  	[sflag:s21] =	ssyncadd.s32 $0xFFFFF800  }
0xd2: {  	_ =	sfence.sel $0x180000  }
0xd3: {  	[bflag:$0x0] =	sbarrier.arrive $0xFFFF  }
0xd4: {  	_ =	strace $0x9000004A  }
0xd5: {  	s0 =	stileid.u32;
	[bflag:$0x2] =	sbarrier.arrive $0xFFFF  }
0xd6: {  	p0 =	sne.s32 s0, $0x0;
	s0 =	rddreg [dreg:$0x3]  }
0xd7: {  	s0 =	sadd.s32 @!p0 $0x100000, s0  }
0xd8: {  	[sflag:s0] =	ssyncadd.tile.s32 @!p0 $0x1;
	_ =	shalt  }
.Lfunc_end2:
_tile_overlayer_lowered:
.L_overlay_start_2:
0xd9: {  	(tag) =	ssettag $0x2  }
0xda: {  	s0 =	rddreg [dreg:$0x0];
	s2 =	stileid.u32  }
0xdb: {  	s1 =	rddreg [dreg:$0x1];
	p0 =	sne.s32 s2, $0x0  }
0xdc: {  	s3 =	rddreg [dreg:$0x2];
	[bflag:$0x3] =	sbarrier.arrive $0xFFFF;
	s2 =	simm.s32 @!p0 $0x1C03  }
0xdd: {  	[timem:s3], [sflag:s2] =	dma.local @!p0 [hbm:s0], s1  }
0xde: {  	s0 =	simm.s32 @!p0 $0x3  }
0xdf: {  	_ =	swait.ge @!p0 [sflag:s0], s1  }
0xe0: {  	s1 =	ssub.s32 @!p0 $0x0, s1;
	[sflag:s0] =	ssyncset.done @!p0 $0x0  }
0xe1: {  	[sflag:s0] =	ssyncadd.s32 @!p0 s1  }
0xe2: {  	[bflag:$0x3] =	sbarrier.arrive $0xFFFF  }
0xe3: {  	_ =	shalt  }

// kernel: kernel.16.cloned.1.call-start
scs
__scs_entry_jumppad:
0x0: {  	(pc) =	sbr.rel $0x88, $3  }
0x1: {  	(tag) =	ssettag $0x0;
	lr =	simm.s32 $0x1  }
0x2: {  	[smem:$0x3F9B] =	sst lr;
	_ =	strace $0xD0000000  }
0x3: {  	_ = 	snop  }
0x4: {  	_ = 	snop  }
0x5: {  	_ = 	snop  }
0x6: {  	_ = 	snop  }
0x7: {  	_ = 	snop  }
__scs_overlays_trampoline_lowered:
0x8: {  	[smem:$0x3FAA] =	sst s0  }
0x9: {  	[smem:$0x3FAB] =	sst s1  }
0xa: {  	[smem:$0x3FAC] =	sst s2  }
0xb: {  	[smem:$0x3FAD] =	sst s3  }
0xc: {  	[smem:$0x3FAE] =	sst s4  }
0xd: {  	[smem:$0x3FAF] =	sst s5  }
0xe: {  	[smem:$0x3FB0] =	sst s6  }
0xf: {  	[smem:$0x3FB1] =	sst s7  }
0x10: {  	[smem:$0x3FB2] =	sst s8  }
0x11: {  	[smem:$0x3FB3] =	sst s9;
	s0 =	simm.s32 @!p0 $0x0  }
0x12: {  	s1 =	sld [smem:$0x3F99];
	s0 =	simm.s32 @p0 $0x1  }
0x13: {  	[smem:$0x3FB4] =	sst s0;
	s0 =	simm.s32 @!p1 $0x0  }
0x14: {  	s2 =	sld [smem:$0x3F98];
	s0 =	simm.s32 @p1 $0x1  }
0x15: {  	[smem:$0x3FB5] =	sst s0;
	s0 =	simm.s32 @!p2 $0x0  }
0x16: {  	s3 =	sld [smem:$0x3FDB];
	s0 =	simm.s32 @p2 $0x1  }
0x17: {  	s4 =	simm.s32 $0x1BF5;
	[smem:$0x3FB7] =	sst s0  }
0x18: {  	s0 =	sld [smem:$0x3F9A];
	_ =	swait.ge [sflag:s4], $0x0  }
0x19: {  	s7 =	sld [smem:$0x3F9B]  }
0x1a: {  	s8 =	sadd.s32 $0xFFFFE003, lr  }
0x1b: {  	s9 =	sadd.s32 $0xFFFFFEF7, lr;
	s5 =	simm.s32 $0xFFFFFFFF;
	p2 =	slt.u32 s8, $0xFFFFF086  }
0x1c: {  	p1 =	slt.u32 s9, $0xF7A;
	s5 =	simm.s32 @!p2 $0x0  }
0x1d: {  	s5 =	simm.s32 @p1 $0x1;
	p0 =	seq.s32 s7, s2  }
0x1e: {  	s7 =	smul.u32 @!p0 $0xF7A, s2;
	p2 =	seq.s32 @!p0 s5, $0x0  }
0x1f: {  	s9 =	smul.u32 $0xF7A, s1;
	s8 =	simm.s32 @!p0 $0x1BF5;
	p2 =	por !p2, p0  }
0x20: {  	[sflag:s8] =	ssyncset.s32 @!p0 $0xFFFFF086;
	s6 =	sadd.s32 @!p0 s3, s7;
	s7 =	simm.s32 @!p0 $0x108  }
0x21: {  	s3 =	sadd.s32 s3, s9;
	s6 =	sadd.s32 @!p0 $0x88, s6;
	s7 =	simm.s32 @p2 $0x1082  }
0x22: {  	[simem:s7], [sflag:s8] =	dma.local @!p0 [hbm:s6], $0xF7A  }
0x23: {  	s9 =	sor.u32 $0xD0000000, s2;
	s6 =	simm.s32 $0x108;
	_ =	swait.ge @!p0 [sflag:s8], $0x0  }
0x24: {  	s3 =	sadd.s32 $0x88, s3;
	s6 =	simm.s32 @!p1 $0x1082;
	[sflag:s4] =	ssyncset.s32 $0xFFFFF086  }
0x25: {  	[simem:s6], [sflag:s4] =	dma.local [hbm:s3], $0xF7A  }
0x26: {  	[smem:$0x3F9B] =	sst s1;
	(tag) =	ssettag s2;
	_ =	strace s9  }
0x27: {  	s1 =	sld [smem:$0x3FAB]  }
0x28: {  	s2 =	sld [smem:$0x3FAC]  }
0x29: {  	s4 =	sld [smem:$0x3FAE]  }
0x2a: {  	p0 =	seq.s32 s5, $0x0;
	s5 =	sld [smem:$0x3FAF]  }
0x2b: {  	s6 =	sld [smem:$0x3FB0]  }
0x2c: {  	s7 =	sld [smem:$0x3FB1]  }
0x2d: {  	s3 =	simm.s32 $0x108;
	s8 =	sld [smem:$0x3FB2]  }
0x2e: {  	s3 =	simm.s32 @!p0 $0x1082;
	s9 =	sld [smem:$0x3FB3]  }
0x2f: {  	lr =	sadd.s32 s0, s3;
	s0 =	sld [smem:$0x3FAA]  }
0x30: {  	s3 =	sld [smem:$0x3FAD]  }
0x31: {  	[smem:$0x3FB6] =	sst s10  }
0x32: {  	s10 =	sld [smem:$0x3FB4];
	_ =	sdelay $0x3  }
0x33: {  	p0 =	seq.s32 s10, $0x1;
	s10 =	sld [smem:$0x3FB6];
	_ =	sdelay $0x3  }
0x34: {  	[smem:$0x3FB6] =	sst s10  }
0x35: {  	s10 =	sld [smem:$0x3FB5];
	_ =	sdelay $0x3  }
0x36: {  	p1 =	seq.s32 s10, $0x1;
	s10 =	sld [smem:$0x3FB6];
	_ =	sdelay $0x3  }
0x37: {  	[smem:$0x3FB6] =	sst s10  }
0x38: {  	s10 =	sld [smem:$0x3FB7]  }
0x39: {  	_ = 	snop;
	(pc) =	sbr.ind lr, $3  }
0x3a: {  	_ = 	snop  }
0x3b: {  	_ = 	snop  }
0x3c: {  	p2 =	seq.s32 s10, $0x1;
	s10 =	sld [smem:$0x3FB6]  }
0x3d: {  	_ =	shalt  }
0x3e: {  	_ =	shalt  }
0x3f: {  	_ =	shalt  }
0x40: {  	_ =	shalt  }
0x41: {  	_ =	shalt  }
0x42: {  	_ =	shalt  }
0x43: {  	_ =	shalt  }
0x44: {  	_ =	shalt  }
0x45: {  	_ =	shalt  }
0x46: {  	_ =	shalt  }
0x47: {  	_ =	shalt  }
0x48: {  	_ =	shalt  }
0x49: {  	_ =	shalt  }
0x4a: {  	_ =	shalt  }
0x4b: {  	_ =	shalt  }
0x4c: {  	_ =	shalt  }
0x4d: {  	_ =	shalt  }
0x4e: {  	_ =	shalt  }
0x4f: {  	_ =	shalt  }
0x50: {  	_ =	shalt  }
0x51: {  	_ =	shalt  }
0x52: {  	_ =	shalt  }
0x53: {  	_ =	shalt  }
0x54: {  	_ =	shalt  }
0x55: {  	_ =	shalt  }
0x56: {  	_ =	shalt  }
0x57: {  	_ =	shalt  }
0x58: {  	_ =	shalt  }
0x59: {  	_ =	shalt  }
0x5a: {  	_ =	shalt  }
0x5b: {  	_ =	shalt  }
0x5c: {  	_ =	shalt  }
0x5d: {  	_ =	shalt  }
0x5e: {  	_ =	shalt  }
0x5f: {  	_ =	shalt  }
0x60: {  	_ =	shalt  }
0x61: {  	_ =	shalt  }
0x62: {  	_ =	shalt  }
0x63: {  	_ =	shalt  }
0x64: {  	_ =	shalt  }
0x65: {  	_ =	shalt  }
0x66: {  	_ =	shalt  }
0x67: {  	_ =	shalt  }
0x68: {  	_ =	shalt  }
0x69: {  	_ =	shalt  }
0x6a: {  	_ =	shalt  }
0x6b: {  	_ =	shalt  }
0x6c: {  	_ =	shalt  }
0x6d: {  	_ =	shalt  }
0x6e: {  	_ =	shalt  }
0x6f: {  	_ =	shalt  }
0x70: {  	_ =	shalt  }
0x71: {  	_ =	shalt  }
0x72: {  	_ =	shalt  }
0x73: {  	_ =	shalt  }
0x74: {  	_ =	shalt  }
0x75: {  	_ =	shalt  }
0x76: {  	_ =	shalt  }
0x77: {  	_ =	shalt  }
0x78: {  	_ =	shalt  }
0x79: {  	_ =	shalt  }
0x7a: {  	_ =	shalt  }
0x7b: {  	_ =	shalt  }
0x7c: {  	_ =	shalt  }
0x7d: {  	_ =	shalt  }
0x7e: {  	_ =	shalt  }
0x7f: {  	_ =	shalt  }
0x80: {  	_ =	shalt  }
0x81: {  	_ =	shalt  }
0x82: {  	_ =	shalt  }
0x83: {  	_ =	shalt  }
0x84: {  	_ =	shalt  }
0x85: {  	_ =	shalt  }
0x86: {  	_ =	shalt  }
0x87: {  	_ =	shalt  }
.Lfunc_end0:
.L_simem_size_0:
called_computation.2_lowered:
.L_overlay_start_0:
0x88: {  	s2 =	sld [smem:$0x3FD9]  }
0x89: {  	s3 =	sld [smem:$0x3FFE];
	_ =	sdelay $0x1  }
0x8a: {  	s1 =	srdreg.scid  }
0x8b: {  	s0 =	sand.u32 $0x1, s1  }
0x8c: {  	s17 =	sshll.u32 s0, $0xA;
	s2 =	sadd.s32 s3, s2  }
0x8d: {  	s2 =	sadd.s32 s2, s17  }
0x8e: {  	[smem:$0x3FC2] =	sst s2  }
0x8f: {  	_ = 	snop  }
0x90: {  	s2 =	sld [smem:$0x3FD0];
	(tm) =	ssettm $0x1  }
0x91: {  	s18 =	sld [smem:$0x3FFB];
	_ =	sdelay $0x3  }
0x92: {  	_ =	strace s18  }
0x93: {  	s3 =	sld [smem:$0x3FFC];
	_ =	sdelay $0x3  }
0x94: {  	_ =	strace s3  }
0x95: {  	s3 =	sld [smem:$0x3FFD];
	_ =	sdelay $0x3  }
0x96: {  	_ =	strace s3  }
0x97: {  	_ =	strace $0x8FFFFFFF  }
0x98: {  	s19 =	sld [smem:$0x3FDB];
	_ =	sdelay $0x1  }
0x99: {  	s4 =	simm.s32 $_scs_section_size  }
0x9a: {  	s5 =	simm.s32 $_size__tile_overlayer_lowered;
	s6 =	simm.s32 $_tile_overlayer_lowered  }
0x9b: {  	s22 =	simm.s32 $0x1BFF;
	s21 =	sshll.u32 s6, $0x1;
	s3 =	sadd.s32 s4, s19  }
0x9c: {  	s7 =	simm.s32 $0x0;
	s20 =	sshll.u32 s5, $0x1;
	s5 =	sadd.s32 s21, s3  }
0x9d: {  	[timem:s7], [sflag:s22] =	dma.local [hbm:s5], s20  }
0x9e: {  	_ =	swait.ge [sflag:s22], s20  }
0x9f: {  	s4 =	ssub.s32 $0x0, s20;
	[sflag:s22] =	ssyncset.done $0x0  }
0xa0: {  	[sflag:s22] =	ssyncadd.s32 s4;
	_ =	sdelay $0x1  }
0xa1: {  	s23 =	simm.s32 $0x1B8B  }
0xa2: {  	_ =	swait.ge [sflag:s23], $0x1  }
0xa3: {  	[sflag:s23] =	ssyncset.done $0x0  }
0xa4: {  	s25 =	simm.s32 $0x1B8E;
	s24 =	sld [smem:$0x3FFE];
	[sflag:s23] =	ssyncadd.s32 $0xFFFFFFFF  }
0xa5: {  	s26 =	simm.s32 $execute0_lowered;
	[smem:$0x3FD2] =	sst s25  }
0xa6: {  	s5 =	sshll.u32 s26, $0x1;
	_ =	strace $0x8000004C;
	[dreg:$0x1] =	wrdreg $0xFFFFFFFF  }
0xa7: {  	s28 =	simm.s32 $_size_execute0_lowered;
	s3 =	sadd.s32 s3, s5;
	[dreg:$0x0] =	wrdreg $0x0  }
0xa8: {  	s5 =	sshll.u32 s28, $0x1;
	[dreg:$0x2] =	wrdreg s3  }
0xa9: {  	[dreg:$0x3] =	wrdreg s5  }
0xaa: {  	[dreg:$0x4] =	wrdreg $0xC0  }
0xab: {  	_ =	task [dreg:s7], $0x5FFFF  }
0xac: {  	[dreg:$0x1] =	wrdreg $0xFFFFFFFF  }
0xad: {  	[dreg:$0x0] =	wrdreg $0x60  }
0xae: {  	[dreg:$0x2] =	wrdreg s24  }
0xaf: {  	[dreg:$0x3] =	wrdreg s2  }
0xb0: {  	[dreg:$0x4] =	wrdreg $0xA8000  }
0xb1: {  	[dreg:$0x5] =	wrdreg $0x9  }
0xb2: {  	_ =	task.clear_ibuf [dreg:s7], $0x6FFFF;
	_ =	strace $0x9000004C  }
0xb3: {  	s29 =	simm.s32 $0x9;
	_ =	strace $0x8000004E  }
0xb4: {  	_ =	swait.ge [sflag:s29], $0x1  }
0xb5: {  	[sflag:s29] =	ssyncadd.s32 $0xFFFFFFFF  }
0xb6: {  	_ =	strace $0x9000004E  }
0xb7: {  	_ =	sfence  }
0xb8: {  	s30 =	sld [smem:$0x0];
	_ =	sdelay $0x2  }
0xb9: {  	s31 =	sshll.u32 s1, $0xD;
	s1 =	sshrl.u32 s1, $0x2  }
0xba: {  	s3 =	sand.u32 $0x4000, s31;
	s1 =	sadd.s32 s1, s30  }
0xbb: {  	s0 =	sor.u32 s3, s0;
	s1 =	sshll.u32 s1, $0x11  }
0xbc: {  	s0 =	sor.u32 s1, s0  }
0xbd: {  	s0 =	sadd.s32 $0x8F2B, s0  }
0xbe: {  	[sflag:s0] =	ssyncadd.remote.s32 $0x1  }
0xbf: {  	_ =	sfence.sel $0xFFFF  }
0xc0: {  	[dreg:$0x0] =	wrdreg $0xFFFFFFFF;
	(pc) =	sbr.abs _section_cstart, $3  }
0xc1: {  	[dreg:$0x1] =	wrdreg $0xFFFFFFFF  }
0xc2: {  	_ =	task.clear_ibuf [dreg:s7], $0x2FFFF;
	_ =	strace $0x9FFFFFFF  }
0xc3: {  	(tm) =	ssettm $0x7FFFFFFF  }
tec
execute0_lowered:
.L_overlay_start_1:
0x0: {  	(tag) =	ssettag $0x1  }
0x1: {  	s0 =	rddreg [dreg:$0x0]  }
0x2: {  	s9 =	rddreg [dreg:$0x1]  }
0x3: {  	s1 =	rddreg [dreg:$0x2];
	s2 =	simm.s32 $0x0  }
0x4: {  	s5 =	srdreg.scid;
	s3 =	stileid.u32;
	s21 =	simm.s32 $0x3  }
0x5: {  	s22 =	simm.s32 $0x1400;
	s23 =	simm.s32 $0x80;
	s24 =	simm.s32 $0x1  }
0x6: {  	s25 =	simm.s32 $0x6800;
	s26 =	simm.s32 $0x2;
	s28 =	simm.s32 $0x1380  }
0x7: {  	s29 =	simm.s32 $0x2700;
	s30 =	simm.s32 $0x2780;
	[smem:$0x7FF] =	sst s2  }
0x8: {  	s4 =	sadd.s32 $0x2600, s0;
	s8 =	sand.u32 $0x1, s5;
	s6 =	smul.u32 $0x50000, s3  }
0x9: {  	s0 =	sadd.s32 $0x2A600, s0;
	s10 =	sshll.u32 s3, $0x1;
	s12 =	smul.u32 $0x14000, s3  }
0xa: {  	_ =	strace $0x8000004D;
	s5 =	ssub.s32 $0x2, s8;
	s31 =	sor.u32 s8, s10  }
0xb: {  	s18 =	smul.u32 $0x140000, s8;
	s7 =	sshrl.u32 s5, $0x1;
	s6 =	sshrl.u32 s6, $0x2  }
0xc: {  	s13 =	sadd.s32 $0x4000, s12;
	s16 =	sadd.s32 $0x8000, s12;
	s10 =	smul.u32 $0x2800, s31  }
0xd: {  	s17 =	sadd.s32 $0xC000, s12;
	s20 =	sadd.s32 $0x10000, s12;
	s19 =	ssub.s32 s5, s7  }
0xe: {  	s5 =	sadd.s32 s6, s1;
	s6 =	sadd.s32 s13, s1;
	s7 =	sadd.s32 s16, s1  }
0xf: {  	s8 =	sadd.s32 s17, s1;
	s14 =	sadd.s32 s12, s18;
	s15 =	sadd.s32 s18, s13  }
0x10: {  	s16 =	sadd.s32 s18, s16;
	s17 =	sadd.s32 s18, s17;
	s18 =	sadd.s32 s18, s20  }
0x11: {  	s10 =	sshrl.u32 s10, $0x3;
	s14 =	sshrl.u32 s14, $0x3;
	s15 =	sshrl.u32 s15, $0x3  }
0x12: {  	s16 =	sshrl.u32 s16, $0x3;
	s17 =	sshrl.u32 s17, $0x3;
	s18 =	sshrl.u32 s18, $0x3  }
0x13: {  	s19 =	smax.u32 s19, $0x1;
	s9 =	sadd.s32 s9, s10;
	s10 =	sadd.s32 s20, s1  }
0x14: {  	s14 =	sadd.s32 s0, s14;
	s15 =	sadd.s32 s0, s15;
	s16 =	sadd.s32 s0, s16  }
0x15: {  	s17 =	sadd.s32 s0, s17;
	s18 =	sadd.s32 s0, s18;
	s20 =	simm.s32 $0x2800  }
0x16: {  	v0 =	vimm.f32 $0.0e+00;
	s11 =	sadd.s32 $0xA000, s9;
	s12 =	sadd.s32 $0x280, s9;
	s13 =	sadd.s32 $0xA280, s9  }
.LBB2_1:
0x17: {  	s31 =	simm.s32 $0x0;
	s0 =	simm.s32 $0x200  }
.LBB2_2:
0x18: {  	p0 =	sne.s32 s0, $0xFE00;
	[tilespmem:s31+$0x2870] =	vst v0  }
0x19: {  	[tilespmem:s31+$0x2800] =	vst v0  }
0x1a: {  	[tilespmem:s31+$0x2810] =	vst v0  }
.Ltmp0:
0x1b: {  	[tilespmem:s31+$0x2820] =	vst v0;
	(pc) =	sbr.rel @p0 .LBB2_2-.Ltmp0, $4  }
0x1c: {  	[tilespmem:s31+$0x2830] =	vst v0  }
0x1d: {  	[tilespmem:s31+$0x2840] =	vst v0  }
0x1e: {  	[tilespmem:s31+$0x2850] =	vst v0  }
0x1f: {  	[tilespmem:s31+$0x2860] =	vst v0;
	s31 =	sshra.s32 s0, $0x2;
	s0 =	sadd.s32 $0x200, s0  }
0x20: {  	[tilespmem:s31+$0x2870] =	vst v0  }
0x21: {  	[tilespmem:s31+$0x2800] =	vst v0  }
0x22: {  	[tilespmem:s31+$0x2810] =	vst v0  }
0x23: {  	[tilespmem:s31+$0x2820] =	vst v0  }
0x24: {  	[tilespmem:s31+$0x2830] =	vst v0  }
0x25: {  	[tilespmem:s31+$0x2840] =	vst v0  }
0x26: {  	[tilespmem:s31+$0x2850] =	vst v0  }
0x27: {  	[tilespmem:s31+$0x2860] =	vst v0  }
0x28: {  	[spmem:s5] =	stream.linear.scatter [tilespmem:s20], [sflag:$0x3], $0x4000, $0x38;
	[tilespmem:$0x1E800] =	vst v63  }
0x29: {  	_ =	swait.ge [sflag:s21], $0x4000  }
0x2a: {  	[sflag:s21] =	ssyncset.done $0x0  }
0x2b: {  	[sflag:s21] =	ssyncadd.s32 $0xFFFFC000  }
0x2c: {  	[spmem:s6] =	stream.linear.scatter [tilespmem:s20], [sflag:$0x3], $0x4000, $0x38;
	[tilespmem:$0x1E800] =	vst v63  }
0x2d: {  	_ =	swait.ge [sflag:s21], $0x4000  }
0x2e: {  	[sflag:s21] =	ssyncset.done $0x0  }
0x2f: {  	[sflag:s21] =	ssyncadd.s32 $0xFFFFC000  }
0x30: {  	[spmem:s7] =	stream.linear.scatter [tilespmem:s20], [sflag:$0x3], $0x4000, $0x38;
	[tilespmem:$0x1E800] =	vst v63  }
0x31: {  	_ =	swait.ge [sflag:s21], $0x4000  }
0x32: {  	[sflag:s21] =	ssyncset.done $0x0  }
0x33: {  	[sflag:s21] =	ssyncadd.s32 $0xFFFFC000  }
0x34: {  	[spmem:s8] =	stream.linear.scatter [tilespmem:s20], [sflag:$0x3], $0x4000, $0x38;
	[tilespmem:$0x1E800] =	vst v63  }
0x35: {  	_ =	swait.ge [sflag:s21], $0x4000  }
0x36: {  	[sflag:s21] =	ssyncset.done $0x0  }
0x37: {  	[sflag:s21] =	ssyncadd.s32 $0xFFFFC000  }
0x38: {  	[spmem:s10] =	stream.linear.scatter [tilespmem:s20], [sflag:$0x3], $0x4000, $0x38;
	[tilespmem:$0x1E800] =	vst v63  }
0x39: {  	_ =	swait.ge [sflag:s21], $0x4000  }
0x3a: {  	[sflag:s21] =	ssyncset.done $0x0  }
0x3b: {  	[sflag:s21] =	ssyncadd.s32 $0xFFFFC000  }
0x3c: {  	s0 =	simm.s32 $0x0;
	[bflag:$0x0] =	sbarrier.arrive $0xFFFF  }
0x3d: {  	[tilespmem:s0], [sflag:$0x3] =	stream.linear.gather [hbm4b:s9+s0], $0x1400, $0x38;
	[tilespmem:$0x1E800] =	vst v63  }
0x3e: {  	_ =	swait.ge [sflag:s21], $0x1400  }
0x3f: {  	[sflag:s21] =	ssyncset.done $0x0  }
0x40: {  	[sflag:s21] =	ssyncadd.s32 $0xFFFFEC00  }
0x41: {  	[tilespmem:s22], [sflag:$0x3] =	stream.linear.gather [hbm4b:s11+s0], $0x1400, $0x38;
	[tilespmem:$0x1E800] =	vst v63  }
0x42: {  	_ =	swait.ge [sflag:s21], $0x1400  }
0x43: {  	[sflag:s21] =	ssyncset.done $0x0  }
0x44: {  	[sflag:s21] =	ssyncadd.s32 $0xFFFFEC00  }
0x45: {  	[tilespmem:s20], [sflag:$0x1] =	stream.indirect.gather [hbm4b:s4+s23], $0x80, s0, s23, $0xb8;
	[tilespmem:$0x1E800] =	vst v63  }
0x46: {  	_ =	swait.ge [sflag:s24], $0x4000  }
0x47: {  	[sflag:s24] =	ssyncset.done $0x0  }
0x48: {  	s3 =	simm.s32 $0x80;
	[sflag:s24] =	ssyncadd.s32 $0xFFFFC000  }
0x49: {  	[tilespmem:s25], [sflag:$0x2] =	stream.indirect.gather [hbm4b:s4+s23], $0x80, s3, s23, $0xb8;
	[tilespmem:$0x1E800] =	vst v63  }
0x4a: {  	s3 =	simm.s32 $0x1400  }
0x4b: {  	[spmem:s1] =	stream.indirect.scatter.add.f32 [tilespmem:s20], [sflag:$0x3], $0x80, s3, s23, $0xb8;
	[tilespmem:$0x1E800] =	vst v63  }
0x4c: {  	_ =	swait.ge [sflag:s21], $0x4000  }
0x4d: {  	[sflag:s21] =	ssyncset.done $0x0  }
0x4e: {  	[sflag:s21] =	ssyncadd.s32 $0xFFFFC000  }
0x4f: {  	_ =	swait.ge [sflag:s26], $0x4000  }
0x50: {  	[sflag:s26] =	ssyncset.done $0x0  }
0x51: {  	s3 =	simm.s32 $0x100;
	[sflag:s26] =	ssyncadd.s32 $0xFFFFC000  }
0x52: {  	[tilespmem:s20], [sflag:$0x1] =	stream.indirect.gather [hbm4b:s4+s23], $0x80, s3, s23, $0xb8;
	[tilespmem:$0x1E800] =	vst v63  }
0x53: {  	s3 =	simm.s32 $0x1480  }
0x54: {  	[spmem:s1] =	stream.indirect.scatter.add.f32 [tilespmem:s25], [sflag:$0x3], $0x80, s3, s23, $0xb8;
	[tilespmem:$0x1E800] =	vst v63  }
0x55: {  	_ =	swait.ge [sflag:s21], $0x4000  }
0x56: {  	s31 =	simm.s32 $0x400;
	[sflag:s21] =	ssyncset.done $0x0  }
.LBB2_4:
0x57: {  	p0 =	sne.s32 s31, $0x4800  }
0x58: {  	[sflag:s21] =	ssyncadd.s32 $0xFFFFC000;
	s0 =	smov.u32 s31;
	s31 =	sadd.s32 $0x400, s31  }
0x59: {  	_ = 	snop  }
0x5a: {  	_ =	swait.ge [sflag:s24], $0x4000  }
0x5b: {  	s0 =	sshra.s32 s0, $0x2;
	[sflag:s24] =	ssyncset.done $0x0  }
0x5c: {  	s3 =	sadd.s32 $0x80, s0;
	[sflag:s24] =	ssyncadd.s32 $0xFFFFC000  }
0x5d: {  	[tilespmem:s25], [sflag:$0x2] =	stream.indirect.gather [hbm4b:s4+s23], $0x80, s3, s23, $0xb8;
	[tilespmem:$0x1E800] =	vst v63  }
0x5e: {  	s3 =	sadd.s32 $0x1400, s0  }
0x5f: {  	[spmem:s1] =	stream.indirect.scatter.add.f32 [tilespmem:s20], [sflag:$0x3], $0x80, s3, s23, $0xb8;
	[tilespmem:$0x1E800] =	vst v63  }
0x60: {  	_ =	swait.ge [sflag:s21], $0x4000  }
0x61: {  	[sflag:s21] =	ssyncset.done $0x0  }
0x62: {  	[sflag:s21] =	ssyncadd.s32 $0xFFFFC000  }
0x63: {  	_ =	swait.ge [sflag:s26], $0x4000  }
0x64: {  	[sflag:s26] =	ssyncset.done $0x0  }
0x65: {  	s3 =	sadd.s32 $0x100, s0;
	[sflag:s26] =	ssyncadd.s32 $0xFFFFC000  }
0x66: {  	[tilespmem:s20], [sflag:$0x1] =	stream.indirect.gather [hbm4b:s4+s23], $0x80, s3, s23, $0xb8;
	[tilespmem:$0x1E800] =	vst v63  }
.Ltmp1:
0x67: {  	_ = 	snop;
	(pc) =	sbr.rel @p0 .LBB2_4-.Ltmp1, $4  }
0x68: {  	s0 =	sadd.s32 $0x1480, s0  }
0x69: {  	[spmem:s1] =	stream.indirect.scatter.add.f32 [tilespmem:s25], [sflag:$0x3], $0x80, s0, s23, $0xb8;
	[tilespmem:$0x1E800] =	vst v63  }
0x6a: {  	_ =	swait.ge [sflag:s21], $0x4000  }
0x6b: {  	[sflag:s21] =	ssyncset.done $0x0  }
0x6c: {  	[sflag:s21] =	ssyncadd.s32 $0xFFFFC000  }
0x6d: {  	_ =	swait.ge [sflag:s24], $0x4000  }
0x6e: {  	[sflag:s24] =	ssyncset.done $0x0  }
0x6f: {  	[sflag:s24] =	ssyncadd.s32 $0xFFFFC000  }
0x70: {  	[tilespmem:s25], [sflag:$0x2] =	stream.indirect.gather [hbm4b:s4+s23], $0x80, s28, s23, $0xb8;
	[tilespmem:$0x1E800] =	vst v63  }
0x71: {  	_ = 	snop  }
0x72: {  	[spmem:s1] =	stream.indirect.scatter.add.f32 [tilespmem:s20], [sflag:$0x3], $0x80, s29, s23, $0xb8;
	[tilespmem:$0x1E800] =	vst v63  }
0x73: {  	_ =	swait.ge [sflag:s21], $0x4000  }
0x74: {  	[sflag:s21] =	ssyncset.done $0x0  }
0x75: {  	[sflag:s21] =	ssyncadd.s32 $0xFFFFC000  }
0x76: {  	_ =	swait.ge [sflag:s26], $0x4000  }
0x77: {  	[sflag:s26] =	ssyncset.done $0x0  }
0x78: {  	[sflag:s26] =	ssyncadd.s32 $0xFFFFC000  }
0x79: {  	[spmem:s1] =	stream.indirect.scatter.add.f32 [tilespmem:s25], [sflag:$0x3], $0x80, s30, s23, $0xb8;
	[tilespmem:$0x1E800] =	vst v63  }
0x7a: {  	_ =	swait.ge [sflag:s21], $0x4000  }
0x7b: {  	[sflag:s21] =	ssyncset.done $0x0  }
0x7c: {  	s0 =	simm.s32 $0x0;
	[sflag:s21] =	ssyncadd.s32 $0xFFFFC000  }
0x7d: {  	[tilespmem:s0], [sflag:$0x3] =	stream.linear.gather [hbm4b:s12+s0], $0x1400, $0x38;
	[tilespmem:$0x1E800] =	vst v63  }
0x7e: {  	_ =	swait.ge [sflag:s21], $0x1400  }
0x7f: {  	[sflag:s21] =	ssyncset.done $0x0  }
0x80: {  	[sflag:s21] =	ssyncadd.s32 $0xFFFFEC00  }
0x81: {  	[tilespmem:s22], [sflag:$0x3] =	stream.linear.gather [hbm4b:s13+s0], $0x1400, $0x38;
	[tilespmem:$0x1E800] =	vst v63  }
0x82: {  	_ =	swait.ge [sflag:s21], $0x1400  }
0x83: {  	[sflag:s21] =	ssyncset.done $0x0  }
0x84: {  	[sflag:s21] =	ssyncadd.s32 $0xFFFFEC00  }
0x85: {  	[tilespmem:s20], [sflag:$0x1] =	stream.indirect.gather [hbm4b:s4+s23], $0x80, s0, s23, $0xb8;
	[tilespmem:$0x1E800] =	vst v63  }
0x86: {  	_ =	swait.ge [sflag:s24], $0x4000  }
0x87: {  	[sflag:s24] =	ssyncset.done $0x0  }
0x88: {  	s3 =	simm.s32 $0x80;
	[sflag:s24] =	ssyncadd.s32 $0xFFFFC000  }
0x89: {  	[tilespmem:s25], [sflag:$0x2] =	stream.indirect.gather [hbm4b:s4+s23], $0x80, s3, s23, $0xb8;
	[tilespmem:$0x1E800] =	vst v63  }
0x8a: {  	s3 =	simm.s32 $0x1400  }
0x8b: {  	[spmem:s1] =	stream.indirect.scatter.add.f32 [tilespmem:s20], [sflag:$0x3], $0x80, s3, s23, $0xb8;
	[tilespmem:$0x1E800] =	vst v63  }
0x8c: {  	_ =	swait.ge [sflag:s21], $0x4000  }
0x8d: {  	[sflag:s21] =	ssyncset.done $0x0  }
0x8e: {  	[sflag:s21] =	ssyncadd.s32 $0xFFFFC000  }
0x8f: {  	_ =	swait.ge [sflag:s26], $0x4000  }
0x90: {  	[sflag:s26] =	ssyncset.done $0x0  }
0x91: {  	s3 =	simm.s32 $0x100;
	[sflag:s26] =	ssyncadd.s32 $0xFFFFC000  }
0x92: {  	[tilespmem:s20], [sflag:$0x1] =	stream.indirect.gather [hbm4b:s4+s23], $0x80, s3, s23, $0xb8;
	[tilespmem:$0x1E800] =	vst v63  }
0x93: {  	s3 =	simm.s32 $0x1480  }
0x94: {  	[spmem:s1] =	stream.indirect.scatter.add.f32 [tilespmem:s25], [sflag:$0x3], $0x80, s3, s23, $0xb8;
	[tilespmem:$0x1E800] =	vst v63  }
0x95: {  	_ =	swait.ge [sflag:s21], $0x4000  }
0x96: {  	s31 =	simm.s32 $0x400;
	[sflag:s21] =	ssyncset.done $0x0  }
.LBB2_6:
0x97: {  	p0 =	sne.s32 s31, $0x4800  }
0x98: {  	[sflag:s21] =	ssyncadd.s32 $0xFFFFC000;
	s0 =	smov.u32 s31;
	s31 =	sadd.s32 $0x400, s31  }
0x99: {  	_ = 	snop  }
0x9a: {  	_ =	swait.ge [sflag:s24], $0x4000  }
0x9b: {  	s0 =	sshra.s32 s0, $0x2;
	[sflag:s24] =	ssyncset.done $0x0  }
0x9c: {  	s3 =	sadd.s32 $0x80, s0;
	[sflag:s24] =	ssyncadd.s32 $0xFFFFC000  }
0x9d: {  	[tilespmem:s25], [sflag:$0x2] =	stream.indirect.gather [hbm4b:s4+s23], $0x80, s3, s23, $0xb8;
	[tilespmem:$0x1E800] =	vst v63  }
0x9e: {  	s3 =	sadd.s32 $0x1400, s0  }
0x9f: {  	[spmem:s1] =	stream.indirect.scatter.add.f32 [tilespmem:s20], [sflag:$0x3], $0x80, s3, s23, $0xb8;
	[tilespmem:$0x1E800] =	vst v63  }
0xa0: {  	_ =	swait.ge [sflag:s21], $0x4000  }
0xa1: {  	[sflag:s21] =	ssyncset.done $0x0  }
0xa2: {  	[sflag:s21] =	ssyncadd.s32 $0xFFFFC000  }
0xa3: {  	_ =	swait.ge [sflag:s26], $0x4000  }
0xa4: {  	[sflag:s26] =	ssyncset.done $0x0  }
0xa5: {  	s3 =	sadd.s32 $0x100, s0;
	[sflag:s26] =	ssyncadd.s32 $0xFFFFC000  }
0xa6: {  	[tilespmem:s20], [sflag:$0x1] =	stream.indirect.gather [hbm4b:s4+s23], $0x80, s3, s23, $0xb8;
	[tilespmem:$0x1E800] =	vst v63  }
.Ltmp2:
0xa7: {  	_ = 	snop;
	(pc) =	sbr.rel @p0 .LBB2_6-.Ltmp2, $4  }
0xa8: {  	s0 =	sadd.s32 $0x1480, s0  }
0xa9: {  	[spmem:s1] =	stream.indirect.scatter.add.f32 [tilespmem:s25], [sflag:$0x3], $0x80, s0, s23, $0xb8;
	[tilespmem:$0x1E800] =	vst v63  }
0xaa: {  	_ =	swait.ge [sflag:s21], $0x4000  }
0xab: {  	[sflag:s21] =	ssyncset.done $0x0  }
0xac: {  	[sflag:s21] =	ssyncadd.s32 $0xFFFFC000  }
0xad: {  	_ =	swait.ge [sflag:s24], $0x4000  }
0xae: {  	[sflag:s24] =	ssyncset.done $0x0  }
0xaf: {  	[sflag:s24] =	ssyncadd.s32 $0xFFFFC000  }
0xb0: {  	[tilespmem:s25], [sflag:$0x2] =	stream.indirect.gather [hbm4b:s4+s23], $0x80, s28, s23, $0xb8;
	[tilespmem:$0x1E800] =	vst v63  }
0xb1: {  	_ = 	snop  }
0xb2: {  	[spmem:s1] =	stream.indirect.scatter.add.f32 [tilespmem:s20], [sflag:$0x3], $0x80, s29, s23, $0xb8;
	[tilespmem:$0x1E800] =	vst v63  }
0xb3: {  	_ =	swait.ge [sflag:s21], $0x4000  }
0xb4: {  	[sflag:s21] =	ssyncset.done $0x0  }
0xb5: {  	[sflag:s21] =	ssyncadd.s32 $0xFFFFC000  }
0xb6: {  	_ =	swait.ge [sflag:s26], $0x4000  }
0xb7: {  	[sflag:s26] =	ssyncset.done $0x0  }
0xb8: {  	[sflag:s26] =	ssyncadd.s32 $0xFFFFC000  }
0xb9: {  	[spmem:s1] =	stream.indirect.scatter.add.f32 [tilespmem:s25], [sflag:$0x3], $0x80, s30, s23, $0xb8;
	[tilespmem:$0x1E800] =	vst v63  }
0xba: {  	_ =	swait.ge [sflag:s21], $0x4000  }
0xbb: {  	s0 =	stileid.u32;
	[sflag:s21] =	ssyncset.done $0x0  }
0xbc: {  	s0 =	sshll.u32 s0, $0x6;
	[sflag:s21] =	ssyncadd.s32 $0xFFFFC000  }
0xbd: {  	s3 =	sshrl.u32 s5, $0x3;
	s0 =	sor.u32 $0x1C03, s0;
	[bflag:$0x0] =	sbarrier.arrive $0xFFFF  }
0xbe: {  	[hbm:s14], [sflag:s0] =	dma.local [spmem:s3], $0x800  }
0xbf: {  	_ =	swait.ge [sflag:s21], $0x800  }
0xc0: {  	[sflag:s21] =	ssyncset.done $0x0  }
0xc1: {  	s31 =	sshrl.u32 s6, $0x3;
	[sflag:s21] =	ssyncadd.s32 $0xFFFFF800  }
0xc2: {  	[hbm:s15], [sflag:s0] =	dma.local [spmem:s31], $0x800  }
0xc3: {  	_ =	swait.ge [sflag:s21], $0x800  }
0xc4: {  	[sflag:s21] =	ssyncset.done $0x0  }
0xc5: {  	s31 =	sshrl.u32 s7, $0x3;
	[sflag:s21] =	ssyncadd.s32 $0xFFFFF800  }
0xc6: {  	[hbm:s16], [sflag:s0] =	dma.local [spmem:s31], $0x800  }
0xc7: {  	_ =	swait.ge [sflag:s21], $0x800  }
0xc8: {  	[sflag:s21] =	ssyncset.done $0x0  }
0xc9: {  	s31 =	sshrl.u32 s8, $0x3;
	[sflag:s21] =	ssyncadd.s32 $0xFFFFF800  }
0xca: {  	[hbm:s17], [sflag:s0] =	dma.local [spmem:s31], $0x800  }
0xcb: {  	s2 =	sadd.s32 $0x1, s2;
	_ =	swait.ge [sflag:s21], $0x800  }
0xcc: {  	p0 =	sne.s32 s2, s19;
	[sflag:s21] =	ssyncset.done $0x0  }
.Ltmp3:
0xcd: {  	s31 =	sshrl.u32 s10, $0x3;
	[sflag:s21] =	ssyncadd.s32 $0xFFFFF800;
	(pc) =	sbr.rel @p0 .LBB2_1-.Ltmp3, $4  }
0xce: {  	[hbm:s18], [sflag:s0] =	dma.local [spmem:s31], $0x800  }
0xcf: {  	_ =	swait.ge [sflag:s21], $0x800  }
0xd0: {  	[sflag:s21] =	ssyncset.done $0x0  }
0xd1: {  	[sflag:s21] =	ssyncadd.s32 $0xFFFFF800  }
0xd2: {  	_ =	sfence.sel $0x180000  }
0xd3: {  	[bflag:$0x0] =	sbarrier.arrive $0xFFFF  }
0xd4: {  	_ =	strace $0x9000004D  }
0xd5: {  	s0 =	stileid.u32;
	[bflag:$0x2] =	sbarrier.arrive $0xFFFF  }
0xd6: {  	p0 =	sne.s32 s0, $0x0;
	s0 =	rddreg [dreg:$0x3]  }
0xd7: {  	s0 =	sadd.s32 @!p0 $0x100000, s0  }
0xd8: {  	[sflag:s0] =	ssyncadd.tile.s32 @!p0 $0x1;
	_ =	shalt  }
.Lfunc_end2:
_tile_overlayer_lowered:
.L_overlay_start_2:
0xd9: {  	(tag) =	ssettag $0x2  }
0xda: {  	s0 =	rddreg [dreg:$0x0];
	s2 =	stileid.u32  }
0xdb: {  	s1 =	rddreg [dreg:$0x1];
	p0 =	sne.s32 s2, $0x0  }
0xdc: {  	s3 =	rddreg [dreg:$0x2];
	[bflag:$0x3] =	sbarrier.arrive $0xFFFF;
	s2 =	simm.s32 @!p0 $0x1C03  }
0xdd: {  	[timem:s3], [sflag:s2] =	dma.local @!p0 [hbm:s0], s1  }
0xde: {  	s0 =	simm.s32 @!p0 $0x3  }
0xdf: {  	_ =	swait.ge @!p0 [sflag:s0], s1  }
0xe0: {  	s1 =	ssub.s32 @!p0 $0x0, s1;
	[sflag:s0] =	ssyncset.done @!p0 $0x0  }
0xe1: {  	[sflag:s0] =	ssyncadd.s32 @!p0 s1  }
0xe2: {  	[bflag:$0x3] =	sbarrier.arrive $0xFFFF  }
0xe3: {  	_ =	shalt  }

</sc_bundles>
